<compile_context>
chip_gen: v7x
topology: tpu7x:2x2x1
jax: 0.10.2.dev20260603
libtpu: 0.0.44.dev20260713+nightly
codegen_flags: <defaults>
</compile_context>

<pallas_src>
import functools

import jax
import jax.numpy as jnp
from jax import lax
from jax.experimental import pallas as pl
from jax.experimental.pallas import tpu as pltpu
from jax.experimental.pallas import tpu_sc as plsc

_N = 10000
_E = 320000
_D = 128
_H = 8
_DH = 16
_R = 4
_OUT = 64
_SLOPE = 0.2
_EPS = 1e-9

_NC = 2
_NS = 16
_HD = _D // _NC
_EPW = _E // _NS
_SW = 80
_SS = 5
_B = _SW * _SS
_CHUNKS = _EPW // _B
_RPT = 624
_TAIL = _N - _RPT * _NS
_ZR = 208


def _proj_body(h_ref, w_ref, g_ref):
    g_ref[...] = jnp.dot(h_ref[...], w_ref[...],
                         preferred_element_type=jnp.float32)


def _project(h, wbig):
    return pl.pallas_call(
        _proj_body,
        out_shape=jax.ShapeDtypeStruct((_N, 2 * _D), jnp.float32),
    )(h, wbig)


def _edge_body(src_hbm, dst_hbm, attr_hbm, qt_hbm, kt_hbm, v0_hbm, v1_hbm,
               u_out, s_out,
               srcv, dstv, attrv, idxq, idxk,
               qrows, krows, exrows, vrows, zbuf, sbuf, sem,
               u_sh, s_sh):
    cid = lax.axis_index("c")
    sid = lax.axis_index("s")
    base_n = sid * _RPT

    def _zb(i, _):
        for j in range(_HD // 16):
            zbuf[i, pl.ds(j * 16, 16)] = jnp.zeros((16,), jnp.float32)
        return 0
    lax.fori_loop(0, _ZR, _zb, 0)

    def _sb(i, _):
        sbuf[i] = jnp.zeros((16,), jnp.float32)
        return 0
    lax.fori_loop(0, _RPT, _sb, 0)

    for jj in range(_RPT // _ZR):
        pltpu.sync_copy(zbuf, u_sh.at[pl.ds(base_n + jj * _ZR, _ZR)])
    pltpu.sync_copy(sbuf, s_sh.at[pl.ds(base_n, _RPT)])

    @pl.when(sid == _NS - 1)
    def _zero_tail():
        pltpu.sync_copy(zbuf.at[pl.ds(0, _TAIL)],
                        u_sh.at[pl.ds(_RPT * _NS, _TAIL)])
        pltpu.sync_copy(sbuf.at[pl.ds(0, _TAIL)],
                        s_sh.at[pl.ds(_RPT * _NS, _TAIL)])

    plsc.subcore_barrier()

    def _chunk(g, _):
        rb = sid * (_EPW // _SW) + g * _SS
        c1 = pltpu.async_copy(src_hbm.at[pl.ds(rb, _SS)], srcv, sem)
        c2 = pltpu.async_copy(dst_hbm.at[pl.ds(rb, _SS)], dstv, sem)
        c3 = pltpu.async_copy(attr_hbm.at[pl.ds(rb, _SS)], attrv, sem)
        c1.wait(); c2.wait(); c3.wait()

        for j in range(_SS):
            for i in range(_SW // 16):
                sl = pl.ds(i * 16, 16)
                idxq[j, sl] = dstv[j, sl] * _R + attrv[j, sl]
                idxk[j, sl] = srcv[j, sl] * _R + attrv[j, sl]

        gs = []
        for j in range(_SS):
            rows = pl.ds(j * _SW, _SW)
            gs.append(pltpu.async_copy(qt_hbm.at[idxq.at[j]], qrows.at[rows], sem))
            gs.append(pltpu.async_copy(kt_hbm.at[idxk.at[j]], krows.at[rows], sem))

        @pl.when(cid == 0)
        def _gv0():
            hs = [pltpu.async_copy(v0_hbm.at[srcv.at[j]],
                                   vrows.at[pl.ds(j * _SW, _SW)], sem)
                  for j in range(_SS)]
            for h_ in hs:
                h_.wait()

        @pl.when(cid == 1)
        def _gv1():
            hs = [pltpu.async_copy(v1_hbm.at[srcv.at[j]],
                                   vrows.at[pl.ds(j * _SW, _SW)], sem)
                  for j in range(_SS)]
            for h_ in hs:
                h_.wait()

        for g_ in gs:
            g_.wait()

        def _ex(b, _):
            e = qrows[b] + krows[b]
            e = jnp.where(e >= 0.0, e, e * _SLOPE)
            exrows[b] = jnp.exp(e)
            return 0
        lax.fori_loop(0, _B, _ex, 0)

        ss = [pltpu.async_copy(exrows.at[pl.ds(j * _SW, _SW)],
                               s_sh.at[dstv.at[j]], sem, add=True)
              for j in range(_SS)]

        def _mk_msg(lane0):
            def _msg(b, _):
                ex = exrows[b]
                for hh in range(_H // _NC):
                    sl = pl.ds(hh * _DH, _DH)
                    vrows[b, sl] = vrows[b, sl] * ex[lane0 + hh]
                return 0
            return _msg

        @pl.when(cid == 0)
        def _m0():
            lax.fori_loop(0, _B, _mk_msg(0), 0)

        @pl.when(cid == 1)
        def _m1():
            lax.fori_loop(0, _B, _mk_msg(_H // _NC), 0)

        ss.extend(pltpu.async_copy(vrows.at[pl.ds(j * _SW, _SW)],
                                   u_sh.at[dstv.at[j]], sem, add=True)
                  for j in range(_SS))
        for s_ in ss:
            s_.wait()
        return 0

    lax.fori_loop(0, _CHUNKS, _chunk, 0)
    plsc.subcore_barrier()

    for jj in range(_RPT // _ZR):
        rb = base_n + jj * _ZR
        pltpu.sync_copy(u_sh.at[pl.ds(rb, _ZR)], zbuf)
        pltpu.sync_copy(zbuf, u_out.at[pl.ds(cid * _N + rb, _ZR)])
    pltpu.sync_copy(s_sh.at[pl.ds(base_n, _RPT)], sbuf)
    pltpu.sync_copy(sbuf, s_out.at[pl.ds(cid * _N + base_n, _RPT)])

    @pl.when(sid == _NS - 1)
    def _dump_tail():
        tb = _RPT * _NS
        pltpu.sync_copy(u_sh.at[pl.ds(tb, _TAIL)], zbuf.at[pl.ds(0, _TAIL)])
        pltpu.sync_copy(zbuf.at[pl.ds(0, _TAIL)],
                        u_out.at[pl.ds(cid * _N + tb, _TAIL)])
        pltpu.sync_copy(s_sh.at[pl.ds(tb, _TAIL)], sbuf.at[pl.ds(0, _TAIL)])
        pltpu.sync_copy(sbuf.at[pl.ds(0, _TAIL)],
                        s_out.at[pl.ds(cid * _N + tb, _TAIL)])


_edge_kernel = functools.partial(
    pl.kernel,
    out_type=[
        jax.ShapeDtypeStruct((_NC * _N, _HD), jnp.float32),
        jax.ShapeDtypeStruct((_NC * _N, 16), jnp.float32),
    ],
    mesh=plsc.VectorSubcoreMesh(core_axis_name="c", subcore_axis_name="s"),
    compiler_params=pltpu.CompilerParams(use_tc_tiling_on_sc=False),
    scratch_types=[
        pltpu.VMEM((_SS, _SW), jnp.int32),
        pltpu.VMEM((_SS, _SW), jnp.int32),
        pltpu.VMEM((_SS, _SW), jnp.int32),
        pltpu.VMEM((_SS, _SW), jnp.int32),
        pltpu.VMEM((_SS, _SW), jnp.int32),
        pltpu.VMEM((_B, 16), jnp.float32),
        pltpu.VMEM((_B, 16), jnp.float32),
        pltpu.VMEM((_B, 16), jnp.float32),
        pltpu.VMEM((_B, _HD), jnp.float32),
        pltpu.VMEM((_ZR, _HD), jnp.float32),
        pltpu.VMEM((_RPT, 16), jnp.float32),
        pltpu.SemaphoreType.DMA,
        pltpu.VMEM_SHARED((_N, _HD), jnp.float32),
        pltpu.VMEM_SHARED((_N, 16), jnp.float32),
    ],
)(_edge_body)


def _final_body(u_ref, s_ref, h_ref, wo_ref, wp_ref, m_ref, o_ref):
    u = jnp.concatenate([u_ref[: _N], u_ref[_N:]], axis=1)
    s = s_ref[: _N]
    denom = jnp.dot(s[:, :_H], m_ref[...],
                    preferred_element_type=jnp.float32) + _EPS
    agg = u / denom
    w1 = jnp.dot(wo_ref[...], wp_ref[...], preferred_element_type=jnp.float32)
    o_ref[...] = (jnp.dot(agg, w1, preferred_element_type=jnp.float32)
                  + jnp.dot(h_ref[...], wp_ref[...],
                            preferred_element_type=jnp.float32))


def _finalize(u, s, h, wo, wp, m):
    return pl.pallas_call(
        _final_body,
        out_shape=jax.ShapeDtypeStruct((_N, _OUT), jnp.float32),
    )(u, s, h, wo, wp, m)


def kernel(emb, edge_index, edge_attr, node_type, local_node_idx,
           Wq, Wk, Wv, a_rel, Wo, Wproj):
    f32 = jnp.float32
    h = jnp.take(emb, local_node_idx, axis=0)

    aq = jnp.einsum('dhe,rhe->drh', Wq.reshape(_D, _H, _DH), a_rel)
    ak = jnp.einsum('dhe,rhe->drh', Wk.reshape(_D, _H, _DH), a_rel)
    pad = jnp.zeros((_D, _R, 16 - _H), f32)
    wqa = jnp.concatenate([aq, pad], axis=-1).reshape(_D, _R * 16)
    wka = jnp.concatenate([ak, pad], axis=-1).reshape(_D, _R * 16)
    wbig = jnp.concatenate([Wv, wqa, wka], axis=1)

    g = _project(h, wbig)
    v_tab = g[:, :_D]
    qt = g[:, _D:_D + 64].reshape(_N * _R, 16)
    kt = g[:, _D + 64:].reshape(_N * _R, 16)

    src = edge_index[0].reshape(_E // _SW, _SW)
    dst = edge_index[1].reshape(_E // _SW, _SW)
    attr2 = edge_attr.reshape(_E // _SW, _SW)
    v0 = v_tab[:, :_HD]
    v1 = v_tab[:, _HD:]
    u, s = _edge_kernel(src, dst, attr2, qt, kt, v0, v1)

    m = jnp.kron(jnp.eye(_H, dtype=f32), jnp.ones((1, _DH), f32))
    return _finalize(u, s, h, Wo, Wproj, m)

# --- scband reference (transcript-rebuilt; emitter-appended) ---
"""Pipeline reference for scband-hcan-49520972923303 (READ-ONLY COPY).

The authoritative reference and input builder live on the scoring server;
editing this copy changes nothing except your own understanding.
"""

import jax, jax.numpy as jnp
import numpy as np

N = 10000
E = 320000
D = 128
H = 8
DH = 16
R = 4
OUT = 64
NEG_SLOPE = 0.2


def setup_inputs(seed: int = 0) -> dict:
    key = jax.random.key(seed)
    ks = jax.random.split(key, 10)
    gain = np.sqrt(2.0)
    emb = jax.random.normal(ks[0], (N, D), dtype=jnp.float32) * (gain / np.sqrt(D))
    edge_index = jax.random.randint(ks[1], (2, E), 0, N, dtype=jnp.int32)
    edge_attr = jax.random.randint(ks[2], (E,), 0, R, dtype=jnp.int32)
    node_type = jnp.zeros((N,), dtype=jnp.int32)
    local_node_idx = jnp.arange(N, dtype=jnp.int32)
    Wq = jax.random.normal(ks[3], (D, D), dtype=jnp.float32) * (1.0 / np.sqrt(D))
    Wk = jax.random.normal(ks[4], (D, D), dtype=jnp.float32) * (1.0 / np.sqrt(D))
    Wv = jax.random.normal(ks[5], (D, D), dtype=jnp.float32) * (1.0 / np.sqrt(D))
    a_rel = jax.random.normal(ks[6], (R, H, DH), dtype=jnp.float32) * 0.1
    Wo = jax.random.normal(ks[7], (D, D), dtype=jnp.float32) * (1.0 / np.sqrt(D))
    Wproj = jax.random.normal(ks[8], (D, OUT), dtype=jnp.float32) * (gain / np.sqrt(D))
    return {
        'emb': emb,
        'edge_index': edge_index,
        'edge_attr': edge_attr,
        'node_type': node_type,
        'local_node_idx': local_node_idx,
        'Wq': Wq,
        'Wk': Wk,
        'Wv': Wv,
        'a_rel': a_rel,
        'Wo': Wo,
        'Wproj': Wproj,
    }


def reference(emb, edge_index, edge_attr, node_type, local_node_idx, Wq, Wk, Wv, a_rel, Wo, Wproj):
    # group_input: all nodes are type 0 and come from the learned embedding table
    h = jnp.take(emb, local_node_idx, axis=0)  # [N, D] embedding gather
    src = edge_index[0]
    dst = edge_index[1]
    # HCANLayer (L=1): relation-aware multi-head graph attention
    q = (h @ Wq).reshape(N, H, DH)
    k = (h @ Wk).reshape(N, H, DH)
    v = (h @ Wv).reshape(N, H, DH)
    a_e = jnp.take(a_rel, edge_attr, axis=0)  # [E, H, DH] relation-specific attention vectors
    q_dst = jnp.take(q, dst, axis=0)          # [E, H, DH] gather
    k_src = jnp.take(k, src, axis=0)          # [E, H, DH] gather
    e = jnp.sum((q_dst + k_src) * a_e, axis=-1)  # [E, H]
    e = jax.nn.leaky_relu(e, negative_slope=NEG_SLOPE)
    # segment softmax over incoming edges per destination node
    m = jax.ops.segment_max(e, dst, num_segments=N)  # [N, H]
    m = jnp.where(jnp.isfinite(m), m, 0.0)
    ex = jnp.exp(e - jnp.take(m, dst, axis=0))
    s = jax.ops.segment_sum(ex, dst, num_segments=N)  # [N, H]
    alpha = ex / (jnp.take(s, dst, axis=0) + 1e-9)    # [E, H]
    msg = alpha[:, :, None] * jnp.take(v, src, axis=0)  # [E, H, DH]
    out = jax.ops.segment_sum(msg, dst, num_segments=N).reshape(N, D)  # scatter-add
    out = out @ Wo + h  # output projection + residual
    # decoder == 'proj'
    return out @ Wproj  # [N, OUT]

if __name__ == "__main__":
    import jax
    _d = setup_inputs()
    print(jax.jit(kernel)(*tuple(_d.values())))

</pallas_src>

<mosaic_0001>
#map = affine_map<(d0, d1) -> (0, 0)>
module attributes {stable_mosaic.version = 14 : i64} {
  func.func @_edge_body(%arg0: i32, %arg1: i32, %arg2: memref<4000x80xi32, #tpu.memory_space<hbm>>, %arg3: memref<4000x80xi32, #tpu.memory_space<hbm>>, %arg4: memref<4000x80xi32, #tpu.memory_space<hbm>>, %arg5: memref<40000x16xf32, #tpu.memory_space<hbm>>, %arg6: memref<40000x16xf32, #tpu.memory_space<hbm>>, %arg7: memref<10000x64xf32, #tpu.memory_space<hbm>>, %arg8: memref<10000x64xf32, #tpu.memory_space<hbm>>, %arg9: memref<20000x64xf32, #tpu.memory_space<hbm>>, %arg10: memref<20000x16xf32, #tpu.memory_space<hbm>>, %arg11: memref<5x80xi32, #tpu.memory_space<vmem>>, %arg12: memref<5x80xi32, #tpu.memory_space<vmem>>, %arg13: memref<5x80xi32, #tpu.memory_space<vmem>>, %arg14: memref<5x80xi32, #tpu.memory_space<vmem>>, %arg15: memref<5x80xi32, #tpu.memory_space<vmem>>, %arg16: memref<400x16xf32, #tpu.memory_space<vmem>>, %arg17: memref<400x16xf32, #tpu.memory_space<vmem>>, %arg18: memref<400x16xf32, #tpu.memory_space<vmem>>, %arg19: memref<400x64xf32, #tpu.memory_space<vmem>>, %arg20: memref<208x64xf32, #tpu.memory_space<vmem>>, %arg21: memref<624x16xf32, #tpu.memory_space<vmem>>, %arg22: memref<!tpu.dma_semaphore, #tpu.memory_space<semaphore_mem>>, %arg23: memref<10000x64xf32, #tpu.memory_space<vmem_shared>>, %arg24: memref<10000x16xf32, #tpu.memory_space<vmem_shared>>) attributes {dimension_semantics = [#tpu.dimension_semantics<core_parallel>, #tpu.dimension_semantics<subcore_parallel>], iteration_bounds = array<i64: 2, 16>, scalar_prefetch = 0 : i64, scratch_operands = 14 : i64, tpu.core_type = #tpu.core_type<sc_vector_subcore>, window_params = [{transform_indices = #map}, {transform_indices = #map}, {transform_indices = #map}, {transform_indices = #map}, {transform_indices = #map}, {transform_indices = #map}, {transform_indices = #map}, {transform_indices = #map}, {transform_indices = #map}]} {
    %mul3A = arith.constant 624 : i32
    %mul3A_0 = arith.muli %arg1, %mul3A : i32
    %scan3A = arith.constant 0 : i32
    %scan3A_1 = arith.constant 0 : i32
    %scan3A_2 = arith.constant 208 : i32
    %scan3A_3 = arith.addi %scan3A_1, %scan3A_2 : i32
    %scan3A_4 = arith.constant 1 : i32
    %scan3A_5 = scf.for %scan3A_52 = %scan3A_1 to %scan3A_3 step %scan3A_4 iter_args(%scan3A_53 = %scan3A) -> (i32)  : i32 {
      %broadcast_in_dim3A = arith.constant 0.000000e+00 : f32
      %broadcast_in_dim3A_54 = vector.broadcast %broadcast_in_dim3A : f32 to vector<16xf32>
      %swap3A = arith.index_cast %scan3A_52 : i32 to index
      %swap3A_55 = arith.constant 0 : index
      %swap3A_56 = tpu.vector_load %arg20[%swap3A, %swap3A_55] {strides = array<i32>} : memref<208x64xf32, #tpu.memory_space<vmem>>, vector<1x16xf32>,
      %swap3A_57 = vector.shape_cast %swap3A_56 : vector<1x16xf32> to vector<16xf32>
      %swap3A_58 = vector.shape_cast %broadcast_in_dim3A_54 : vector<16xf32> to vector<1x16xf32>
      tpu.vector_store %arg20[%swap3A, %swap3A_55], %swap3A_58 {strides = array<i32>} : memref<208x64xf32, #tpu.memory_space<vmem>>, vector<1x16xf32>,
      %broadcast_in_dim3A_59 = arith.constant 0.000000e+00 : f32
      %broadcast_in_dim3A_60 = vector.broadcast %broadcast_in_dim3A_59 : f32 to vector<16xf32>
      %swap3A_61 = arith.index_cast %scan3A_52 : i32 to index
      %swap3A_62 = arith.constant 16 : index
      %swap3A_63 = tpu.vector_load %arg20[%swap3A_61, %swap3A_62] {strides = array<i32>} : memref<208x64xf32, #tpu.memory_space<vmem>>, vector<1x16xf32>,
      %swap3A_64 = vector.shape_cast %swap3A_63 : vector<1x16xf32> to vector<16xf32>
      %swap3A_65 = vector.shape_cast %broadcast_in_dim3A_60 : vector<16xf32> to vector<1x16xf32>
      tpu.vector_store %arg20[%swap3A_61, %swap3A_62], %swap3A_65 {strides = array<i32>} : memref<208x64xf32, #tpu.memory_space<vmem>>, vector<1x16xf32>,
      %broadcast_in_dim3A_66 = arith.constant 0.000000e+00 : f32
      %broadcast_in_dim3A_67 = vector.broadcast %broadcast_in_dim3A_66 : f32 to vector<16xf32>
      %swap3A_68 = arith.index_cast %scan3A_52 : i32 to index
      %swap3A_69 = arith.constant 32 : index
      %swap3A_70 = tpu.vector_load %arg20[%swap3A_68, %swap3A_69] {strides = array<i32>} : memref<208x64xf32, #tpu.memory_space<vmem>>, vector<1x16xf32>,
      %swap3A_71 = vector.shape_cast %swap3A_70 : vector<1x16xf32> to vector<16xf32>
      %swap3A_72 = vector.shape_cast %broadcast_in_dim3A_67 : vector<16xf32> to vector<1x16xf32>
      tpu.vector_store %arg20[%swap3A_68, %swap3A_69], %swap3A_72 {strides = array<i32>} : memref<208x64xf32, #tpu.memory_space<vmem>>, vector<1x16xf32>,
      %broadcast_in_dim3A_73 = arith.constant 0.000000e+00 : f32
      %broadcast_in_dim3A_74 = vector.broadcast %broadcast_in_dim3A_73 : f32 to vector<16xf32>
      %swap3A_75 = arith.index_cast %scan3A_52 : i32 to index
      %swap3A_76 = arith.constant 48 : index
      %swap3A_77 = tpu.vector_load %arg20[%swap3A_75, %swap3A_76] {strides = array<i32>} : memref<208x64xf32, #tpu.memory_space<vmem>>, vector<1x16xf32>,
      %swap3A_78 = vector.shape_cast %swap3A_77 : vector<1x16xf32> to vector<16xf32>
      %swap3A_79 = vector.shape_cast %broadcast_in_dim3A_74 : vector<16xf32> to vector<1x16xf32>
      tpu.vector_store %arg20[%swap3A_75, %swap3A_76], %swap3A_79 {strides = array<i32>} : memref<208x64xf32, #tpu.memory_space<vmem>>, vector<1x16xf32>,
      %scan3A_80 = arith.constant 0 : i32
      scf.yield %scan3A_80 : i32
    }
    %scan3A_6 = arith.constant 208 : i32
    %scan3A_7 = arith.constant 0 : i32
    %scan3A_8 = arith.constant 0 : i32
    %scan3A_9 = arith.constant 624 : i32
    %scan3A_10 = arith.addi %scan3A_8, %scan3A_9 : i32
    %scan3A_11 = arith.constant 1 : i32
    %scan3A_12 = scf.for %scan3A_52 = %scan3A_8 to %scan3A_10 step %scan3A_11 iter_args(%scan3A_53 = %scan3A_7) -> (i32)  : i32 {
      %broadcast_in_dim3A = arith.constant 0.000000e+00 : f32
      %broadcast_in_dim3A_54 = vector.broadcast %broadcast_in_dim3A : f32 to vector<16xf32>
      %swap3A = arith.index_cast %scan3A_52 : i32 to index
      %swap3A_55 = arith.constant 0 : index
      %swap3A_56 = tpu.vector_load %arg21[%swap3A, %swap3A_55] {strides = array<i32>} : memref<624x16xf32, #tpu.memory_space<vmem>>, vector<1x16xf32>,
      %swap3A_57 = vector.shape_cast %swap3A_56 : vector<1x16xf32> to vector<16xf32>
      %swap3A_58 = vector.shape_cast %broadcast_in_dim3A_54 : vector<16xf32> to vector<1x16xf32>
      tpu.vector_store %arg21[%swap3A, %swap3A_55], %swap3A_58 {strides = array<i32>} : memref<624x16xf32, #tpu.memory_space<vmem>>, vector<1x16xf32>,
      %scan3A_59 = arith.constant 0 : i32
      scf.yield %scan3A_59 : i32
    }
    %scan3A_13 = arith.constant 624 : i32
    %add3A = arith.constant 0 : i32
    %add3A_14 = arith.addi %mul3A_0, %add3A : i32
    "tpu.region"() ({
      %run_scoped3A = tpu.sem_alloc : memref<!tpu.dma_semaphore, #tpu.memory_space<semaphore_mem>>
      %dma_start3A = arith.constant 0 : i32
      %dma_start3A_52 = tpu.memref_slice %arg23[%add3A_14, %dma_start3A] : memref<10000x64xf32, #tpu.memory_space<vmem_shared>> -> memref<208x64xf32, #tpu.memory_space<vmem_shared>>
      %dma_start3A_53 = arith.constant 0 : i32
      %dma_start3A_54 = tpu.memref_slice %arg23[%add3A_14, %dma_start3A_53] : memref<10000x64xf32, #tpu.memory_space<vmem_shared>> -> memref<208x64xf32, #tpu.memory_space<vmem_shared>>
      tpu.enqueue_dma source(%arg20 : memref<208x64xf32, #tpu.memory_space<vmem>>) target(%dma_start3A_54 : memref<208x64xf32, #tpu.memory_space<vmem_shared>>) target_semaphore(%run_scoped3A : memref<!tpu.dma_semaphore, #tpu.memory_space<semaphore_mem>>)
      %dma_wait3A = arith.constant 0 : i32
      %dma_wait3A_55 = tpu.memref_slice %arg23[%add3A_14, %dma_wait3A] : memref<10000x64xf32, #tpu.memory_space<vmem_shared>> -> memref<208x64xf32, #tpu.memory_space<vmem_shared>>
      %dma_wait3A_56 = arith.constant 0 : i32
      %dma_wait3A_57 = tpu.memref_slice %arg23[%add3A_14, %dma_wait3A_56] : memref<10000x64xf32, #tpu.memory_space<vmem_shared>> -> memref<208x64xf32, #tpu.memory_space<vmem_shared>>
      tpu.wait_dma2 semaphore(%run_scoped3A : memref<!tpu.dma_semaphore, #tpu.memory_space<semaphore_mem>>) src(%arg20 : memref<208x64xf32, #tpu.memory_space<vmem>>) dst(%dma_wait3A_57 : memref<208x64xf32, #tpu.memory_space<vmem_shared>>)
      tpu.yield
    }) : () -> ()
    %add3A_15 = arith.constant 208 : i32
    %add3A_16 = arith.addi %mul3A_0, %add3A_15 : i32
    "tpu.region"() ({
      %run_scoped3A = tpu.sem_alloc : memref<!tpu.dma_semaphore, #tpu.memory_space<semaphore_mem>>
      %dma_start3A = arith.constant 0 : i32
      %dma_start3A_52 = tpu.memref_slice %arg23[%add3A_16, %dma_start3A] : memref<10000x64xf32, #tpu.memory_space<vmem_shared>> -> memref<208x64xf32, #tpu.memory_space<vmem_shared>>
      %dma_start3A_53 = arith.constant 0 : i32
      %dma_start3A_54 = tpu.memref_slice %arg23[%add3A_16, %dma_start3A_53] : memref<10000x64xf32, #tpu.memory_space<vmem_shared>> -> memref<208x64xf32, #tpu.memory_space<vmem_shared>>
      tpu.enqueue_dma source(%arg20 : memref<208x64xf32, #tpu.memory_space<vmem>>) target(%dma_start3A_54 : memref<208x64xf32, #tpu.memory_space<vmem_shared>>) target_semaphore(%run_scoped3A : memref<!tpu.dma_semaphore, #tpu.memory_space<semaphore_mem>>)
      %dma_wait3A = arith.constant 0 : i32
      %dma_wait3A_55 = tpu.memref_slice %arg23[%add3A_16, %dma_wait3A] : memref<10000x64xf32, #tpu.memory_space<vmem_shared>> -> memref<208x64xf32, #tpu.memory_space<vmem_shared>>
      %dma_wait3A_56 = arith.constant 0 : i32
      %dma_wait3A_57 = tpu.memref_slice %arg23[%add3A_16, %dma_wait3A_56] : memref<10000x64xf32, #tpu.memory_space<vmem_shared>> -> memref<208x64xf32, #tpu.memory_space<vmem_shared>>
      tpu.wait_dma2 semaphore(%run_scoped3A : memref<!tpu.dma_semaphore, #tpu.memory_space<semaphore_mem>>) src(%arg20 : memref<208x64xf32, #tpu.memory_space<vmem>>) dst(%dma_wait3A_57 : memref<208x64xf32, #tpu.memory_space<vmem_shared>>)
      tpu.yield
    }) : () -> ()
    %add3A_17 = arith.constant 416 : i32
    %add3A_18 = arith.addi %mul3A_0, %add3A_17 : i32
    "tpu.region"() ({
      %run_scoped3A = tpu.sem_alloc : memref<!tpu.dma_semaphore, #tpu.memory_space<semaphore_mem>>
      %dma_start3A = arith.constant 0 : i32
      %dma_start3A_52 = tpu.memref_slice %arg23[%add3A_18, %dma_start3A] : memref<10000x64xf32, #tpu.memory_space<vmem_shared>> -> memref<208x64xf32, #tpu.memory_space<vmem_shared>>
      %dma_start3A_53 = arith.constant 0 : i32
      %dma_start3A_54 = tpu.memref_slice %arg23[%add3A_18, %dma_start3A_53] : memref<10000x64xf32, #tpu.memory_space<vmem_shared>> -> memref<208x64xf32, #tpu.memory_space<vmem_shared>>
      tpu.enqueue_dma source(%arg20 : memref<208x64xf32, #tpu.memory_space<vmem>>) target(%dma_start3A_54 : memref<208x64xf32, #tpu.memory_space<vmem_shared>>) target_semaphore(%run_scoped3A : memref<!tpu.dma_semaphore, #tpu.memory_space<semaphore_mem>>)
      %dma_wait3A = arith.constant 0 : i32
      %dma_wait3A_55 = tpu.memref_slice %arg23[%add3A_18, %dma_wait3A] : memref<10000x64xf32, #tpu.memory_space<vmem_shared>> -> memref<208x64xf32, #tpu.memory_space<vmem_shared>>
      %dma_wait3A_56 = arith.constant 0 : i32
      %dma_wait3A_57 = tpu.memref_slice %arg23[%add3A_18, %dma_wait3A_56] : memref<10000x64xf32, #tpu.memory_space<vmem_shared>> -> memref<208x64xf32, #tpu.memory_space<vmem_shared>>
      tpu.wait_dma2 semaphore(%run_scoped3A : memref<!tpu.dma_semaphore, #tpu.memory_space<semaphore_mem>>) src(%arg20 : memref<208x64xf32, #tpu.memory_space<vmem>>) dst(%dma_wait3A_57 : memref<208x64xf32, #tpu.memory_space<vmem_shared>>)
      tpu.yield
    }) : () -> ()
    "tpu.region"() ({
      %run_scoped3A = tpu.sem_alloc : memref<!tpu.dma_semaphore, #tpu.memory_space<semaphore_mem>>
      %dma_start3A = arith.constant 0 : i32
      %dma_start3A_52 = tpu.memref_slice %arg24[%mul3A_0, %dma_start3A] : memref<10000x16xf32, #tpu.memory_space<vmem_shared>> -> memref<624x16xf32, #tpu.memory_space<vmem_shared>>
      %dma_start3A_53 = arith.constant 0 : i32
      %dma_start3A_54 = tpu.memref_slice %arg24[%mul3A_0, %dma_start3A_53] : memref<10000x16xf32, #tpu.memory_space<vmem_shared>> -> memref<624x16xf32, #tpu.memory_space<vmem_shared>>
      tpu.enqueue_dma source(%arg21 : memref<624x16xf32, #tpu.memory_space<vmem>>) target(%dma_start3A_54 : memref<624x16xf32, #tpu.memory_space<vmem_shared>>) target_semaphore(%run_scoped3A : memref<!tpu.dma_semaphore, #tpu.memory_space<semaphore_mem>>)
      %dma_wait3A = arith.constant 0 : i32
      %dma_wait3A_55 = tpu.memref_slice %arg24[%mul3A_0, %dma_wait3A] : memref<10000x16xf32, #tpu.memory_space<vmem_shared>> -> memref<624x16xf32, #tpu.memory_space<vmem_shared>>
      %dma_wait3A_56 = arith.constant 0 : i32
      %dma_wait3A_57 = tpu.memref_slice %arg24[%mul3A_0, %dma_wait3A_56] : memref<10000x16xf32, #tpu.memory_space<vmem_shared>> -> memref<624x16xf32, #tpu.memory_space<vmem_shared>>
      tpu.wait_dma2 semaphore(%run_scoped3A : memref<!tpu.dma_semaphore, #tpu.memory_space<semaphore_mem>>) src(%arg21 : memref<624x16xf32, #tpu.memory_space<vmem>>) dst(%dma_wait3A_57 : memref<624x16xf32, #tpu.memory_space<vmem_shared>>)
      tpu.yield
    }) : () -> ()
    %eq3A = arith.constant 15 : i32
    %eq3A_19 = arith.cmpi eq, %arg1, %eq3A : i32
    %convert_element_type3A = arith.extui %eq3A_19 : i1 to i32
    %cond3A = arith.constant 0 : i32
    %cond3A_20 = arith.cmpi ne, %convert_element_type3A, %cond3A : i32
    scf.if %cond3A_20 {
      "tpu.region"() ({
        %run_scoped3A = tpu.sem_alloc : memref<!tpu.dma_semaphore, #tpu.memory_space<semaphore_mem>>
        %dma_start3A = arith.constant 0 : i32
        %dma_start3A_52 = arith.constant 0 : i32
        %dma_start3A_53 = tpu.memref_slice %arg20[%dma_start3A, %dma_start3A_52] : memref<208x64xf32, #tpu.memory_space<vmem>> -> memref<16x64xf32, #tpu.memory_space<vmem>>
        %dma_start3A_54 = arith.constant 9984 : i32
        %dma_start3A_55 = arith.constant 0 : i32
        %dma_start3A_56 = tpu.memref_slice %arg23[%dma_start3A_54, %dma_start3A_55] : memref<10000x64xf32, #tpu.memory_space<vmem_shared>> -> memref<16x64xf32, #tpu.memory_space<vmem_shared>>
        %dma_start3A_57 = arith.constant 9984 : i32
        %dma_start3A_58 = arith.constant 0 : i32
        %dma_start3A_59 = tpu.memref_slice %arg23[%dma_start3A_57, %dma_start3A_58] : memref<10000x64xf32, #tpu.memory_space<vmem_shared>> -> memref<16x64xf32, #tpu.memory_space<vmem_shared>>
        %dma_start3A_60 = arith.constant 0 : i32
        %dma_start3A_61 = arith.constant 0 : i32
        %dma_start3A_62 = tpu.memref_slice %arg20[%dma_start3A_60, %dma_start3A_61] : memref<208x64xf32, #tpu.memory_space<vmem>> -> memref<16x64xf32, #tpu.memory_space<vmem>>
        tpu.enqueue_dma source(%dma_start3A_62 : memref<16x64xf32, #tpu.memory_space<vmem>>) target(%dma_start3A_59 : memref<16x64xf32, #tpu.memory_space<vmem_shared>>) target_semaphore(%run_scoped3A : memref<!tpu.dma_semaphore, #tpu.memory_space<semaphore_mem>>)
        %dma_wait3A = arith.constant 0 : i32
        %dma_wait3A_63 = arith.constant 0 : i32
        %dma_wait3A_64 = tpu.memref_slice %arg20[%dma_wait3A, %dma_wait3A_63] : memref<208x64xf32, #tpu.memory_space<vmem>> -> memref<16x64xf32, #tpu.memory_space<vmem>>
        %dma_wait3A_65 = arith.constant 9984 : i32
        %dma_wait3A_66 = arith.constant 0 : i32
        %dma_wait3A_67 = tpu.memref_slice %arg23[%dma_wait3A_65, %dma_wait3A_66] : memref<10000x64xf32, #tpu.memory_space<vmem_shared>> -> memref<16x64xf32, #tpu.memory_space<vmem_shared>>
        %dma_wait3A_68 = arith.constant 9984 : i32
        %dma_wait3A_69 = arith.constant 0 : i32
        %dma_wait3A_70 = tpu.memref_slice %arg23[%dma_wait3A_68, %dma_wait3A_69] : memref<10000x64xf32, #tpu.memory_space<vmem_shared>> -> memref<16x64xf32, #tpu.memory_space<vmem_shared>>
        %dma_wait3A_71 = arith.constant 0 : i32
        %dma_wait3A_72 = arith.constant 0 : i32
        %dma_wait3A_73 = tpu.memref_slice %arg20[%dma_wait3A_71, %dma_wait3A_72] : memref<208x64xf32, #tpu.memory_space<vmem>> -> memref<16x64xf32, #tpu.memory_space<vmem>>
        tpu.wait_dma2 semaphore(%run_scoped3A : memref<!tpu.dma_semaphore, #tpu.memory_space<semaphore_mem>>) src(%dma_wait3A_73 : memref<16x64xf32, #tpu.memory_space<vmem>>) dst(%dma_wait3A_70 : memref<16x64xf32, #tpu.memory_space<vmem_shared>>)
        tpu.yield
      }) : () -> ()
      "tpu.region"() ({
        %run_scoped3A = tpu.sem_alloc : memref<!tpu.dma_semaphore, #tpu.memory_space<semaphore_mem>>
        %dma_start3A = arith.constant 0 : i32
        %dma_start3A_52 = arith.constant 0 : i32
        %dma_start3A_53 = tpu.memref_slice %arg21[%dma_start3A, %dma_start3A_52] : memref<624x16xf32, #tpu.memory_space<vmem>> -> memref<16x16xf32, #tpu.memory_space<vmem>>
        %dma_start3A_54 = arith.constant 9984 : i32
        %dma_start3A_55 = arith.constant 0 : i32
        %dma_start3A_56 = tpu.memref_slice %arg24[%dma_start3A_54, %dma_start3A_55] : memref<10000x16xf32, #tpu.memory_space<vmem_shared>> -> memref<16x16xf32, #tpu.memory_space<vmem_shared>>
        %dma_start3A_57 = arith.constant 9984 : i32
        %dma_start3A_58 = arith.constant 0 : i32
        %dma_start3A_59 = tpu.memref_slice %arg24[%dma_start3A_57, %dma_start3A_58] : memref<10000x16xf32, #tpu.memory_space<vmem_shared>> -> memref<16x16xf32, #tpu.memory_space<vmem_shared>>
        %dma_start3A_60 = arith.constant 0 : i32
        %dma_start3A_61 = arith.constant 0 : i32
        %dma_start3A_62 = tpu.memref_slice %arg21[%dma_start3A_60, %dma_start3A_61] : memref<624x16xf32, #tpu.memory_space<vmem>> -> memref<16x16xf32, #tpu.memory_space<vmem>>
        tpu.enqueue_dma source(%dma_start3A_62 : memref<16x16xf32, #tpu.memory_space<vmem>>) target(%dma_start3A_59 : memref<16x16xf32, #tpu.memory_space<vmem_shared>>) target_semaphore(%run_scoped3A : memref<!tpu.dma_semaphore, #tpu.memory_space<semaphore_mem>>)
        %dma_wait3A = arith.constant 0 : i32
        %dma_wait3A_63 = arith.constant 0 : i32
        %dma_wait3A_64 = tpu.memref_slice %arg21[%dma_wait3A, %dma_wait3A_63] : memref<624x16xf32, #tpu.memory_space<vmem>> -> memref<16x16xf32, #tpu.memory_space<vmem>>
        %dma_wait3A_65 = arith.constant 9984 : i32
        %dma_wait3A_66 = arith.constant 0 : i32
        %dma_wait3A_67 = tpu.memref_slice %arg24[%dma_wait3A_65, %dma_wait3A_66] : memref<10000x16xf32, #tpu.memory_space<vmem_shared>> -> memref<16x16xf32, #tpu.memory_space<vmem_shared>>
        %dma_wait3A_68 = arith.constant 9984 : i32
        %dma_wait3A_69 = arith.constant 0 : i32
        %dma_wait3A_70 = tpu.memref_slice %arg24[%dma_wait3A_68, %dma_wait3A_69] : memref<10000x16xf32, #tpu.memory_space<vmem_shared>> -> memref<16x16xf32, #tpu.memory_space<vmem_shared>>
        %dma_wait3A_71 = arith.constant 0 : i32
        %dma_wait3A_72 = arith.constant 0 : i32
        %dma_wait3A_73 = tpu.memref_slice %arg21[%dma_wait3A_71, %dma_wait3A_72] : memref<624x16xf32, #tpu.memory_space<vmem>> -> memref<16x16xf32, #tpu.memory_space<vmem>>
        tpu.wait_dma2 semaphore(%run_scoped3A : memref<!tpu.dma_semaphore, #tpu.memory_space<semaphore_mem>>) src(%dma_wait3A_73 : memref<16x16xf32, #tpu.memory_space<vmem>>) dst(%dma_wait3A_70 : memref<16x16xf32, #tpu.memory_space<vmem_shared>>)
        tpu.yield
      }) : () -> ()
    } else {
    }
    %barrier3A = arith.constant 0 : index
    tpu.barrier barrier_id(%barrier3A)
    %scan3A_21 = arith.constant 0 : i32
    %scan3A_22 = arith.constant 0 : i32
    %scan3A_23 = arith.constant 50 : i32
    %scan3A_24 = arith.addi %scan3A_22, %scan3A_23 : i32
    %scan3A_25 = arith.constant 1 : i32
    %scan3A_26 = scf.for %scan3A_52 = %scan3A_22 to %scan3A_24 step %scan3A_25 iter_args(%scan3A_53 = %scan3A_21) -> (i32)  : i32 {
      %mul3A_54 = arith.constant 250 : i32
      %mul3A_55 = arith.muli %arg1, %mul3A_54 : i32
      %mul3A_56 = arith.constant 5 : i32
      %mul3A_57 = arith.muli %scan3A_52, %mul3A_56 : i32
      %add3A_58 = arith.addi %mul3A_55, %mul3A_57 : i32
      %dma_start3A = arith.constant 0 : i32
      %dma_start3A_59 = tpu.memref_slice %arg2[%add3A_58, %dma_start3A] : memref<4000x80xi32, #tpu.memory_space<hbm>> -> memref<5x80xi32, #tpu.memory_space<hbm>>
      %dma_start3A_60 = arith.constant 0 : i32
      %dma_start3A_61 = tpu.memref_slice %arg2[%add3A_58, %dma_start3A_60] : memref<4000x80xi32, #tpu.memory_space<hbm>> -> memref<5x80xi32, #tpu.memory_space<hbm>>
      tpu.enqueue_dma source(%dma_start3A_61 : memref<5x80xi32, #tpu.memory_space<hbm>>) target(%arg11 : memref<5x80xi32, #tpu.memory_space<vmem>>) target_semaphore(%arg22 : memref<!tpu.dma_semaphore, #tpu.memory_space<semaphore_mem>>)
      %dma_start3A_62 = arith.constant 0 : i32
      %dma_start3A_63 = tpu.memref_slice %arg3[%add3A_58, %dma_start3A_62] : memref<4000x80xi32, #tpu.memory_space<hbm>> -> memref<5x80xi32, #tpu.memory_space<hbm>>
      %dma_start3A_64 = arith.constant 0 : i32
      %dma_start3A_65 = tpu.memref_slice %arg3[%add3A_58, %dma_start3A_64] : memref<4000x80xi32, #tpu.memory_space<hbm>> -> memref<5x80xi32, #tpu.memory_space<hbm>>
      tpu.enqueue_dma source(%dma_start3A_65 : memref<5x80xi32, #tpu.memory_space<hbm>>) target(%arg12 : memref<5x80xi32, #tpu.memory_space<vmem>>) target_semaphore(%arg22 : memref<!tpu.dma_semaphore, #tpu.memory_space<semaphore_mem>>)
      %dma_start3A_66 = arith.constant 0 : i32
      %dma_start3A_67 = tpu.memref_slice %arg4[%add3A_58, %dma_start3A_66] : memref<4000x80xi32, #tpu.memory_space<hbm>> -> memref<5x80xi32, #tpu.memory_space<hbm>>
      %dma_start3A_68 = arith.constant 0 : i32
      %dma_start3A_69 = tpu.memref_slice %arg4[%add3A_58, %dma_start3A_68] : memref<4000x80xi32, #tpu.memory_space<hbm>> -> memref<5x80xi32, #tpu.memory_space<hbm>>
      tpu.enqueue_dma source(%dma_start3A_69 : memref<5x80xi32, #tpu.memory_space<hbm>>) target(%arg13 : memref<5x80xi32, #tpu.memory_space<vmem>>) target_semaphore(%arg22 : memref<!tpu.dma_semaphore, #tpu.memory_space<semaphore_mem>>)
      %dma_wait3A = arith.constant 0 : i32
      %dma_wait3A_70 = tpu.memref_slice %arg2[%add3A_58, %dma_wait3A] : memref<4000x80xi32, #tpu.memory_space<hbm>> -> memref<5x80xi32, #tpu.memory_space<hbm>>
      %dma_wait3A_71 = arith.constant 0 : i32
      %dma_wait3A_72 = tpu.memref_slice %arg2[%add3A_58, %dma_wait3A_71] : memref<4000x80xi32, #tpu.memory_space<hbm>> -> memref<5x80xi32, #tpu.memory_space<hbm>>
      tpu.wait_dma2 semaphore(%arg22 : memref<!tpu.dma_semaphore, #tpu.memory_space<semaphore_mem>>) src(%dma_wait3A_72 : memref<5x80xi32, #tpu.memory_space<hbm>>) dst(%arg11 : memref<5x80xi32, #tpu.memory_space<vmem>>)
      %dma_wait3A_73 = arith.constant 0 : i32
      %dma_wait3A_74 = tpu.memref_slice %arg3[%add3A_58, %dma_wait3A_73] : memref<4000x80xi32, #tpu.memory_space<hbm>> -> memref<5x80xi32, #tpu.memory_space<hbm>>
      %dma_wait3A_75 = arith.constant 0 : i32
      %dma_wait3A_76 = tpu.memref_slice %arg3[%add3A_58, %dma_wait3A_75] : memref<4000x80xi32, #tpu.memory_space<hbm>> -> memref<5x80xi32, #tpu.memory_space<hbm>>
      tpu.wait_dma2 semaphore(%arg22 : memref<!tpu.dma_semaphore, #tpu.memory_space<semaphore_mem>>) src(%dma_wait3A_76 : memref<5x80xi32, #tpu.memory_space<hbm>>) dst(%arg12 : memref<5x80xi32, #tpu.memory_space<vmem>>)
      %dma_wait3A_77 = arith.constant 0 : i32
      %dma_wait3A_78 = tpu.memref_slice %arg4[%add3A_58, %dma_wait3A_77] : memref<4000x80xi32, #tpu.memory_space<hbm>> -> memref<5x80xi32, #tpu.memory_space<hbm>>
      %dma_wait3A_79 = arith.constant 0 : i32
      %dma_wait3A_80 = tpu.memref_slice %arg4[%add3A_58, %dma_wait3A_79] : memref<4000x80xi32, #tpu.memory_space<hbm>> -> memref<5x80xi32, #tpu.memory_space<hbm>>
      tpu.wait_dma2 semaphore(%arg22 : memref<!tpu.dma_semaphore, #tpu.memory_space<semaphore_mem>>) src(%dma_wait3A_80 : memref<5x80xi32, #tpu.memory_space<hbm>>) dst(%arg13 : memref<5x80xi32, #tpu.memory_space<vmem>>)
      %get3A = arith.constant 0 : i32
      %get3A_81 = arith.index_cast %get3A : i32 to index
      %get3A_82 = arith.constant 0 : index
      %get3A_83 = tpu.vector_load %arg12[%get3A_81, %get3A_82] {strides = array<i32>} : memref<5x80xi32, #tpu.memory_space<vmem>>, vector<1x16xi32>,
      %get3A_84 = vector.shape_cast %get3A_83 : vector<1x16xi32> to vector<16xi32>
      %mul3A_85 = arith.constant 4 : i32
      %mul3A_86 = vector.broadcast %mul3A_85 : i32 to vector<16xi32>
      %mul3A_87 = arith.muli %get3A_84, %mul3A_86 : vector<16xi32>
      %get3A_88 = arith.constant 0 : i32
      %get3A_89 = arith.index_cast %get3A_88 : i32 to index
      %get3A_90 = arith.constant 0 : index
      %get3A_91 = tpu.vector_load %arg13[%get3A_89, %get3A_90] {strides = array<i32>} : memref<5x80xi32, #tpu.memory_space<vmem>>, vector<1x16xi32>,
      %get3A_92 = vector.shape_cast %get3A_91 : vector<1x16xi32> to vector<16xi32>
      %add3A_93 = arith.addi %mul3A_87, %get3A_92 : vector<16xi32>
      %swap3A = arith.constant 0 : i32
      %swap3A_94 = arith.index_cast %swap3A : i32 to index
      %swap3A_95 = arith.constant 0 : index
      %swap3A_96 = tpu.vector_load %arg14[%swap3A_94, %swap3A_95] {strides = array<i32>} : memref<5x80xi32, #tpu.memory_space<vmem>>, vector<1x16xi32>,
      %swap3A_97 = vector.shape_cast %swap3A_96 : vector<1x16xi32> to vector<16xi32>
      %swap3A_98 = vector.shape_cast %add3A_93 : vector<16xi32> to vector<1x16xi32>
      tpu.vector_store %arg14[%swap3A_94, %swap3A_95], %swap3A_98 {strides = array<i32>} : memref<5x80xi32, #tpu.memory_space<vmem>>, vector<1x16xi32>,
      %get3A_99 = arith.constant 0 : i32
      %get3A_100 = arith.index_cast %get3A_99 : i32 to index
      %get3A_101 = arith.constant 0 : index
      %get3A_102 = tpu.vector_load %arg11[%get3A_100, %get3A_101] {strides = array<i32>} : memref<5x80xi32, #tpu.memory_space<vmem>>, vector<1x16xi32>,
      %get3A_103 = vector.shape_cast %get3A_102 : vector<1x16xi32> to vector<16xi32>
      %mul3A_104 = arith.constant 4 : i32
      %mul3A_105 = vector.broadcast %mul3A_104 : i32 to vector<16xi32>
      %mul3A_106 = arith.muli %get3A_103, %mul3A_105 : vector<16xi32>
      %get3A_107 = arith.constant 0 : i32
      %get3A_108 = arith.index_cast %get3A_107 : i32 to index
      %get3A_109 = arith.constant 0 : index
      %get3A_110 = tpu.vector_load %arg13[%get3A_108, %get3A_109] {strides = array<i32>} : memref<5x80xi32, #tpu.memory_space<vmem>>, vector<1x16xi32>,
      %get3A_111 = vector.shape_cast %get3A_110 : vector<1x16xi32> to vector<16xi32>
      %add3A_112 = arith.addi %mul3A_106, %get3A_111 : vector<16xi32>
      %swap3A_113 = arith.constant 0 : i32
      %swap3A_114 = arith.index_cast %swap3A_113 : i32 to index
      %swap3A_115 = arith.constant 0 : index
      %swap3A_116 = tpu.vector_load %arg15[%swap3A_114, %swap3A_115] {strides = array<i32>} : memref<5x80xi32, #tpu.memory_space<vmem>>, vector<1x16xi32>,
      %swap3A_117 = vector.shape_cast %swap3A_116 : vector<1x16xi32> to vector<16xi32>
      %swap3A_118 = vector.shape_cast %add3A_112 : vector<16xi32> to vector<1x16xi32>
      tpu.vector_store %arg15[%swap3A_114, %swap3A_115], %swap3A_118 {strides = array<i32>} : memref<5x80xi32, #tpu.memory_space<vmem>>, vector<1x16xi32>,
      %get3A_119 = arith.constant 0 : i32
      %get3A_120 = arith.index_cast %get3A_119 : i32 to index
      %get3A_121 = arith.constant 16 : index
      %get3A_122 = tpu.vector_load %arg12[%get3A_120, %get3A_121] {strides = array<i32>} : memref<5x80xi32, #tpu.memory_space<vmem>>, vector<1x16xi32>,
      %get3A_123 = vector.shape_cast %get3A_122 : vector<1x16xi32> to vector<16xi32>
      %mul3A_124 = arith.constant 4 : i32
      %mul3A_125 = vector.broadcast %mul3A_124 : i32 to vector<16xi32>
      %mul3A_126 = arith.muli %get3A_123, %mul3A_125 : vector<16xi32>
      %get3A_127 = arith.constant 0 : i32
      %get3A_128 = arith.index_cast %get3A_127 : i32 to index
      %get3A_129 = arith.constant 16 : index
      %get3A_130 = tpu.vector_load %arg13[%get3A_128, %get3A_129] {strides = array<i32>} : memref<5x80xi32, #tpu.memory_space<vmem>>, vector<1x16xi32>,
      %get3A_131 = vector.shape_cast %get3A_130 : vector<1x16xi32> to vector<16xi32>
      %add3A_132 = arith.addi %mul3A_126, %get3A_131 : vector<16xi32>
      %swap3A_133 = arith.constant 0 : i32
      %swap3A_134 = arith.index_cast %swap3A_133 : i32 to index
      %swap3A_135 = arith.constant 16 : index
      %swap3A_136 = tpu.vector_load %arg14[%swap3A_134, %swap3A_135] {strides = array<i32>} : memref<5x80xi32, #tpu.memory_space<vmem>>, vector<1x16xi32>,
      %swap3A_137 = vector.shape_cast %swap3A_136 : vector<1x16xi32> to vector<16xi32>
      %swap3A_138 = vector.shape_cast %add3A_132 : vector<16xi32> to vector<1x16xi32>
      tpu.vector_store %arg14[%swap3A_134, %swap3A_135], %swap3A_138 {strides = array<i32>} : memref<5x80xi32, #tpu.memory_space<vmem>>, vector<1x16xi32>,
      %get3A_139 = arith.constant 0 : i32
      %get3A_140 = arith.index_cast %get3A_139 : i32 to index
      %get3A_141 = arith.constant 16 : index
      %get3A_142 = tpu.vector_load %arg11[%get3A_140, %get3A_141] {strides = array<i32>} : memref<5x80xi32, #tpu.memory_space<vmem>>, vector<1x16xi32>,
      %get3A_143 = vector.shape_cast %get3A_142 : vector<1x16xi32> to vector<16xi32>
      %mul3A_144 = arith.constant 4 : i32
      %mul3A_145 = vector.broadcast %mul3A_144 : i32 to vector<16xi32>
      %mul3A_146 = arith.muli %get3A_143, %mul3A_145 : vector<16xi32>
      %get3A_147 = arith.constant 0 : i32
      %get3A_148 = arith.index_cast %get3A_147 : i32 to index
      %get3A_149 = arith.constant 16 : index
      %get3A_150 = tpu.vector_load %arg13[%get3A_148, %get3A_149] {strides = array<i32>} : memref<5x80xi32, #tpu.memory_space<vmem>>, vector<1x16xi32>,
      %get3A_151 = vector.shape_cast %get3A_150 : vector<1x16xi32> to vector<16xi32>
      %add3A_152 = arith.addi %mul3A_146, %get3A_151 : vector<16xi32>
      %swap3A_153 = arith.constant 0 : i32
      %swap3A_154 = arith.index_cast %swap3A_153 : i32 to index
      %swap3A_155 = arith.constant 16 : index
      %swap3A_156 = tpu.vector_load %arg15[%swap3A_154, %swap3A_155] {strides = array<i32>} : memref<5x80xi32, #tpu.memory_space<vmem>>, vector<1x16xi32>,
      %swap3A_157 = vector.shape_cast %swap3A_156 : vector<1x16xi32> to vector<16xi32>
      %swap3A_158 = vector.shape_cast %add3A_152 : vector<16xi32> to vector<1x16xi32>
      tpu.vector_store %arg15[%swap3A_154, %swap3A_155], %swap3A_158 {strides = array<i32>} : memref<5x80xi32, #tpu.memory_space<vmem>>, vector<1x16xi32>,
      %get3A_159 = arith.constant 0 : i32
      %get3A_160 = arith.index_cast %get3A_159 : i32 to index
      %get3A_161 = arith.constant 32 : index
      %get3A_162 = tpu.vector_load %arg12[%get3A_160, %get3A_161] {strides = array<i32>} : memref<5x80xi32, #tpu.memory_space<vmem>>, vector<1x16xi32>,
      %get3A_163 = vector.shape_cast %get3A_162 : vector<1x16xi32> to vector<16xi32>
      %mul3A_164 = arith.constant 4 : i32
      %mul3A_165 = vector.broadcast %mul3A_164 : i32 to vector<16xi32>
      %mul3A_166 = arith.muli %get3A_163, %mul3A_165 : vector<16xi32>
      %get3A_167 = arith.constant 0 : i32
      %get3A_168 = arith.index_cast %get3A_167 : i32 to index
      %get3A_169 = arith.constant 32 : index
      %get3A_170 = tpu.vector_load %arg13[%get3A_168, %get3A_169] {strides = array<i32>} : memref<5x80xi32, #tpu.memory_space<vmem>>, vector<1x16xi32>,
      %get3A_171 = vector.shape_cast %get3A_170 : vector<1x16xi32> to vector<16xi32>
      %add3A_172 = arith.addi %mul3A_166, %get3A_171 : vector<16xi32>
      %swap3A_173 = arith.constant 0 : i32
      %swap3A_174 = arith.index_cast %swap3A_173 : i32 to index
      %swap3A_175 = arith.constant 32 : index
      %swap3A_176 = tpu.vector_load %arg14[%swap3A_174, %swap3A_175] {strides = array<i32>} : memref<5x80xi32, #tpu.memory_space<vmem>>, vector<1x16xi32>,
      %swap3A_177 = vector.shape_cast %swap3A_176 : vector<1x16xi32> to vector<16xi32>
      %swap3A_178 = vector.shape_cast %add3A_172 : vector<16xi32> to vector<1x16xi32>
      tpu.vector_store %arg14[%swap3A_174, %swap3A_175], %swap3A_178 {strides = array<i32>} : memref<5x80xi32, #tpu.memory_space<vmem>>, vector<1x16xi32>,
      %get3A_179 = arith.constant 0 : i32
      %get3A_180 = arith.index_cast %get3A_179 : i32 to index
      %get3A_181 = arith.constant 32 : index
      %get3A_182 = tpu.vector_load %arg11[%get3A_180, %get3A_181] {strides = array<i32>} : memref<5x80xi32, #tpu.memory_space<vmem>>, vector<1x16xi32>,
      %get3A_183 = vector.shape_cast %get3A_182 : vector<1x16xi32> to vector<16xi32>
      %mul3A_184 = arith.constant 4 : i32
      %mul3A_185 = vector.broadcast %mul3A_184 : i32 to vector<16xi32>
      %mul3A_186 = arith.muli %get3A_183, %mul3A_185 : vector<16xi32>
      %get3A_187 = arith.constant 0 : i32
      %get3A_188 = arith.index_cast %get3A_187 : i32 to index
      %get3A_189 = arith.constant 32 : index
      %get3A_190 = tpu.vector_load %arg13[%get3A_188, %get3A_189] {strides = array<i32>} : memref<5x80xi32, #tpu.memory_space<vmem>>, vector<1x16xi32>,
      %get3A_191 = vector.shape_cast %get3A_190 : vector<1x16xi32> to vector<16xi32>
      %add3A_192 = arith.addi %mul3A_186, %get3A_191 : vector<16xi32>
      %swap3A_193 = arith.constant 0 : i32
      %swap3A_194 = arith.index_cast %swap3A_193 : i32 to index
      %swap3A_195 = arith.constant 32 : index
      %swap3A_196 = tpu.vector_load %arg15[%swap3A_194, %swap3A_195] {strides = array<i32>} : memref<5x80xi32, #tpu.memory_space<vmem>>, vector<1x16xi32>,
      %swap3A_197 = vector.shape_cast %swap3A_196 : vector<1x16xi32> to vector<16xi32>
      %swap3A_198 = vector.shape_cast %add3A_192 : vector<16xi32> to vector<1x16xi32>
      tpu.vector_store %arg15[%swap3A_194, %swap3A_195], %swap3A_198 {strides = array<i32>} : memref<5x80xi32, #tpu.memory_space<vmem>>, vector<1x16xi32>,
      %get3A_199 = arith.constant 0 : i32
      %get3A_200 = arith.index_cast %get3A_199 : i32 to index
      %get3A_201 = arith.constant 48 : index
      %get3A_202 = tpu.vector_load %arg12[%get3A_200, %get3A_201] {strides = array<i32>} : memref<5x80xi32, #tpu.memory_space<vmem>>, vector<1x16xi32>,
      %get3A_203 = vector.shape_cast %get3A_202 : vector<1x16xi32> to vector<16xi32>
      %mul3A_204 = arith.constant 4 : i32
      %mul3A_205 = vector.broadcast %mul3A_204 : i32 to vector<16xi32>
      %mul3A_206 = arith.muli %get3A_203, %mul3A_205 : vector<16xi32>
      %get3A_207 = arith.constant 0 : i32
      %get3A_208 = arith.index_cast %get3A_207 : i32 to index
      %get3A_209 = arith.constant 48 : index
      %get3A_210 = tpu.vector_load %arg13[%get3A_208, %get3A_209] {strides = array<i32>} : memref<5x80xi32, #tpu.memory_space<vmem>>, vector<1x16xi32>,
      %get3A_211 = vector.shape_cast %get3A_210 : vector<1x16xi32> to vector<16xi32>
      %add3A_212 = arith.addi %mul3A_206, %get3A_211 : vector<16xi32>
      %swap3A_213 = arith.constant 0 : i32
      %swap3A_214 = arith.index_cast %swap3A_213 : i32 to index
      %swap3A_215 = arith.constant 48 : index
      %swap3A_216 = tpu.vector_load %arg14[%swap3A_214, %swap3A_215] {strides = array<i32>} : memref<5x80xi32, #tpu.memory_space<vmem>>, vector<1x16xi32>,
      %swap3A_217 = vector.shape_cast %swap3A_216 : vector<1x16xi32> to vector<16xi32>
      %swap3A_218 = vector.shape_cast %add3A_212 : vector<16xi32> to vector<1x16xi32>
      tpu.vector_store %arg14[%swap3A_214, %swap3A_215], %swap3A_218 {strides = array<i32>} : memref<5x80xi32, #tpu.memory_space<vmem>>, vector<1x16xi32>,
      %get3A_219 = arith.constant 0 : i32
      %get3A_220 = arith.index_cast %get3A_219 : i32 to index
      %get3A_221 = arith.constant 48 : index
      %get3A_222 = tpu.vector_load %arg11[%get3A_220, %get3A_221] {strides = array<i32>} : memref<5x80xi32, #tpu.memory_space<vmem>>, vector<1x16xi32>,
      %get3A_223 = vector.shape_cast %get3A_222 : vector<1x16xi32> to vector<16xi32>
      %mul3A_224 = arith.constant 4 : i32
      %mul3A_225 = vector.broadcast %mul3A_224 : i32 to vector<16xi32>
      %mul3A_226 = arith.muli %get3A_223, %mul3A_225 : vector<16xi32>
      %get3A_227 = arith.constant 0 : i32
      %get3A_228 = arith.index_cast %get3A_227 : i32 to index
      %get3A_229 = arith.constant 48 : index
      %get3A_230 = tpu.vector_load %arg13[%get3A_228, %get3A_229] {strides = array<i32>} : memref<5x80xi32, #tpu.memory_space<vmem>>, vector<1x16xi32>,
      %get3A_231 = vector.shape_cast %get3A_230 : vector<1x16xi32> to vector<16xi32>
      %add3A_232 = arith.addi %mul3A_226, %get3A_231 : vector<16xi32>
      %swap3A_233 = arith.constant 0 : i32
      %swap3A_234 = arith.index_cast %swap3A_233 : i32 to index
      %swap3A_235 = arith.constant 48 : index
      %swap3A_236 = tpu.vector_load %arg15[%swap3A_234, %swap3A_235] {strides = array<i32>} : memref<5x80xi32, #tpu.memory_space<vmem>>, vector<1x16xi32>,
      %swap3A_237 = vector.shape_cast %swap3A_236 : vector<1x16xi32> to vector<16xi32>
      %swap3A_238 = vector.shape_cast %add3A_232 : vector<16xi32> to vector<1x16xi32>
      tpu.vector_store %arg15[%swap3A_234, %swap3A_235], %swap3A_238 {strides = array<i32>} : memref<5x80xi32, #tpu.memory_space<vmem>>, vector<1x16xi32>,
      %get3A_239 = arith.constant 0 : i32
      %get3A_240 = arith.index_cast %get3A_239 : i32 to index
      %get3A_241 = arith.constant 64 : index
      %get3A_242 = tpu.vector_load %arg12[%get3A_240, %get3A_241] {strides = array<i32>} : memref<5x80xi32, #tpu.memory_space<vmem>>, vector<1x16xi32>,
      %get3A_243 = vector.shape_cast %get3A_242 : vector<1x16xi32> to vector<16xi32>
      %mul3A_244 = arith.constant 4 : i32
      %mul3A_245 = vector.broadcast %mul3A_244 : i32 to vector<16xi32>
      %mul3A_246 = arith.muli %get3A_243, %mul3A_245 : vector<16xi32>
      %get3A_247 = arith.constant 0 : i32
      %get3A_248 = arith.index_cast %get3A_247 : i32 to index
      %get3A_249 = arith.constant 64 : index
      %get3A_250 = tpu.vector_load %arg13[%get3A_248, %get3A_249] {strides = array<i32>} : memref<5x80xi32, #tpu.memory_space<vmem>>, vector<1x16xi32>,
      %get3A_251 = vector.shape_cast %get3A_250 : vector<1x16xi32> to vector<16xi32>
      %add3A_252 = arith.addi %mul3A_246, %get3A_251 : vector<16xi32>
      %swap3A_253 = arith.constant 0 : i32
      %swap3A_254 = arith.index_cast %swap3A_253 : i32 to index
      %swap3A_255 = arith.constant 64 : index
      %swap3A_256 = tpu.vector_load %arg14[%swap3A_254, %swap3A_255] {strides = array<i32>} : memref<5x80xi32, #tpu.memory_space<vmem>>, vector<1x16xi32>,
      %swap3A_257 = vector.shape_cast %swap3A_256 : vector<1x16xi32> to vector<16xi32>
      %swap3A_258 = vector.shape_cast %add3A_252 : vector<16xi32> to vector<1x16xi32>
      tpu.vector_store %arg14[%swap3A_254, %swap3A_255], %swap3A_258 {strides = array<i32>} : memref<5x80xi32, #tpu.memory_space<vmem>>, vector<1x16xi32>,
      %get3A_259 = arith.constant 0 : i32
      %get3A_260 = arith.index_cast %get3A_259 : i32 to index
      %get3A_261 = arith.constant 64 : index
      %get3A_262 = tpu.vector_load %arg11[%get3A_260, %get3A_261] {strides = array<i32>} : memref<5x80xi32, #tpu.memory_space<vmem>>, vector<1x16xi32>,
      %get3A_263 = vector.shape_cast %get3A_262 : vector<1x16xi32> to vector<16xi32>
      %mul3A_264 = arith.constant 4 : i32
      %mul3A_265 = vector.broadcast %mul3A_264 : i32 to vector<16xi32>
      %mul3A_266 = arith.muli %get3A_263, %mul3A_265 : vector<16xi32>
      %get3A_267 = arith.constant 0 : i32
      %get3A_268 = arith.index_cast %get3A_267 : i32 to index
      %get3A_269 = arith.constant 64 : index
      %get3A_270 = tpu.vector_load %arg13[%get3A_268, %get3A_269] {strides = array<i32>} : memref<5x80xi32, #tpu.memory_space<vmem>>, vector<1x16xi32>,
      %get3A_271 = vector.shape_cast %get3A_270 : vector<1x16xi32> to vector<16xi32>
      %add3A_272 = arith.addi %mul3A_266, %get3A_271 : vector<16xi32>
      %swap3A_273 = arith.constant 0 : i32
      %swap3A_274 = arith.index_cast %swap3A_273 : i32 to index
      %swap3A_275 = arith.constant 64 : index
      %swap3A_276 = tpu.vector_load %arg15[%swap3A_274, %swap3A_275] {strides = array<i32>} : memref<5x80xi32, #tpu.memory_space<vmem>>, vector<1x16xi32>,
      %swap3A_277 = vector.shape_cast %swap3A_276 : vector<1x16xi32> to vector<16xi32>
      %swap3A_278 = vector.shape_cast %add3A_272 : vector<16xi32> to vector<1x16xi32>
      tpu.vector_store %arg15[%swap3A_274, %swap3A_275], %swap3A_278 {strides = array<i32>} : memref<5x80xi32, #tpu.memory_space<vmem>>, vector<1x16xi32>,
      %get3A_279 = arith.constant 1 : i32
      %get3A_280 = arith.index_cast %get3A_279 : i32 to index
      %get3A_281 = arith.constant 0 : index
      %get3A_282 = tpu.vector_load %arg12[%get3A_280, %get3A_281] {strides = array<i32>} : memref<5x80xi32, #tpu.memory_space<vmem>>, vector<1x16xi32>,
      %get3A_283 = vector.shape_cast %get3A_282 : vector<1x16xi32> to vector<16xi32>
      %mul3A_284 = arith.constant 4 : i32
      %mul3A_285 = vector.broadcast %mul3A_284 : i32 to vector<16xi32>
      %mul3A_286 = arith.muli %get3A_283, %mul3A_285 : vector<16xi32>
      %get3A_287 = arith.constant 1 : i32
      %get3A_288 = arith.index_cast %get3A_287 : i32 to index
      %get3A_289 = arith.constant 0 : index
      %get3A_290 = tpu.vector_load %arg13[%get3A_288, %get3A_289] {strides = array<i32>} : memref<5x80xi32, #tpu.memory_space<vmem>>, vector<1x16xi32>,
      %get3A_291 = vector.shape_cast %get3A_290 : vector<1x16xi32> to vector<16xi32>
      %add3A_292 = arith.addi %mul3A_286, %get3A_291 : vector<16xi32>
      %swap3A_293 = arith.constant 1 : i32
      %swap3A_294 = arith.index_cast %swap3A_293 : i32 to index
      %swap3A_295 = arith.constant 0 : index
      %swap3A_296 = tpu.vector_load %arg14[%swap3A_294, %swap3A_295] {strides = array<i32>} : memref<5x80xi32, #tpu.memory_space<vmem>>, vector<1x16xi32>,
      %swap3A_297 = vector.shape_cast %swap3A_296 : vector<1x16xi32> to vector<16xi32>
      %swap3A_298 = vector.shape_cast %add3A_292 : vector<16xi32> to vector<1x16xi32>
      tpu.vector_store %arg14[%swap3A_294, %swap3A_295], %swap3A_298 {strides = array<i32>} : memref<5x80xi32, #tpu.memory_space<vmem>>, vector<1x16xi32>,
      %get3A_299 = arith.constant 1 : i32
      %get3A_300 = arith.index_cast %get3A_299 : i32 to index
      %get3A_301 = arith.constant 0 : index
      %get3A_302 = tpu.vector_load %arg11[%get3A_300, %get3A_301] {strides = array<i32>} : memref<5x80xi32, #tpu.memory_space<vmem>>, vector<1x16xi32>,
      %get3A_303 = vector.shape_cast %get3A_302 : vector<1x16xi32> to vector<16xi32>
      %mul3A_304 = arith.constant 4 : i32
      %mul3A_305 = vector.broadcast %mul3A_304 : i32 to vector<16xi32>
      %mul3A_306 = arith.muli %get3A_303, %mul3A_305 : vector<16xi32>
      %get3A_307 = arith.constant 1 : i32
      %get3A_308 = arith.index_cast %get3A_307 : i32 to index
      %get3A_309 = arith.constant 0 : index
      %get3A_310 = tpu.vector_load %arg13[%get3A_308, %get3A_309] {strides = array<i32>} : memref<5x80xi32, #tpu.memory_space<vmem>>, vector<1x16xi32>,
      %get3A_311 = vector.shape_cast %get3A_310 : vector<1x16xi32> to vector<16xi32>
      %add3A_312 = arith.addi %mul3A_306, %get3A_311 : vector<16xi32>
      %swap3A_313 = arith.constant 1 : i32
      %swap3A_314 = arith.index_cast %swap3A_313 : i32 to index
      %swap3A_315 = arith.constant 0 : index
      %swap3A_316 = tpu.vector_load %arg15[%swap3A_314, %swap3A_315] {strides = array<i32>} : memref<5x80xi32, #tpu.memory_space<vmem>>, vector<1x16xi32>,
      %swap3A_317 = vector.shape_cast %swap3A_316 : vector<1x16xi32> to vector<16xi32>
      %swap3A_318 = vector.shape_cast %add3A_312 : vector<16xi32> to vector<1x16xi32>
      tpu.vector_store %arg15[%swap3A_314, %swap3A_315], %swap3A_318 {strides = array<i32>} : memref<5x80xi32, #tpu.memory_space<vmem>>, vector<1x16xi32>,
      %get3A_319 = arith.constant 1 : i32
      %get3A_320 = arith.index_cast %get3A_319 : i32 to index
      %get3A_321 = arith.constant 16 : index
      %get3A_322 = tpu.vector_load %arg12[%get3A_320, %get3A_321] {strides = array<i32>} : memref<5x80xi32, #tpu.memory_space<vmem>>, vector<1x16xi32>,
      %get3A_323 = vector.shape_cast %get3A_322 : vector<1x16xi32> to vector<16xi32>
      %mul3A_324 = arith.constant 4 : i32
      %mul3A_325 = vector.broadcast %mul3A_324 : i32 to vector<16xi32>
      %mul3A_326 = arith.muli %get3A_323, %mul3A_325 : vector<16xi32>
      %get3A_327 = arith.constant 1 : i32
      %get3A_328 = arith.index_cast %get3A_327 : i32 to index
      %get3A_329 = arith.constant 16 : index
      %get3A_330 = tpu.vector_load %arg13[%get3A_328, %get3A_329] {strides = array<i32>} : memref<5x80xi32, #tpu.memory_space<vmem>>, vector<1x16xi32>,
      %get3A_331 = vector.shape_cast %get3A_330 : vector<1x16xi32> to vector<16xi32>
      %add3A_332 = arith.addi %mul3A_326, %get3A_331 : vector<16xi32>
      %swap3A_333 = arith.constant 1 : i32
      %swap3A_334 = arith.index_cast %swap3A_333 : i32 to index
      %swap3A_335 = arith.constant 16 : index
      %swap3A_336 = tpu.vector_load %arg14[%swap3A_334, %swap3A_335] {strides = array<i32>} : memref<5x80xi32, #tpu.memory_space<vmem>>, vector<1x16xi32>,
      %swap3A_337 = vector.shape_cast %swap3A_336 : vector<1x16xi32> to vector<16xi32>
      %swap3A_338 = vector.shape_cast %add3A_332 : vector<16xi32> to vector<1x16xi32>
      tpu.vector_store %arg14[%swap3A_334, %swap3A_335], %swap3A_338 {strides = array<i32>} : memref<5x80xi32, #tpu.memory_space<vmem>>, vector<1x16xi32>,
      %get3A_339 = arith.constant 1 : i32
      %get3A_340 = arith.index_cast %get3A_339 : i32 to index
      %get3A_341 = arith.constant 16 : index
      %get3A_342 = tpu.vector_load %arg11[%get3A_340, %get3A_341] {strides = array<i32>} : memref<5x80xi32, #tpu.memory_space<vmem>>, vector<1x16xi32>,
      %get3A_343 = vector.shape_cast %get3A_342 : vector<1x16xi32> to vector<16xi32>
      %mul3A_344 = arith.constant 4 : i32
      %mul3A_345 = vector.broadcast %mul3A_344 : i32 to vector<16xi32>
      %mul3A_346 = arith.muli %get3A_343, %mul3A_345 : vector<16xi32>
      %get3A_347 = arith.constant 1 : i32
      %get3A_348 = arith.index_cast %get3A_347 : i32 to index
      %get3A_349 = arith.constant 16 : index
      %get3A_350 = tpu.vector_load %arg13[%get3A_348, %get3A_349] {strides = array<i32>} : memref<5x80xi32, #tpu.memory_space<vmem>>, vector<1x16xi32>,
      %get3A_351 = vector.shape_cast %get3A_350 : vector<1x16xi32> to vector<16xi32>
      %add3A_352 = arith.addi %mul3A_346, %get3A_351 : vector<16xi32>
      %swap3A_353 = arith.constant 1 : i32
      %swap3A_354 = arith.index_cast %swap3A_353 : i32 to index
      %swap3A_355 = arith.constant 16 : index
      %swap3A_356 = tpu.vector_load %arg15[%swap3A_354, %swap3A_355] {strides = array<i32>} : memref<5x80xi32, #tpu.memory_space<vmem>>, vector<1x16xi32>,
      %swap3A_357 = vector.shape_cast %swap3A_356 : vector<1x16xi32> to vector<16xi32>
      %swap3A_358 = vector.shape_cast %add3A_352 : vector<16xi32> to vector<1x16xi32>
      tpu.vector_store %arg15[%swap3A_354, %swap3A_355], %swap3A_358 {strides = array<i32>} : memref<5x80xi32, #tpu.memory_space<vmem>>, vector<1x16xi32>,
      %get3A_359 = arith.constant 1 : i32
      %get3A_360 = arith.index_cast %get3A_359 : i32 to index
      %get3A_361 = arith.constant 32 : index
      %get3A_362 = tpu.vector_load %arg12[%get3A_360, %get3A_361] {strides = array<i32>} : memref<5x80xi32, #tpu.memory_space<vmem>>, vector<1x16xi32>,
      %get3A_363 = vector.shape_cast %get3A_362 : vector<1x16xi32> to vector<16xi32>
      %mul3A_364 = arith.constant 4 : i32
      %mul3A_365 = vector.broadcast %mul3A_364 : i32 to vector<16xi32>
      %mul3A_366 = arith.muli %get3A_363, %mul3A_365 : vector<16xi32>
      %get3A_367 = arith.constant 1 : i32
      %get3A_368 = arith.index_cast %get3A_367 : i32 to index
      %get3A_369 = arith.constant 32 : index
      %get3A_370 = tpu.vector_load %arg13[%get3A_368, %get3A_369] {strides = array<i32>} : memref<5x80xi32, #tpu.memory_space<vmem>>, vector<1x16xi32>,
      %get3A_371 = vector.shape_cast %get3A_370 : vector<1x16xi32> to vector<16xi32>
      %add3A_372 = arith.addi %mul3A_366, %get3A_371 : vector<16xi32>
      %swap3A_373 = arith.constant 1 : i32
      %swap3A_374 = arith.index_cast %swap3A_373 : i32 to index
      %swap3A_375 = arith.constant 32 : index
      %swap3A_376 = tpu.vector_load %arg14[%swap3A_374, %swap3A_375] {strides = array<i32>} : memref<5x80xi32, #tpu.memory_space<vmem>>, vector<1x16xi32>,
      %swap3A_377 = vector.shape_cast %swap3A_376 : vector<1x16xi32> to vector<16xi32>
      %swap3A_378 = vector.shape_cast %add3A_372 : vector<16xi32> to vector<1x16xi32>
      tpu.vector_store %arg14[%swap3A_374, %swap3A_375], %swap3A_378 {strides = array<i32>} : memref<5x80xi32, #tpu.memory_space<vmem>>, vector<1x16xi32>,
      %get3A_379 = arith.constant 1 : i32
      %get3A_380 = arith.index_cast %get3A_379 : i32 to index
      %get3A_381 = arith.constant 32 : index
      %get3A_382 = tpu.vector_load %arg11[%get3A_380, %get3A_381] {strides = array<i32>} : memref<5x80xi32, #tpu.memory_space<vmem>>, vector<1x16xi32>,
      %get3A_383 = vector.shape_cast %get3A_382 : vector<1x16xi32> to vector<16xi32>
      %mul3A_384 = arith.constant 4 : i32
      %mul3A_385 = vector.broadcast %mul3A_384 : i32 to vector<16xi32>
      %mul3A_386 = arith.muli %get3A_383, %mul3A_385 : vector<16xi32>
      %get3A_387 = arith.constant 1 : i32
      %get3A_388 = arith.index_cast %get3A_387 : i32 to index
      %get3A_389 = arith.constant 32 : index
      %get3A_390 = tpu.vector_load %arg13[%get3A_388, %get3A_389] {strides = array<i32>} : memref<5x80xi32, #tpu.memory_space<vmem>>, vector<1x16xi32>,
      %get3A_391 = vector.shape_cast %get3A_390 : vector<1x16xi32> to vector<16xi32>
      %add3A_392 = arith.addi %mul3A_386, %get3A_391 : vector<16xi32>
      %swap3A_393 = arith.constant 1 : i32
      %swap3A_394 = arith.index_cast %swap3A_393 : i32 to index
      %swap3A_395 = arith.constant 32 : index
      %swap3A_396 = tpu.vector_load %arg15[%swap3A_394, %swap3A_395] {strides = array<i32>} : memref<5x80xi32, #tpu.memory_space<vmem>>, vector<1x16xi32>,
      %swap3A_397 = vector.shape_cast %swap3A_396 : vector<1x16xi32> to vector<16xi32>
      %swap3A_398 = vector.shape_cast %add3A_392 : vector<16xi32> to vector<1x16xi32>
      tpu.vector_store %arg15[%swap3A_394, %swap3A_395], %swap3A_398 {strides = array<i32>} : memref<5x80xi32, #tpu.memory_space<vmem>>, vector<1x16xi32>,
      %get3A_399 = arith.constant 1 : i32
      %get3A_400 = arith.index_cast %get3A_399 : i32 to index
      %get3A_401 = arith.constant 48 : index
      %get3A_402 = tpu.vector_load %arg12[%get3A_400, %get3A_401] {strides = array<i32>} : memref<5x80xi32, #tpu.memory_space<vmem>>, vector<1x16xi32>,
      %get3A_403 = vector.shape_cast %get3A_402 : vector<1x16xi32> to vector<16xi32>
      %mul3A_404 = arith.constant 4 : i32
      %mul3A_405 = vector.broadcast %mul3A_404 : i32 to vector<16xi32>
      %mul3A_406 = arith.muli %get3A_403, %mul3A_405 : vector<16xi32>
      %get3A_407 = arith.constant 1 : i32
      %get3A_408 = arith.index_cast %get3A_407 : i32 to index
      %get3A_409 = arith.constant 48 : index
      %get3A_410 = tpu.vector_load %arg13[%get3A_408, %get3A_409] {strides = array<i32>} : memref<5x80xi32, #tpu.memory_space<vmem>>, vector<1x16xi32>,
      %get3A_411 = vector.shape_cast %get3A_410 : vector<1x16xi32> to vector<16xi32>
      %add3A_412 = arith.addi %mul3A_406, %get3A_411 : vector<16xi32>
      %swap3A_413 = arith.constant 1 : i32
      %swap3A_414 = arith.index_cast %swap3A_413 : i32 to index
      %swap3A_415 = arith.constant 48 : index
      %swap3A_416 = tpu.vector_load %arg14[%swap3A_414, %swap3A_415] {strides = array<i32>} : memref<5x80xi32, #tpu.memory_space<vmem>>, vector<1x16xi32>,
      %swap3A_417 = vector.shape_cast %swap3A_416 : vector<1x16xi32> to vector<16xi32>
      %swap3A_418 = vector.shape_cast %add3A_412 : vector<16xi32> to vector<1x16xi32>
      tpu.vector_store %arg14[%swap3A_414, %swap3A_415], %swap3A_418 {strides = array<i32>} : memref<5x80xi32, #tpu.memory_space<vmem>>, vector<1x16xi32>,
      %get3A_419 = arith.constant 1 : i32
      %get3A_420 = arith.index_cast %get3A_419 : i32 to index
      %get3A_421 = arith.constant 48 : index
      %get3A_422 = tpu.vector_load %arg11[%get3A_420, %get3A_421] {strides = array<i32>} : memref<5x80xi32, #tpu.memory_space<vmem>>, vector<1x16xi32>,
      %get3A_423 = vector.shape_cast %get3A_422 : vector<1x16xi32> to vector<16xi32>
      %mul3A_424 = arith.constant 4 : i32
      %mul3A_425 = vector.broadcast %mul3A_424 : i32 to vector<16xi32>
      %mul3A_426 = arith.muli %get3A_423, %mul3A_425 : vector<16xi32>
      %get3A_427 = arith.constant 1 : i32
      %get3A_428 = arith.index_cast %get3A_427 : i32 to index
      %get3A_429 = arith.constant 48 : index
      %get3A_430 = tpu.vector_load %arg13[%get3A_428, %get3A_429] {strides = array<i32>} : memref<5x80xi32, #tpu.memory_space<vmem>>, vector<1x16xi32>,
      %get3A_431 = vector.shape_cast %get3A_430 : vector<1x16xi32> to vector<16xi32>
      %add3A_432 = arith.addi %mul3A_426, %get3A_431 : vector<16xi32>
      %swap3A_433 = arith.constant 1 : i32
      %swap3A_434 = arith.index_cast %swap3A_433 : i32 to index
      %swap3A_435 = arith.constant 48 : index
      %swap3A_436 = tpu.vector_load %arg15[%swap3A_434, %swap3A_435] {strides = array<i32>} : memref<5x80xi32, #tpu.memory_space<vmem>>, vector<1x16xi32>,
      %swap3A_437 = vector.shape_cast %swap3A_436 : vector<1x16xi32> to vector<16xi32>
      %swap3A_438 = vector.shape_cast %add3A_432 : vector<16xi32> to vector<1x16xi32>
      tpu.vector_store %arg15[%swap3A_434, %swap3A_435], %swap3A_438 {strides = array<i32>} : memref<5x80xi32, #tpu.memory_space<vmem>>, vector<1x16xi32>,
      %get3A_439 = arith.constant 1 : i32
      %get3A_440 = arith.index_cast %get3A_439 : i32 to index
      %get3A_441 = arith.constant 64 : index
      %get3A_442 = tpu.vector_load %arg12[%get3A_440, %get3A_441] {strides = array<i32>} : memref<5x80xi32, #tpu.memory_space<vmem>>, vector<1x16xi32>,
      %get3A_443 = vector.shape_cast %get3A_442 : vector<1x16xi32> to vector<16xi32>
      %mul3A_444 = arith.constant 4 : i32
      %mul3A_445 = vector.broadcast %mul3A_444 : i32 to vector<16xi32>
      %mul3A_446 = arith.muli %get3A_443, %mul3A_445 : vector<16xi32>
      %get3A_447 = arith.constant 1 : i32
      %get3A_448 = arith.index_cast %get3A_447 : i32 to index
      %get3A_449 = arith.constant 64 : index
      %get3A_450 = tpu.vector_load %arg13[%get3A_448, %get3A_449] {strides = array<i32>} : memref<5x80xi32, #tpu.memory_space<vmem>>, vector<1x16xi32>,
      %get3A_451 = vector.shape_cast %get3A_450 : vector<1x16xi32> to vector<16xi32>
      %add3A_452 = arith.addi %mul3A_446, %get3A_451 : vector<16xi32>
      %swap3A_453 = arith.constant 1 : i32
      %swap3A_454 = arith.index_cast %swap3A_453 : i32 to index
      %swap3A_455 = arith.constant 64 : index
      %swap3A_456 = tpu.vector_load %arg14[%swap3A_454, %swap3A_455] {strides = array<i32>} : memref<5x80xi32, #tpu.memory_space<vmem>>, vector<1x16xi32>,
      %swap3A_457 = vector.shape_cast %swap3A_456 : vector<1x16xi32> to vector<16xi32>
      %swap3A_458 = vector.shape_cast %add3A_452 : vector<16xi32> to vector<1x16xi32>
      tpu.vector_store %arg14[%swap3A_454, %swap3A_455], %swap3A_458 {strides = array<i32>} : memref<5x80xi32, #tpu.memory_space<vmem>>, vector<1x16xi32>,
      %get3A_459 = arith.constant 1 : i32
      %get3A_460 = arith.index_cast %get3A_459 : i32 to index
      %get3A_461 = arith.constant 64 : index
      %get3A_462 = tpu.vector_load %arg11[%get3A_460, %get3A_461] {strides = array<i32>} : memref<5x80xi32, #tpu.memory_space<vmem>>, vector<1x16xi32>,
      %get3A_463 = vector.shape_cast %get3A_462 : vector<1x16xi32> to vector<16xi32>
      %mul3A_464 = arith.constant 4 : i32
      %mul3A_465 = vector.broadcast %mul3A_464 : i32 to vector<16xi32>
      %mul3A_466 = arith.muli %get3A_463, %mul3A_465 : vector<16xi32>
      %get3A_467 = arith.constant 1 : i32
      %get3A_468 = arith.index_cast %get3A_467 : i32 to index
      %get3A_469 = arith.constant 64 : index
      %get3A_470 = tpu.vector_load %arg13[%get3A_468, %get3A_469] {strides = array<i32>} : memref<5x80xi32, #tpu.memory_space<vmem>>, vector<1x16xi32>,
      %get3A_471 = vector.shape_cast %get3A_470 : vector<1x16xi32> to vector<16xi32>
      %add3A_472 = arith.addi %mul3A_466, %get3A_471 : vector<16xi32>
      %swap3A_473 = arith.constant 1 : i32
      %swap3A_474 = arith.index_cast %swap3A_473 : i32 to index
      %swap3A_475 = arith.constant 64 : index
      %swap3A_476 = tpu.vector_load %arg15[%swap3A_474, %swap3A_475] {strides = array<i32>} : memref<5x80xi32, #tpu.memory_space<vmem>>, vector<1x16xi32>,
      %swap3A_477 = vector.shape_cast %swap3A_476 : vector<1x16xi32> to vector<16xi32>
      %swap3A_478 = vector.shape_cast %add3A_472 : vector<16xi32> to vector<1x16xi32>
      tpu.vector_store %arg15[%swap3A_474, %swap3A_475], %swap3A_478 {strides = array<i32>} : memref<5x80xi32, #tpu.memory_space<vmem>>, vector<1x16xi32>,
      %get3A_479 = arith.constant 2 : i32
      %get3A_480 = arith.index_cast %get3A_479 : i32 to index
      %get3A_481 = arith.constant 0 : index
      %get3A_482 = tpu.vector_load %arg12[%get3A_480, %get3A_481] {strides = array<i32>} : memref<5x80xi32, #tpu.memory_space<vmem>>, vector<1x16xi32>,
      %get3A_483 = vector.shape_cast %get3A_482 : vector<1x16xi32> to vector<16xi32>
      %mul3A_484 = arith.constant 4 : i32
      %mul3A_485 = vector.broadcast %mul3A_484 : i32 to vector<16xi32>
      %mul3A_486 = arith.muli %get3A_483, %mul3A_485 : vector<16xi32>
      %get3A_487 = arith.constant 2 : i32
      %get3A_488 = arith.index_cast %get3A_487 : i32 to index
      %get3A_489 = arith.constant 0 : index
      %get3A_490 = tpu.vector_load %arg13[%get3A_488, %get3A_489] {strides = array<i32>} : memref<5x80xi32, #tpu.memory_space<vmem>>, vector<1x16xi32>,
      %get3A_491 = vector.shape_cast %get3A_490 : vector<1x16xi32> to vector<16xi32>
      %add3A_492 = arith.addi %mul3A_486, %get3A_491 : vector<16xi32>
      %swap3A_493 = arith.constant 2 : i32
      %swap3A_494 = arith.index_cast %swap3A_493 : i32 to index
      %swap3A_495 = arith.constant 0 : index
      %swap3A_496 = tpu.vector_load %arg14[%swap3A_494, %swap3A_495] {strides = array<i32>} : memref<5x80xi32, #tpu.memory_space<vmem>>, vector<1x16xi32>,
      %swap3A_497 = vector.shape_cast %swap3A_496 : vector<1x16xi32> to vector<16xi32>
      %swap3A_498 = vector.shape_cast %add3A_492 : vector<16xi32> to vector<1x16xi32>
      tpu.vector_store %arg14[%swap3A_494, %swap3A_495], %swap3A_498 {strides = array<i32>} : memref<5x80xi32, #tpu.memory_space<vmem>>, vector<1x16xi32>,
      %get3A_499 = arith.constant 2 : i32
      %get3A_500 = arith.index_cast %get3A_499 : i32 to index
      %get3A_501 = arith.constant 0 : index
      %get3A_502 = tpu.vector_load %arg11[%get3A_500, %get3A_501] {strides = array<i32>} : memref<5x80xi32, #tpu.memory_space<vmem>>, vector<1x16xi32>,
      %get3A_503 = vector.shape_cast %get3A_502 : vector<1x16xi32> to vector<16xi32>
      %mul3A_504 = arith.constant 4 : i32
      %mul3A_505 = vector.broadcast %mul3A_504 : i32 to vector<16xi32>
      %mul3A_506 = arith.muli %get3A_503, %mul3A_505 : vector<16xi32>
      %get3A_507 = arith.constant 2 : i32
      %get3A_508 = arith.index_cast %get3A_507 : i32 to index
      %get3A_509 = arith.constant 0 : index
      %get3A_510 = tpu.vector_load %arg13[%get3A_508, %get3A_509] {strides = array<i32>} : memref<5x80xi32, #tpu.memory_space<vmem>>, vector<1x16xi32>,
      %get3A_511 = vector.shape_cast %get3A_510 : vector<1x16xi32> to vector<16xi32>
      %add3A_512 = arith.addi %mul3A_506, %get3A_511 : vector<16xi32>
      %swap3A_513 = arith.constant 2 : i32
      %swap3A_514 = arith.index_cast %swap3A_513 : i32 to index
      %swap3A_515 = arith.constant 0 : index
      %swap3A_516 = tpu.vector_load %arg15[%swap3A_514, %swap3A_515] {strides = array<i32>} : memref<5x80xi32, #tpu.memory_space<vmem>>, vector<1x16xi32>,
      %swap3A_517 = vector.shape_cast %swap3A_516 : vector<1x16xi32> to vector<16xi32>
      %swap3A_518 = vector.shape_cast %add3A_512 : vector<16xi32> to vector<1x16xi32>
      tpu.vector_store %arg15[%swap3A_514, %swap3A_515], %swap3A_518 {strides = array<i32>} : memref<5x80xi32, #tpu.memory_space<vmem>>, vector<1x16xi32>,
      %get3A_519 = arith.constant 2 : i32
      %get3A_520 = arith.index_cast %get3A_519 : i32 to index
      %get3A_521 = arith.constant 16 : index
      %get3A_522 = tpu.vector_load %arg12[%get3A_520, %get3A_521] {strides = array<i32>} : memref<5x80xi32, #tpu.memory_space<vmem>>, vector<1x16xi32>,
      %get3A_523 = vector.shape_cast %get3A_522 : vector<1x16xi32> to vector<16xi32>
      %mul3A_524 = arith.constant 4 : i32
      %mul3A_525 = vector.broadcast %mul3A_524 : i32 to vector<16xi32>
      %mul3A_526 = arith.muli %get3A_523, %mul3A_525 : vector<16xi32>
      %get3A_527 = arith.constant 2 : i32
      %get3A_528 = arith.index_cast %get3A_527 : i32 to index
      %get3A_529 = arith.constant 16 : index
      %get3A_530 = tpu.vector_load %arg13[%get3A_528, %get3A_529] {strides = array<i32>} : memref<5x80xi32, #tpu.memory_space<vmem>>, vector<1x16xi32>,
      %get3A_531 = vector.shape_cast %get3A_530 : vector<1x16xi32> to vector<16xi32>
      %add3A_532 = arith.addi %mul3A_526, %get3A_531 : vector<16xi32>
      %swap3A_533 = arith.constant 2 : i32
      %swap3A_534 = arith.index_cast %swap3A_533 : i32 to index
      %swap3A_535 = arith.constant 16 : index
      %swap3A_536 = tpu.vector_load %arg14[%swap3A_534, %swap3A_535] {strides = array<i32>} : memref<5x80xi32, #tpu.memory_space<vmem>>, vector<1x16xi32>,
      %swap3A_537 = vector.shape_cast %swap3A_536 : vector<1x16xi32> to vector<16xi32>
      %swap3A_538 = vector.shape_cast %add3A_532 : vector<16xi32> to vector<1x16xi32>
      tpu.vector_store %arg14[%swap3A_534, %swap3A_535], %swap3A_538 {strides = array<i32>} : memref<5x80xi32, #tpu.memory_space<vmem>>, vector<1x16xi32>,
      %get3A_539 = arith.constant 2 : i32
      %get3A_540 = arith.index_cast %get3A_539 : i32 to index
      %get3A_541 = arith.constant 16 : index
      %get3A_542 = tpu.vector_load %arg11[%get3A_540, %get3A_541] {strides = array<i32>} : memref<5x80xi32, #tpu.memory_space<vmem>>, vector<1x16xi32>,
      %get3A_543 = vector.shape_cast %get3A_542 : vector<1x16xi32> to vector<16xi32>
      %mul3A_544 = arith.constant 4 : i32
      %mul3A_545 = vector.broadcast %mul3A_544 : i32 to vector<16xi32>
      %mul3A_546 = arith.muli %get3A_543, %mul3A_545 : vector<16xi32>
      %get3A_547 = arith.constant 2 : i32
      %get3A_548 = arith.index_cast %get3A_547 : i32 to index
      %get3A_549 = arith.constant 16 : index
      %get3A_550 = tpu.vector_load %arg13[%get3A_548, %get3A_549] {strides = array<i32>} : memref<5x80xi32, #tpu.memory_space<vmem>>, vector<1x16xi32>,
      %get3A_551 = vector.shape_cast %get3A_550 : vector<1x16xi32> to vector<16xi32>
      %add3A_552 = arith.addi %mul3A_546, %get3A_551 : vector<16xi32>
      %swap3A_553 = arith.constant 2 : i32
      %swap3A_554 = arith.index_cast %swap3A_553 : i32 to index
      %swap3A_555 = arith.constant 16 : index
      %swap3A_556 = tpu.vector_load %arg15[%swap3A_554, %swap3A_555] {strides = array<i32>} : memref<5x80xi32, #tpu.memory_space<vmem>>, vector<1x16xi32>,
      %swap3A_557 = vector.shape_cast %swap3A_556 : vector<1x16xi32> to vector<16xi32>
      %swap3A_558 = vector.shape_cast %add3A_552 : vector<16xi32> to vector<1x16xi32>
      tpu.vector_store %arg15[%swap3A_554, %swap3A_555], %swap3A_558 {strides = array<i32>} : memref<5x80xi32, #tpu.memory_space<vmem>>, vector<1x16xi32>,
      %get3A_559 = arith.constant 2 : i32
      %get3A_560 = arith.index_cast %get3A_559 : i32 to index
      %get3A_561 = arith.constant 32 : index
      %get3A_562 = tpu.vector_load %arg12[%get3A_560, %get3A_561] {strides = array<i32>} : memref<5x80xi32, #tpu.memory_space<vmem>>, vector<1x16xi32>,
      %get3A_563 = vector.shape_cast %get3A_562 : vector<1x16xi32> to vector<16xi32>
      %mul3A_564 = arith.constant 4 : i32
      %mul3A_565 = vector.broadcast %mul3A_564 : i32 to vector<16xi32>
      %mul3A_566 = arith.muli %get3A_563, %mul3A_565 : vector<16xi32>
      %get3A_567 = arith.constant 2 : i32
      %get3A_568 = arith.index_cast %get3A_567 : i32 to index
      %get3A_569 = arith.constant 32 : index
      %get3A_570 = tpu.vector_load %arg13[%get3A_568, %get3A_569] {strides = array<i32>} : memref<5x80xi32, #tpu.memory_space<vmem>>, vector<1x16xi32>,
      %get3A_571 = vector.shape_cast %get3A_570 : vector<1x16xi32> to vector<16xi32>
      %add3A_572 = arith.addi %mul3A_566, %get3A_571 : vector<16xi32>
      %swap3A_573 = arith.constant 2 : i32
      %swap3A_574 = arith.index_cast %swap3A_573 : i32 to index
      %swap3A_575 = arith.constant 32 : index
      %swap3A_576 = tpu.vector_load %arg14[%swap3A_574, %swap3A_575] {strides = array<i32>} : memref<5x80xi32, #tpu.memory_space<vmem>>, vector<1x16xi32>,
      %swap3A_577 = vector.shape_cast %swap3A_576 : vector<1x16xi32> to vector<16xi32>
      %swap3A_578 = vector.shape_cast %add3A_572 : vector<16xi32> to vector<1x16xi32>
      tpu.vector_store %arg14[%swap3A_574, %swap3A_575], %swap3A_578 {strides = array<i32>} : memref<5x80xi32, #tpu.memory_space<vmem>>, vector<1x16xi32>,
      %get3A_579 = arith.constant 2 : i32
      %get3A_580 = arith.index_cast %get3A_579 : i32 to index
      %get3A_581 = arith.constant 32 : index
      %get3A_582 = tpu.vector_load %arg11[%get3A_580, %get3A_581] {strides = array<i32>} : memref<5x80xi32, #tpu.memory_space<vmem>>, vector<1x16xi32>,
      %get3A_583 = vector.shape_cast %get3A_582 : vector<1x16xi32> to vector<16xi32>
      %mul3A_584 = arith.constant 4 : i32
      %mul3A_585 = vector.broadcast %mul3A_584 : i32 to vector<16xi32>
      %mul3A_586 = arith.muli %get3A_583, %mul3A_585 : vector<16xi32>
      %get3A_587 = arith.constant 2 : i32
      %get3A_588 = arith.index_cast %get3A_587 : i32 to index
      %get3A_589 = arith.constant 32 : index
      %get3A_590 = tpu.vector_load %arg13[%get3A_588, %get3A_589] {strides = array<i32>} : memref<5x80xi32, #tpu.memory_space<vmem>>, vector<1x16xi32>,
      %get3A_591 = vector.shape_cast %get3A_590 : vector<1x16xi32> to vector<16xi32>
      %add3A_592 = arith.addi %mul3A_586, %get3A_591 : vector<16xi32>
      %swap3A_593 = arith.constant 2 : i32
      %swap3A_594 = arith.index_cast %swap3A_593 : i32 to index
      %swap3A_595 = arith.constant 32 : index
      %swap3A_596 = tpu.vector_load %arg15[%swap3A_594, %swap3A_595] {strides = array<i32>} : memref<5x80xi32, #tpu.memory_space<vmem>>, vector<1x16xi32>,
      %swap3A_597 = vector.shape_cast %swap3A_596 : vector<1x16xi32> to vector<16xi32>
      %swap3A_598 = vector.shape_cast %add3A_592 : vector<16xi32> to vector<1x16xi32>
      tpu.vector_store %arg15[%swap3A_594, %swap3A_595], %swap3A_598 {strides = array<i32>} : memref<5x80xi32, #tpu.memory_space<vmem>>, vector<1x16xi32>,
      %get3A_599 = arith.constant 2 : i32
      %get3A_600 = arith.index_cast %get3A_599 : i32 to index
      %get3A_601 = arith.constant 48 : index
      %get3A_602 = tpu.vector_load %arg12[%get3A_600, %get3A_601] {strides = array<i32>} : memref<5x80xi32, #tpu.memory_space<vmem>>, vector<1x16xi32>,
      %get3A_603 = vector.shape_cast %get3A_602 : vector<1x16xi32> to vector<16xi32>
      %mul3A_604 = arith.constant 4 : i32
      %mul3A_605 = vector.broadcast %mul3A_604 : i32 to vector<16xi32>
      %mul3A_606 = arith.muli %get3A_603, %mul3A_605 : vector<16xi32>
      %get3A_607 = arith.constant 2 : i32
      %get3A_608 = arith.index_cast %get3A_607 : i32 to index
      %get3A_609 = arith.constant 48 : index
      %get3A_610 = tpu.vector_load %arg13[%get3A_608, %get3A_609] {strides = array<i32>} : memref<5x80xi32, #tpu.memory_space<vmem>>, vector<1x16xi32>,
      %get3A_611 = vector.shape_cast %get3A_610 : vector<1x16xi32> to vector<16xi32>
      %add3A_612 = arith.addi %mul3A_606, %get3A_611 : vector<16xi32>
      %swap3A_613 = arith.constant 2 : i32
      %swap3A_614 = arith.index_cast %swap3A_613 : i32 to index
      %swap3A_615 = arith.constant 48 : index
      %swap3A_616 = tpu.vector_load %arg14[%swap3A_614, %swap3A_615] {strides = array<i32>} : memref<5x80xi32, #tpu.memory_space<vmem>>, vector<1x16xi32>,
      %swap3A_617 = vector.shape_cast %swap3A_616 : vector<1x16xi32> to vector<16xi32>
      %swap3A_618 = vector.shape_cast %add3A_612 : vector<16xi32> to vector<1x16xi32>
      tpu.vector_store %arg14[%swap3A_614, %swap3A_615], %swap3A_618 {strides = array<i32>} : memref<5x80xi32, #tpu.memory_space<vmem>>, vector<1x16xi32>,
      %get3A_619 = arith.constant 2 : i32
      %get3A_620 = arith.index_cast %get3A_619 : i32 to index
      %get3A_621 = arith.constant 48 : index
      %get3A_622 = tpu.vector_load %arg11[%get3A_620, %get3A_621] {strides = array<i32>} : memref<5x80xi32, #tpu.memory_space<vmem>>, vector<1x16xi32>,
      %get3A_623 = vector.shape_cast %get3A_622 : vector<1x16xi32> to vector<16xi32>
      %mul3A_624 = arith.constant 4 : i32
      %mul3A_625 = vector.broadcast %mul3A_624 : i32 to vector<16xi32>
      %mul3A_626 = arith.muli %get3A_623, %mul3A_625 : vector<16xi32>
      %get3A_627 = arith.constant 2 : i32
      %get3A_628 = arith.index_cast %get3A_627 : i32 to index
      %get3A_629 = arith.constant 48 : index
      %get3A_630 = tpu.vector_load %arg13[%get3A_628, %get3A_629] {strides = array<i32>} : memref<5x80xi32, #tpu.memory_space<vmem>>, vector<1x16xi32>,
      %get3A_631 = vector.shape_cast %get3A_630 : vector<1x16xi32> to vector<16xi32>
      %add3A_632 = arith.addi %mul3A_626, %get3A_631 : vector<16xi32>
      %swap3A_633 = arith.constant 2 : i32
      %swap3A_634 = arith.index_cast %swap3A_633 : i32 to index
      %swap3A_635 = arith.constant 48 : index
      %swap3A_636 = tpu.vector_load %arg15[%swap3A_634, %swap3A_635] {strides = array<i32>} : memref<5x80xi32, #tpu.memory_space<vmem>>, vector<1x16xi32>,
      %swap3A_637 = vector.shape_cast %swap3A_636 : vector<1x16xi32> to vector<16xi32>
      %swap3A_638 = vector.shape_cast %add3A_632 : vector<16xi32> to vector<1x16xi32>
      tpu.vector_store %arg15[%swap3A_634, %swap3A_635], %swap3A_638 {strides = array<i32>} : memref<5x80xi32, #tpu.memory_space<vmem>>, vector<1x16xi32>,
      %get3A_639 = arith.constant 2 : i32
      %get3A_640 = arith.index_cast %get3A_639 : i32 to index
      %get3A_641 = arith.constant 64 : index
      %get3A_642 = tpu.vector_load %arg12[%get3A_640, %get3A_641] {strides = array<i32>} : memref<5x80xi32, #tpu.memory_space<vmem>>, vector<1x16xi32>,
      %get3A_643 = vector.shape_cast %get3A_642 : vector<1x16xi32> to vector<16xi32>
      %mul3A_644 = arith.constant 4 : i32
      %mul3A_645 = vector.broadcast %mul3A_644 : i32 to vector<16xi32>
      %mul3A_646 = arith.muli %get3A_643, %mul3A_645 : vector<16xi32>
      %get3A_647 = arith.constant 2 : i32
      %get3A_648 = arith.index_cast %get3A_647 : i32 to index
      %get3A_649 = arith.constant 64 : index
      %get3A_650 = tpu.vector_load %arg13[%get3A_648, %get3A_649] {strides = array<i32>} : memref<5x80xi32, #tpu.memory_space<vmem>>, vector<1x16xi32>,
      %get3A_651 = vector.shape_cast %get3A_650 : vector<1x16xi32> to vector<16xi32>
      %add3A_652 = arith.addi %mul3A_646, %get3A_651 : vector<16xi32>
      %swap3A_653 = arith.constant 2 : i32
      %swap3A_654 = arith.index_cast %swap3A_653 : i32 to index
      %swap3A_655 = arith.constant 64 : index
      %swap3A_656 = tpu.vector_load %arg14[%swap3A_654, %swap3A_655] {strides = array<i32>} : memref<5x80xi32, #tpu.memory_space<vmem>>, vector<1x16xi32>,
      %swap3A_657 = vector.shape_cast %swap3A_656 : vector<1x16xi32> to vector<16xi32>
      %swap3A_658 = vector.shape_cast %add3A_652 : vector<16xi32> to vector<1x16xi32>
      tpu.vector_store %arg14[%swap3A_654, %swap3A_655], %swap3A_658 {strides = array<i32>} : memref<5x80xi32, #tpu.memory_space<vmem>>, vector<1x16xi32>,
      %get3A_659 = arith.constant 2 : i32
      %get3A_660 = arith.index_cast %get3A_659 : i32 to index
      %get3A_661 = arith.constant 64 : index
      %get3A_662 = tpu.vector_load %arg11[%get3A_660, %get3A_661] {strides = array<i32>} : memref<5x80xi32, #tpu.memory_space<vmem>>, vector<1x16xi32>,
      %get3A_663 = vector.shape_cast %get3A_662 : vector<1x16xi32> to vector<16xi32>
      %mul3A_664 = arith.constant 4 : i32
      %mul3A_665 = vector.broadcast %mul3A_664 : i32 to vector<16xi32>
      %mul3A_666 = arith.muli %get3A_663, %mul3A_665 : vector<16xi32>
      %get3A_667 = arith.constant 2 : i32
      %get3A_668 = arith.index_cast %get3A_667 : i32 to index
      %get3A_669 = arith.constant 64 : index
      %get3A_670 = tpu.vector_load %arg13[%get3A_668, %get3A_669] {strides = array<i32>} : memref<5x80xi32, #tpu.memory_space<vmem>>, vector<1x16xi32>,
      %get3A_671 = vector.shape_cast %get3A_670 : vector<1x16xi32> to vector<16xi32>
      %add3A_672 = arith.addi %mul3A_666, %get3A_671 : vector<16xi32>
      %swap3A_673 = arith.constant 2 : i32
      %swap3A_674 = arith.index_cast %swap3A_673 : i32 to index
      %swap3A_675 = arith.constant 64 : index
      %swap3A_676 = tpu.vector_load %arg15[%swap3A_674, %swap3A_675] {strides = array<i32>} : memref<5x80xi32, #tpu.memory_space<vmem>>, vector<1x16xi32>,
      %swap3A_677 = vector.shape_cast %swap3A_676 : vector<1x16xi32> to vector<16xi32>
      %swap3A_678 = vector.shape_cast %add3A_672 : vector<16xi32> to vector<1x16xi32>
      tpu.vector_store %arg15[%swap3A_674, %swap3A_675], %swap3A_678 {strides = array<i32>} : memref<5x80xi32, #tpu.memory_space<vmem>>, vector<1x16xi32>,
      %get3A_679 = arith.constant 3 : i32
      %get3A_680 = arith.index_cast %get3A_679 : i32 to index
      %get3A_681 = arith.constant 0 : index
      %get3A_682 = tpu.vector_load %arg12[%get3A_680, %get3A_681] {strides = array<i32>} : memref<5x80xi32, #tpu.memory_space<vmem>>, vector<1x16xi32>,
      %get3A_683 = vector.shape_cast %get3A_682 : vector<1x16xi32> to vector<16xi32>
      %mul3A_684 = arith.constant 4 : i32
      %mul3A_685 = vector.broadcast %mul3A_684 : i32 to vector<16xi32>
      %mul3A_686 = arith.muli %get3A_683, %mul3A_685 : vector<16xi32>
      %get3A_687 = arith.constant 3 : i32
      %get3A_688 = arith.index_cast %get3A_687 : i32 to index
      %get3A_689 = arith.constant 0 : index
      %get3A_690 = tpu.vector_load %arg13[%get3A_688, %get3A_689] {strides = array<i32>} : memref<5x80xi32, #tpu.memory_space<vmem>>, vector<1x16xi32>,
      %get3A_691 = vector.shape_cast %get3A_690 : vector<1x16xi32> to vector<16xi32>
      %add3A_692 = arith.addi %mul3A_686, %get3A_691 : vector<16xi32>
      %swap3A_693 = arith.constant 3 : i32
      %swap3A_694 = arith.index_cast %swap3A_693 : i32 to index
      %swap3A_695 = arith.constant 0 : index
      %swap3A_696 = tpu.vector_load %arg14[%swap3A_694, %swap3A_695] {strides = array<i32>} : memref<5x80xi32, #tpu.memory_space<vmem>>, vector<1x16xi32>,
      %swap3A_697 = vector.shape_cast %swap3A_696 : vector<1x16xi32> to vector<16xi32>
      %swap3A_698 = vector.shape_cast %add3A_692 : vector<16xi32> to vector<1x16xi32>
      tpu.vector_store %arg14[%swap3A_694, %swap3A_695], %swap3A_698 {strides = array<i32>} : memref<5x80xi32, #tpu.memory_space<vmem>>, vector<1x16xi32>,
      %get3A_699 = arith.constant 3 : i32
      %get3A_700 = arith.index_cast %get3A_699 : i32 to index
      %get3A_701 = arith.constant 0 : index
      %get3A_702 = tpu.vector_load %arg11[%get3A_700, %get3A_701] {strides = array<i32>} : memref<5x80xi32, #tpu.memory_space<vmem>>, vector<1x16xi32>,
      %get3A_703 = vector.shape_cast %get3A_702 : vector<1x16xi32> to vector<16xi32>
      %mul3A_704 = arith.constant 4 : i32
      %mul3A_705 = vector.broadcast %mul3A_704 : i32 to vector<16xi32>
      %mul3A_706 = arith.muli %get3A_703, %mul3A_705 : vector<16xi32>
      %get3A_707 = arith.constant 3 : i32
      %get3A_708 = arith.index_cast %get3A_707 : i32 to index
      %get3A_709 = arith.constant 0 : index
      %get3A_710 = tpu.vector_load %arg13[%get3A_708, %get3A_709] {strides = array<i32>} : memref<5x80xi32, #tpu.memory_space<vmem>>, vector<1x16xi32>,
      %get3A_711 = vector.shape_cast %get3A_710 : vector<1x16xi32> to vector<16xi32>
      %add3A_712 = arith.addi %mul3A_706, %get3A_711 : vector<16xi32>
      %swap3A_713 = arith.constant 3 : i32
      %swap3A_714 = arith.index_cast %swap3A_713 : i32 to index
      %swap3A_715 = arith.constant 0 : index
      %swap3A_716 = tpu.vector_load %arg15[%swap3A_714, %swap3A_715] {strides = array<i32>} : memref<5x80xi32, #tpu.memory_space<vmem>>, vector<1x16xi32>,
      %swap3A_717 = vector.shape_cast %swap3A_716 : vector<1x16xi32> to vector<16xi32>
      %swap3A_718 = vector.shape_cast %add3A_712 : vector<16xi32> to vector<1x16xi32>
      tpu.vector_store %arg15[%swap3A_714, %swap3A_715], %swap3A_718 {strides = array<i32>} : memref<5x80xi32, #tpu.memory_space<vmem>>, vector<1x16xi32>,
      %get3A_719 = arith.constant 3 : i32
      %get3A_720 = arith.index_cast %get3A_719 : i32 to index
      %get3A_721 = arith.constant 16 : index
      %get3A_722 = tpu.vector_load %arg12[%get3A_720, %get3A_721] {strides = array<i32>} : memref<5x80xi32, #tpu.memory_space<vmem>>, vector<1x16xi32>,
      %get3A_723 = vector.shape_cast %get3A_722 : vector<1x16xi32> to vector<16xi32>
      %mul3A_724 = arith.constant 4 : i32
      %mul3A_725 = vector.broadcast %mul3A_724 : i32 to vector<16xi32>
      %mul3A_726 = arith.muli %get3A_723, %mul3A_725 : vector<16xi32>
      %get3A_727 = arith.constant 3 : i32
      %get3A_728 = arith.index_cast %get3A_727 : i32 to index
      %get3A_729 = arith.constant 16 : index
      %get3A_730 = tpu.vector_load %arg13[%get3A_728, %get3A_729] {strides = array<i32>} : memref<5x80xi32, #tpu.memory_space<vmem>>, vector<1x16xi32>,
      %get3A_731 = vector.shape_cast %get3A_730 : vector<1x16xi32> to vector<16xi32>
      %add3A_732 = arith.addi %mul3A_726, %get3A_731 : vector<16xi32>
      %swap3A_733 = arith.constant 3 : i32
      %swap3A_734 = arith.index_cast %swap3A_733 : i32 to index
      %swap3A_735 = arith.constant 16 : index
      %swap3A_736 = tpu.vector_load %arg14[%swap3A_734, %swap3A_735] {strides = array<i32>} : memref<5x80xi32, #tpu.memory_space<vmem>>, vector<1x16xi32>,
      %swap3A_737 = vector.shape_cast %swap3A_736 : vector<1x16xi32> to vector<16xi32>
      %swap3A_738 = vector.shape_cast %add3A_732 : vector<16xi32> to vector<1x16xi32>
      tpu.vector_store %arg14[%swap3A_734, %swap3A_735], %swap3A_738 {strides = array<i32>} : memref<5x80xi32, #tpu.memory_space<vmem>>, vector<1x16xi32>,
      %get3A_739 = arith.constant 3 : i32
      %get3A_740 = arith.index_cast %get3A_739 : i32 to index
      %get3A_741 = arith.constant 16 : index
      %get3A_742 = tpu.vector_load %arg11[%get3A_740, %get3A_741] {strides = array<i32>} : memref<5x80xi32, #tpu.memory_space<vmem>>, vector<1x16xi32>,
      %get3A_743 = vector.shape_cast %get3A_742 : vector<1x16xi32> to vector<16xi32>
      %mul3A_744 = arith.constant 4 : i32
      %mul3A_745 = vector.broadcast %mul3A_744 : i32 to vector<16xi32>
      %mul3A_746 = arith.muli %get3A_743, %mul3A_745 : vector<16xi32>
      %get3A_747 = arith.constant 3 : i32
      %get3A_748 = arith.index_cast %get3A_747 : i32 to index
      %get3A_749 = arith.constant 16 : index
      %get3A_750 = tpu.vector_load %arg13[%get3A_748, %get3A_749] {strides = array<i32>} : memref<5x80xi32, #tpu.memory_space<vmem>>, vector<1x16xi32>,
      %get3A_751 = vector.shape_cast %get3A_750 : vector<1x16xi32> to vector<16xi32>
      %add3A_752 = arith.addi %mul3A_746, %get3A_751 : vector<16xi32>
      %swap3A_753 = arith.constant 3 : i32
      %swap3A_754 = arith.index_cast %swap3A_753 : i32 to index
      %swap3A_755 = arith.constant 16 : index
      %swap3A_756 = tpu.vector_load %arg15[%swap3A_754, %swap3A_755] {strides = array<i32>} : memref<5x80xi32, #tpu.memory_space<vmem>>, vector<1x16xi32>,
      %swap3A_757 = vector.shape_cast %swap3A_756 : vector<1x16xi32> to vector<16xi32>
      %swap3A_758 = vector.shape_cast %add3A_752 : vector<16xi32> to vector<1x16xi32>
      tpu.vector_store %arg15[%swap3A_754, %swap3A_755], %swap3A_758 {strides = array<i32>} : memref<5x80xi32, #tpu.memory_space<vmem>>, vector<1x16xi32>,
      %get3A_759 = arith.constant 3 : i32
      %get3A_760 = arith.index_cast %get3A_759 : i32 to index
      %get3A_761 = arith.constant 32 : index
      %get3A_762 = tpu.vector_load %arg12[%get3A_760, %get3A_761] {strides = array<i32>} : memref<5x80xi32, #tpu.memory_space<vmem>>, vector<1x16xi32>,
      %get3A_763 = vector.shape_cast %get3A_762 : vector<1x16xi32> to vector<16xi32>
      %mul3A_764 = arith.constant 4 : i32
      %mul3A_765 = vector.broadcast %mul3A_764 : i32 to vector<16xi32>
      %mul3A_766 = arith.muli %get3A_763, %mul3A_765 : vector<16xi32>
      %get3A_767 = arith.constant 3 : i32
      %get3A_768 = arith.index_cast %get3A_767 : i32 to index
      %get3A_769 = arith.constant 32 : index
      %get3A_770 = tpu.vector_load %arg13[%get3A_768, %get3A_769] {strides = array<i32>} : memref<5x80xi32, #tpu.memory_space<vmem>>, vector<1x16xi32>,
      %get3A_771 = vector.shape_cast %get3A_770 : vector<1x16xi32> to vector<16xi32>
      %add3A_772 = arith.addi %mul3A_766, %get3A_771 : vector<16xi32>
      %swap3A_773 = arith.constant 3 : i32
      %swap3A_774 = arith.index_cast %swap3A_773 : i32 to index
      %swap3A_775 = arith.constant 32 : index
      %swap3A_776 = tpu.vector_load %arg14[%swap3A_774, %swap3A_775] {strides = array<i32>} : memref<5x80xi32, #tpu.memory_space<vmem>>, vector<1x16xi32>,
      %swap3A_777 = vector.shape_cast %swap3A_776 : vector<1x16xi32> to vector<16xi32>
      %swap3A_778 = vector.shape_cast %add3A_772 : vector<16xi32> to vector<1x16xi32>
      tpu.vector_store %arg14[%swap3A_774, %swap3A_775], %swap3A_778 {strides = array<i32>} : memref<5x80xi32, #tpu.memory_space<vmem>>, vector<1x16xi32>,
      %get3A_779 = arith.constant 3 : i32
      %get3A_780 = arith.index_cast %get3A_779 : i32 to index
      %get3A_781 = arith.constant 32 : index
      %get3A_782 = tpu.vector_load %arg11[%get3A_780, %get3A_781] {strides = array<i32>} : memref<5x80xi32, #tpu.memory_space<vmem>>, vector<1x16xi32>,
      %get3A_783 = vector.shape_cast %get3A_782 : vector<1x16xi32> to vector<16xi32>
      %mul3A_784 = arith.constant 4 : i32
      %mul3A_785 = vector.broadcast %mul3A_784 : i32 to vector<16xi32>
      %mul3A_786 = arith.muli %get3A_783, %mul3A_785 : vector<16xi32>
      %get3A_787 = arith.constant 3 : i32
      %get3A_788 = arith.index_cast %get3A_787 : i32 to index
      %get3A_789 = arith.constant 32 : index
      %get3A_790 = tpu.vector_load %arg13[%get3A_788, %get3A_789] {strides = array<i32>} : memref<5x80xi32, #tpu.memory_space<vmem>>, vector<1x16xi32>,
      %get3A_791 = vector.shape_cast %get3A_790 : vector<1x16xi32> to vector<16xi32>
      %add3A_792 = arith.addi %mul3A_786, %get3A_791 : vector<16xi32>
      %swap3A_793 = arith.constant 3 : i32
      %swap3A_794 = arith.index_cast %swap3A_793 : i32 to index
      %swap3A_795 = arith.constant 32 : index
      %swap3A_796 = tpu.vector_load %arg15[%swap3A_794, %swap3A_795] {strides = array<i32>} : memref<5x80xi32, #tpu.memory_space<vmem>>, vector<1x16xi32>,
      %swap3A_797 = vector.shape_cast %swap3A_796 : vector<1x16xi32> to vector<16xi32>
      %swap3A_798 = vector.shape_cast %add3A_792 : vector<16xi32> to vector<1x16xi32>
      tpu.vector_store %arg15[%swap3A_794, %swap3A_795], %swap3A_798 {strides = array<i32>} : memref<5x80xi32, #tpu.memory_space<vmem>>, vector<1x16xi32>,
      %get3A_799 = arith.constant 3 : i32
      %get3A_800 = arith.index_cast %get3A_799 : i32 to index
      %get3A_801 = arith.constant 48 : index
      %get3A_802 = tpu.vector_load %arg12[%get3A_800, %get3A_801] {strides = array<i32>} : memref<5x80xi32, #tpu.memory_space<vmem>>, vector<1x16xi32>,
      %get3A_803 = vector.shape_cast %get3A_802 : vector<1x16xi32> to vector<16xi32>
      %mul3A_804 = arith.constant 4 : i32
      %mul3A_805 = vector.broadcast %mul3A_804 : i32 to vector<16xi32>
      %mul3A_806 = arith.muli %get3A_803, %mul3A_805 : vector<16xi32>
      %get3A_807 = arith.constant 3 : i32
      %get3A_808 = arith.index_cast %get3A_807 : i32 to index
      %get3A_809 = arith.constant 48 : index
      %get3A_810 = tpu.vector_load %arg13[%get3A_808, %get3A_809] {strides = array<i32>} : memref<5x80xi32, #tpu.memory_space<vmem>>, vector<1x16xi32>,
      %get3A_811 = vector.shape_cast %get3A_810 : vector<1x16xi32> to vector<16xi32>
      %add3A_812 = arith.addi %mul3A_806, %get3A_811 : vector<16xi32>
      %swap3A_813 = arith.constant 3 : i32
      %swap3A_814 = arith.index_cast %swap3A_813 : i32 to index
      %swap3A_815 = arith.constant 48 : index
      %swap3A_816 = tpu.vector_load %arg14[%swap3A_814, %swap3A_815] {strides = array<i32>} : memref<5x80xi32, #tpu.memory_space<vmem>>, vector<1x16xi32>,
      %swap3A_817 = vector.shape_cast %swap3A_816 : vector<1x16xi32> to vector<16xi32>
      %swap3A_818 = vector.shape_cast %add3A_812 : vector<16xi32> to vector<1x16xi32>
      tpu.vector_store %arg14[%swap3A_814, %swap3A_815], %swap3A_818 {strides = array<i32>} : memref<5x80xi32, #tpu.memory_space<vmem>>, vector<1x16xi32>,
      %get3A_819 = arith.constant 3 : i32
      %get3A_820 = arith.index_cast %get3A_819 : i32 to index
      %get3A_821 = arith.constant 48 : index
      %get3A_822 = tpu.vector_load %arg11[%get3A_820, %get3A_821] {strides = array<i32>} : memref<5x80xi32, #tpu.memory_space<vmem>>, vector<1x16xi32>,
      %get3A_823 = vector.shape_cast %get3A_822 : vector<1x16xi32> to vector<16xi32>
      %mul3A_824 = arith.constant 4 : i32
      %mul3A_825 = vector.broadcast %mul3A_824 : i32 to vector<16xi32>
      %mul3A_826 = arith.muli %get3A_823, %mul3A_825 : vector<16xi32>
      %get3A_827 = arith.constant 3 : i32
      %get3A_828 = arith.index_cast %get3A_827 : i32 to index
      %get3A_829 = arith.constant 48 : index
      %get3A_830 = tpu.vector_load %arg13[%get3A_828, %get3A_829] {strides = array<i32>} : memref<5x80xi32, #tpu.memory_space<vmem>>, vector<1x16xi32>,
      %get3A_831 = vector.shape_cast %get3A_830 : vector<1x16xi32> to vector<16xi32>
      %add3A_832 = arith.addi %mul3A_826, %get3A_831 : vector<16xi32>
      %swap3A_833 = arith.constant 3 : i32
      %swap3A_834 = arith.index_cast %swap3A_833 : i32 to index
      %swap3A_835 = arith.constant 48 : index
      %swap3A_836 = tpu.vector_load %arg15[%swap3A_834, %swap3A_835] {strides = array<i32>} : memref<5x80xi32, #tpu.memory_space<vmem>>, vector<1x16xi32>,
      %swap3A_837 = vector.shape_cast %swap3A_836 : vector<1x16xi32> to vector<16xi32>
      %swap3A_838 = vector.shape_cast %add3A_832 : vector<16xi32> to vector<1x16xi32>
      tpu.vector_store %arg15[%swap3A_834, %swap3A_835], %swap3A_838 {strides = array<i32>} : memref<5x80xi32, #tpu.memory_space<vmem>>, vector<1x16xi32>,
      %get3A_839 = arith.constant 3 : i32
      %get3A_840 = arith.index_cast %get3A_839 : i32 to index
      %get3A_841 = arith.constant 64 : index
      %get3A_842 = tpu.vector_load %arg12[%get3A_840, %get3A_841] {strides = array<i32>} : memref<5x80xi32, #tpu.memory_space<vmem>>, vector<1x16xi32>,
      %get3A_843 = vector.shape_cast %get3A_842 : vector<1x16xi32> to vector<16xi32>
      %mul3A_844 = arith.constant 4 : i32
      %mul3A_845 = vector.broadcast %mul3A_844 : i32 to vector<16xi32>
      %mul3A_846 = arith.muli %get3A_843, %mul3A_845 : vector<16xi32>
      %get3A_847 = arith.constant 3 : i32
      %get3A_848 = arith.index_cast %get3A_847 : i32 to index
      %get3A_849 = arith.constant 64 : index
      %get3A_850 = tpu.vector_load %arg13[%get3A_848, %get3A_849] {strides = array<i32>} : memref<5x80xi32, #tpu.memory_space<vmem>>, vector<1x16xi32>,
      %get3A_851 = vector.shape_cast %get3A_850 : vector<1x16xi32> to vector<16xi32>
      %add3A_852 = arith.addi %mul3A_846, %get3A_851 : vector<16xi32>
      %swap3A_853 = arith.constant 3 : i32
      %swap3A_854 = arith.index_cast %swap3A_853 : i32 to index
      %swap3A_855 = arith.constant 64 : index
      %swap3A_856 = tpu.vector_load %arg14[%swap3A_854, %swap3A_855] {strides = array<i32>} : memref<5x80xi32, #tpu.memory_space<vmem>>, vector<1x16xi32>,
      %swap3A_857 = vector.shape_cast %swap3A_856 : vector<1x16xi32> to vector<16xi32>
      %swap3A_858 = vector.shape_cast %add3A_852 : vector<16xi32> to vector<1x16xi32>
      tpu.vector_store %arg14[%swap3A_854, %swap3A_855], %swap3A_858 {strides = array<i32>} : memref<5x80xi32, #tpu.memory_space<vmem>>, vector<1x16xi32>,
      %get3A_859 = arith.constant 3 : i32
      %get3A_860 = arith.index_cast %get3A_859 : i32 to index
      %get3A_861 = arith.constant 64 : index
      %get3A_862 = tpu.vector_load %arg11[%get3A_860, %get3A_861] {strides = array<i32>} : memref<5x80xi32, #tpu.memory_space<vmem>>, vector<1x16xi32>,
      %get3A_863 = vector.shape_cast %get3A_862 : vector<1x16xi32> to vector<16xi32>
      %mul3A_864 = arith.constant 4 : i32
      %mul3A_865 = vector.broadcast %mul3A_864 : i32 to vector<16xi32>
      %mul3A_866 = arith.muli %get3A_863, %mul3A_865 : vector<16xi32>
      %get3A_867 = arith.constant 3 : i32
      %get3A_868 = arith.index_cast %get3A_867 : i32 to index
      %get3A_869 = arith.constant 64 : index
      %get3A_870 = tpu.vector_load %arg13[%get3A_868, %get3A_869] {strides = array<i32>} : memref<5x80xi32, #tpu.memory_space<vmem>>, vector<1x16xi32>,
      %get3A_871 = vector.shape_cast %get3A_870 : vector<1x16xi32> to vector<16xi32>
      %add3A_872 = arith.addi %mul3A_866, %get3A_871 : vector<16xi32>
      %swap3A_873 = arith.constant 3 : i32
      %swap3A_874 = arith.index_cast %swap3A_873 : i32 to index
      %swap3A_875 = arith.constant 64 : index
      %swap3A_876 = tpu.vector_load %arg15[%swap3A_874, %swap3A_875] {strides = array<i32>} : memref<5x80xi32, #tpu.memory_space<vmem>>, vector<1x16xi32>,
      %swap3A_877 = vector.shape_cast %swap3A_876 : vector<1x16xi32> to vector<16xi32>
      %swap3A_878 = vector.shape_cast %add3A_872 : vector<16xi32> to vector<1x16xi32>
      tpu.vector_store %arg15[%swap3A_874, %swap3A_875], %swap3A_878 {strides = array<i32>} : memref<5x80xi32, #tpu.memory_space<vmem>>, vector<1x16xi32>,
      %get3A_879 = arith.constant 4 : i32
      %get3A_880 = arith.index_cast %get3A_879 : i32 to index
      %get3A_881 = arith.constant 0 : index
      %get3A_882 = tpu.vector_load %arg12[%get3A_880, %get3A_881] {strides = array<i32>} : memref<5x80xi32, #tpu.memory_space<vmem>>, vector<1x16xi32>,
      %get3A_883 = vector.shape_cast %get3A_882 : vector<1x16xi32> to vector<16xi32>
      %mul3A_884 = arith.constant 4 : i32
      %mul3A_885 = vector.broadcast %mul3A_884 : i32 to vector<16xi32>
      %mul3A_886 = arith.muli %get3A_883, %mul3A_885 : vector<16xi32>
      %get3A_887 = arith.constant 4 : i32
      %get3A_888 = arith.index_cast %get3A_887 : i32 to index
      %get3A_889 = arith.constant 0 : index
      %get3A_890 = tpu.vector_load %arg13[%get3A_888, %get3A_889] {strides = array<i32>} : memref<5x80xi32, #tpu.memory_space<vmem>>, vector<1x16xi32>,
      %get3A_891 = vector.shape_cast %get3A_890 : vector<1x16xi32> to vector<16xi32>
      %add3A_892 = arith.addi %mul3A_886, %get3A_891 : vector<16xi32>
      %swap3A_893 = arith.constant 4 : i32
      %swap3A_894 = arith.index_cast %swap3A_893 : i32 to index
      %swap3A_895 = arith.constant 0 : index
      %swap3A_896 = tpu.vector_load %arg14[%swap3A_894, %swap3A_895] {strides = array<i32>} : memref<5x80xi32, #tpu.memory_space<vmem>>, vector<1x16xi32>,
      %swap3A_897 = vector.shape_cast %swap3A_896 : vector<1x16xi32> to vector<16xi32>
      %swap3A_898 = vector.shape_cast %add3A_892 : vector<16xi32> to vector<1x16xi32>
      tpu.vector_store %arg14[%swap3A_894, %swap3A_895], %swap3A_898 {strides = array<i32>} : memref<5x80xi32, #tpu.memory_space<vmem>>, vector<1x16xi32>,
      %get3A_899 = arith.constant 4 : i32
      %get3A_900 = arith.index_cast %get3A_899 : i32 to index
      %get3A_901 = arith.constant 0 : index
      %get3A_902 = tpu.vector_load %arg11[%get3A_900, %get3A_901] {strides = array<i32>} : memref<5x80xi32, #tpu.memory_space<vmem>>, vector<1x16xi32>,
      %get3A_903 = vector.shape_cast %get3A_902 : vector<1x16xi32> to vector<16xi32>
      %mul3A_904 = arith.constant 4 : i32
      %mul3A_905 = vector.broadcast %mul3A_904 : i32 to vector<16xi32>
      %mul3A_906 = arith.muli %get3A_903, %mul3A_905 : vector<16xi32>
      %get3A_907 = arith.constant 4 : i32
      %get3A_908 = arith.index_cast %get3A_907 : i32 to index
      %get3A_909 = arith.constant 0 : index
      %get3A_910 = tpu.vector_load %arg13[%get3A_908, %get3A_909] {strides = array<i32>} : memref<5x80xi32, #tpu.memory_space<vmem>>, vector<1x16xi32>,
      %get3A_911 = vector.shape_cast %get3A_910 : vector<1x16xi32> to vector<16xi32>
      %add3A_912 = arith.addi %mul3A_906, %get3A_911 : vector<16xi32>
      %swap3A_913 = arith.constant 4 : i32
      %swap3A_914 = arith.index_cast %swap3A_913 : i32 to index
      %swap3A_915 = arith.constant 0 : index
      %swap3A_916 = tpu.vector_load %arg15[%swap3A_914, %swap3A_915] {strides = array<i32>} : memref<5x80xi32, #tpu.memory_space<vmem>>, vector<1x16xi32>,
      %swap3A_917 = vector.shape_cast %swap3A_916 : vector<1x16xi32> to vector<16xi32>
      %swap3A_918 = vector.shape_cast %add3A_912 : vector<16xi32> to vector<1x16xi32>
      tpu.vector_store %arg15[%swap3A_914, %swap3A_915], %swap3A_918 {strides = array<i32>} : memref<5x80xi32, #tpu.memory_space<vmem>>, vector<1x16xi32>,
      %get3A_919 = arith.constant 4 : i32
      %get3A_920 = arith.index_cast %get3A_919 : i32 to index
      %get3A_921 = arith.constant 16 : index
      %get3A_922 = tpu.vector_load %arg12[%get3A_920, %get3A_921] {strides = array<i32>} : memref<5x80xi32, #tpu.memory_space<vmem>>, vector<1x16xi32>,
      %get3A_923 = vector.shape_cast %get3A_922 : vector<1x16xi32> to vector<16xi32>
      %mul3A_924 = arith.constant 4 : i32
      %mul3A_925 = vector.broadcast %mul3A_924 : i32 to vector<16xi32>
      %mul3A_926 = arith.muli %get3A_923, %mul3A_925 : vector<16xi32>
      %get3A_927 = arith.constant 4 : i32
      %get3A_928 = arith.index_cast %get3A_927 : i32 to index
      %get3A_929 = arith.constant 16 : index
      %get3A_930 = tpu.vector_load %arg13[%get3A_928, %get3A_929] {strides = array<i32>} : memref<5x80xi32, #tpu.memory_space<vmem>>, vector<1x16xi32>,
      %get3A_931 = vector.shape_cast %get3A_930 : vector<1x16xi32> to vector<16xi32>
      %add3A_932 = arith.addi %mul3A_926, %get3A_931 : vector<16xi32>
      %swap3A_933 = arith.constant 4 : i32
      %swap3A_934 = arith.index_cast %swap3A_933 : i32 to index
      %swap3A_935 = arith.constant 16 : index
      %swap3A_936 = tpu.vector_load %arg14[%swap3A_934, %swap3A_935] {strides = array<i32>} : memref<5x80xi32, #tpu.memory_space<vmem>>, vector<1x16xi32>,
      %swap3A_937 = vector.shape_cast %swap3A_936 : vector<1x16xi32> to vector<16xi32>
      %swap3A_938 = vector.shape_cast %add3A_932 : vector<16xi32> to vector<1x16xi32>
      tpu.vector_store %arg14[%swap3A_934, %swap3A_935], %swap3A_938 {strides = array<i32>} : memref<5x80xi32, #tpu.memory_space<vmem>>, vector<1x16xi32>,
      %get3A_939 = arith.constant 4 : i32
      %get3A_940 = arith.index_cast %get3A_939 : i32 to index
      %get3A_941 = arith.constant 16 : index
      %get3A_942 = tpu.vector_load %arg11[%get3A_940, %get3A_941] {strides = array<i32>} : memref<5x80xi32, #tpu.memory_space<vmem>>, vector<1x16xi32>,
      %get3A_943 = vector.shape_cast %get3A_942 : vector<1x16xi32> to vector<16xi32>
      %mul3A_944 = arith.constant 4 : i32
      %mul3A_945 = vector.broadcast %mul3A_944 : i32 to vector<16xi32>
      %mul3A_946 = arith.muli %get3A_943, %mul3A_945 : vector<16xi32>
      %get3A_947 = arith.constant 4 : i32
      %get3A_948 = arith.index_cast %get3A_947 : i32 to index
      %get3A_949 = arith.constant 16 : index
      %get3A_950 = tpu.vector_load %arg13[%get3A_948, %get3A_949] {strides = array<i32>} : memref<5x80xi32, #tpu.memory_space<vmem>>, vector<1x16xi32>,
      %get3A_951 = vector.shape_cast %get3A_950 : vector<1x16xi32> to vector<16xi32>
      %add3A_952 = arith.addi %mul3A_946, %get3A_951 : vector<16xi32>
      %swap3A_953 = arith.constant 4 : i32
      %swap3A_954 = arith.index_cast %swap3A_953 : i32 to index
      %swap3A_955 = arith.constant 16 : index
      %swap3A_956 = tpu.vector_load %arg15[%swap3A_954, %swap3A_955] {strides = array<i32>} : memref<5x80xi32, #tpu.memory_space<vmem>>, vector<1x16xi32>,
      %swap3A_957 = vector.shape_cast %swap3A_956 : vector<1x16xi32> to vector<16xi32>
      %swap3A_958 = vector.shape_cast %add3A_952 : vector<16xi32> to vector<1x16xi32>
      tpu.vector_store %arg15[%swap3A_954, %swap3A_955], %swap3A_958 {strides = array<i32>} : memref<5x80xi32, #tpu.memory_space<vmem>>, vector<1x16xi32>,
      %get3A_959 = arith.constant 4 : i32
      %get3A_960 = arith.index_cast %get3A_959 : i32 to index
      %get3A_961 = arith.constant 32 : index
      %get3A_962 = tpu.vector_load %arg12[%get3A_960, %get3A_961] {strides = array<i32>} : memref<5x80xi32, #tpu.memory_space<vmem>>, vector<1x16xi32>,
      %get3A_963 = vector.shape_cast %get3A_962 : vector<1x16xi32> to vector<16xi32>
      %mul3A_964 = arith.constant 4 : i32
      %mul3A_965 = vector.broadcast %mul3A_964 : i32 to vector<16xi32>
      %mul3A_966 = arith.muli %get3A_963, %mul3A_965 : vector<16xi32>
      %get3A_967 = arith.constant 4 : i32
      %get3A_968 = arith.index_cast %get3A_967 : i32 to index
      %get3A_969 = arith.constant 32 : index
      %get3A_970 = tpu.vector_load %arg13[%get3A_968, %get3A_969] {strides = array<i32>} : memref<5x80xi32, #tpu.memory_space<vmem>>, vector<1x16xi32>,
      %get3A_971 = vector.shape_cast %get3A_970 : vector<1x16xi32> to vector<16xi32>
      %add3A_972 = arith.addi %mul3A_966, %get3A_971 : vector<16xi32>
      %swap3A_973 = arith.constant 4 : i32
      %swap3A_974 = arith.index_cast %swap3A_973 : i32 to index
      %swap3A_975 = arith.constant 32 : index
      %swap3A_976 = tpu.vector_load %arg14[%swap3A_974, %swap3A_975] {strides = array<i32>} : memref<5x80xi32, #tpu.memory_space<vmem>>, vector<1x16xi32>,
      %swap3A_977 = vector.shape_cast %swap3A_976 : vector<1x16xi32> to vector<16xi32>
      %swap3A_978 = vector.shape_cast %add3A_972 : vector<16xi32> to vector<1x16xi32>
      tpu.vector_store %arg14[%swap3A_974, %swap3A_975], %swap3A_978 {strides = array<i32>} : memref<5x80xi32, #tpu.memory_space<vmem>>, vector<1x16xi32>,
      %get3A_979 = arith.constant 4 : i32
      %get3A_980 = arith.index_cast %get3A_979 : i32 to index
      %get3A_981 = arith.constant 32 : index
      %get3A_982 = tpu.vector_load %arg11[%get3A_980, %get3A_981] {strides = array<i32>} : memref<5x80xi32, #tpu.memory_space<vmem>>, vector<1x16xi32>,
      %get3A_983 = vector.shape_cast %get3A_982 : vector<1x16xi32> to vector<16xi32>
      %mul3A_984 = arith.constant 4 : i32
      %mul3A_985 = vector.broadcast %mul3A_984 : i32 to vector<16xi32>
      %mul3A_986 = arith.muli %get3A_983, %mul3A_985 : vector<16xi32>
      %get3A_987 = arith.constant 4 : i32
      %get3A_988 = arith.index_cast %get3A_987 : i32 to index
      %get3A_989 = arith.constant 32 : index
      %get3A_990 = tpu.vector_load %arg13[%get3A_988, %get3A_989] {strides = array<i32>} : memref<5x80xi32, #tpu.memory_space<vmem>>, vector<1x16xi32>,
      %get3A_991 = vector.shape_cast %get3A_990 : vector<1x16xi32> to vector<16xi32>
      %add3A_992 = arith.addi %mul3A_986, %get3A_991 : vector<16xi32>
      %swap3A_993 = arith.constant 4 : i32
      %swap3A_994 = arith.index_cast %swap3A_993 : i32 to index
      %swap3A_995 = arith.constant 32 : index
      %swap3A_996 = tpu.vector_load %arg15[%swap3A_994, %swap3A_995] {strides = array<i32>} : memref<5x80xi32, #tpu.memory_space<vmem>>, vector<1x16xi32>,
      %swap3A_997 = vector.shape_cast %swap3A_996 : vector<1x16xi32> to vector<16xi32>
      %swap3A_998 = vector.shape_cast %add3A_992 : vector<16xi32> to vector<1x16xi32>
      tpu.vector_store %arg15[%swap3A_994, %swap3A_995], %swap3A_998 {strides = array<i32>} : memref<5x80xi32, #tpu.memory_space<vmem>>, vector<1x16xi32>,
      %get3A_999 = arith.constant 4 : i32
      %get3A_1000 = arith.index_cast %get3A_999 : i32 to index
      %get3A_1001 = arith.constant 48 : index
      %get3A_1002 = tpu.vector_load %arg12[%get3A_1000, %get3A_1001] {strides = array<i32>} : memref<5x80xi32, #tpu.memory_space<vmem>>, vector<1x16xi32>,
      %get3A_1003 = vector.shape_cast %get3A_1002 : vector<1x16xi32> to vector<16xi32>
      %mul3A_1004 = arith.constant 4 : i32
      %mul3A_1005 = vector.broadcast %mul3A_1004 : i32 to vector<16xi32>
      %mul3A_1006 = arith.muli %get3A_1003, %mul3A_1005 : vector<16xi32>
      %get3A_1007 = arith.constant 4 : i32
      %get3A_1008 = arith.index_cast %get3A_1007 : i32 to index
      %get3A_1009 = arith.constant 48 : index
      %get3A_1010 = tpu.vector_load %arg13[%get3A_1008, %get3A_1009] {strides = array<i32>} : memref<5x80xi32, #tpu.memory_space<vmem>>, vector<1x16xi32>,
      %get3A_1011 = vector.shape_cast %get3A_1010 : vector<1x16xi32> to vector<16xi32>
      %add3A_1012 = arith.addi %mul3A_1006, %get3A_1011 : vector<16xi32>
      %swap3A_1013 = arith.constant 4 : i32
      %swap3A_1014 = arith.index_cast %swap3A_1013 : i32 to index
      %swap3A_1015 = arith.constant 48 : index
      %swap3A_1016 = tpu.vector_load %arg14[%swap3A_1014, %swap3A_1015] {strides = array<i32>} : memref<5x80xi32, #tpu.memory_space<vmem>>, vector<1x16xi32>,
      %swap3A_1017 = vector.shape_cast %swap3A_1016 : vector<1x16xi32> to vector<16xi32>
      %swap3A_1018 = vector.shape_cast %add3A_1012 : vector<16xi32> to vector<1x16xi32>
      tpu.vector_store %arg14[%swap3A_1014, %swap3A_1015], %swap3A_1018 {strides = array<i32>} : memref<5x80xi32, #tpu.memory_space<vmem>>, vector<1x16xi32>,
      %get3A_1019 = arith.constant 4 : i32
      %get3A_1020 = arith.index_cast %get3A_1019 : i32 to index
      %get3A_1021 = arith.constant 48 : index
      %get3A_1022 = tpu.vector_load %arg11[%get3A_1020, %get3A_1021] {strides = array<i32>} : memref<5x80xi32, #tpu.memory_space<vmem>>, vector<1x16xi32>,
      %get3A_1023 = vector.shape_cast %get3A_1022 : vector<1x16xi32> to vector<16xi32>
      %mul3A_1024 = arith.constant 4 : i32
      %mul3A_1025 = vector.broadcast %mul3A_1024 : i32 to vector<16xi32>
      %mul3A_1026 = arith.muli %get3A_1023, %mul3A_1025 : vector<16xi32>
      %get3A_1027 = arith.constant 4 : i32
      %get3A_1028 = arith.index_cast %get3A_1027 : i32 to index
      %get3A_1029 = arith.constant 48 : index
      %get3A_1030 = tpu.vector_load %arg13[%get3A_1028, %get3A_1029] {strides = array<i32>} : memref<5x80xi32, #tpu.memory_space<vmem>>, vector<1x16xi32>,
      %get3A_1031 = vector.shape_cast %get3A_1030 : vector<1x16xi32> to vector<16xi32>
      %add3A_1032 = arith.addi %mul3A_1026, %get3A_1031 : vector<16xi32>
      %swap3A_1033 = arith.constant 4 : i32
      %swap3A_1034 = arith.index_cast %swap3A_1033 : i32 to index
      %swap3A_1035 = arith.constant 48 : index
      %swap3A_1036 = tpu.vector_load %arg15[%swap3A_1034, %swap3A_1035] {strides = array<i32>} : memref<5x80xi32, #tpu.memory_space<vmem>>, vector<1x16xi32>,
      %swap3A_1037 = vector.shape_cast %swap3A_1036 : vector<1x16xi32> to vector<16xi32>
      %swap3A_1038 = vector.shape_cast %add3A_1032 : vector<16xi32> to vector<1x16xi32>
      tpu.vector_store %arg15[%swap3A_1034, %swap3A_1035], %swap3A_1038 {strides = array<i32>} : memref<5x80xi32, #tpu.memory_space<vmem>>, vector<1x16xi32>,
      %get3A_1039 = arith.constant 4 : i32
      %get3A_1040 = arith.index_cast %get3A_1039 : i32 to index
      %get3A_1041 = arith.constant 64 : index
      %get3A_1042 = tpu.vector_load %arg12[%get3A_1040, %get3A_1041] {strides = array<i32>} : memref<5x80xi32, #tpu.memory_space<vmem>>, vector<1x16xi32>,
      %get3A_1043 = vector.shape_cast %get3A_1042 : vector<1x16xi32> to vector<16xi32>
      %mul3A_1044 = arith.constant 4 : i32
      %mul3A_1045 = vector.broadcast %mul3A_1044 : i32 to vector<16xi32>
      %mul3A_1046 = arith.muli %get3A_1043, %mul3A_1045 : vector<16xi32>
      %get3A_1047 = arith.constant 4 : i32
      %get3A_1048 = arith.index_cast %get3A_1047 : i32 to index
      %get3A_1049 = arith.constant 64 : index
      %get3A_1050 = tpu.vector_load %arg13[%get3A_1048, %get3A_1049] {strides = array<i32>} : memref<5x80xi32, #tpu.memory_space<vmem>>, vector<1x16xi32>,
      %get3A_1051 = vector.shape_cast %get3A_1050 : vector<1x16xi32> to vector<16xi32>
      %add3A_1052 = arith.addi %mul3A_1046, %get3A_1051 : vector<16xi32>
      %swap3A_1053 = arith.constant 4 : i32
      %swap3A_1054 = arith.index_cast %swap3A_1053 : i32 to index
      %swap3A_1055 = arith.constant 64 : index
      %swap3A_1056 = tpu.vector_load %arg14[%swap3A_1054, %swap3A_1055] {strides = array<i32>} : memref<5x80xi32, #tpu.memory_space<vmem>>, vector<1x16xi32>,
      %swap3A_1057 = vector.shape_cast %swap3A_1056 : vector<1x16xi32> to vector<16xi32>
      %swap3A_1058 = vector.shape_cast %add3A_1052 : vector<16xi32> to vector<1x16xi32>
      tpu.vector_store %arg14[%swap3A_1054, %swap3A_1055], %swap3A_1058 {strides = array<i32>} : memref<5x80xi32, #tpu.memory_space<vmem>>, vector<1x16xi32>,
      %get3A_1059 = arith.constant 4 : i32
      %get3A_1060 = arith.index_cast %get3A_1059 : i32 to index
      %get3A_1061 = arith.constant 64 : index
      %get3A_1062 = tpu.vector_load %arg11[%get3A_1060, %get3A_1061] {strides = array<i32>} : memref<5x80xi32, #tpu.memory_space<vmem>>, vector<1x16xi32>,
      %get3A_1063 = vector.shape_cast %get3A_1062 : vector<1x16xi32> to vector<16xi32>
      %mul3A_1064 = arith.constant 4 : i32
      %mul3A_1065 = vector.broadcast %mul3A_1064 : i32 to vector<16xi32>
      %mul3A_1066 = arith.muli %get3A_1063, %mul3A_1065 : vector<16xi32>
      %get3A_1067 = arith.constant 4 : i32
      %get3A_1068 = arith.index_cast %get3A_1067 : i32 to index
      %get3A_1069 = arith.constant 64 : index
      %get3A_1070 = tpu.vector_load %arg13[%get3A_1068, %get3A_1069] {strides = array<i32>} : memref<5x80xi32, #tpu.memory_space<vmem>>, vector<1x16xi32>,
      %get3A_1071 = vector.shape_cast %get3A_1070 : vector<1x16xi32> to vector<16xi32>
      %add3A_1072 = arith.addi %mul3A_1066, %get3A_1071 : vector<16xi32>
      %swap3A_1073 = arith.constant 4 : i32
      %swap3A_1074 = arith.index_cast %swap3A_1073 : i32 to index
      %swap3A_1075 = arith.constant 64 : index
      %swap3A_1076 = tpu.vector_load %arg15[%swap3A_1074, %swap3A_1075] {strides = array<i32>} : memref<5x80xi32, #tpu.memory_space<vmem>>, vector<1x16xi32>,
      %swap3A_1077 = vector.shape_cast %swap3A_1076 : vector<1x16xi32> to vector<16xi32>
      %swap3A_1078 = vector.shape_cast %add3A_1072 : vector<16xi32> to vector<1x16xi32>
      tpu.vector_store %arg15[%swap3A_1074, %swap3A_1075], %swap3A_1078 {strides = array<i32>} : memref<5x80xi32, #tpu.memory_space<vmem>>, vector<1x16xi32>,
      %dma_start3A_1079 = arith.constant 0 : i32
      %dma_start3A_1080 = arith.constant 0 : i32
      %dma_start3A_1081 = arith.constant 0 : i32
      %dma_start3A_1082 = tpu.memref_slice %arg16[%dma_start3A_1080, %dma_start3A_1081] : memref<400x16xf32, #tpu.memory_space<vmem>> -> memref<80x16xf32, #tpu.memory_space<vmem>>
      %dma_start3A_1083 = arith.constant 0 : i32
      %dma_start3A_1084 = tpu.memref_slice %arg14[%dma_start3A_1079, %dma_start3A_1083] : memref<5x80xi32, #tpu.memory_space<vmem>> -> memref<1x80xi32, #tpu.memory_space<vmem>>
      %dma_start3A_1085 = tpu.memref_squeeze %dma_start3A_1084 : memref<1x80xi32, #tpu.memory_space<vmem>> -> memref<80xi32, #tpu.memory_space<vmem>>
      %dma_start3A_1086 = arith.constant 0 : i32
      %dma_start3A_1087 = arith.constant 0 : i32
      %dma_start3A_1088 = tpu.memref_slice %arg5[%dma_start3A_1086, %dma_start3A_1087] : memref<40000x16xf32, #tpu.memory_space<hbm>> -> memref<40000x16xf32, #tpu.memory_space<hbm>>
      tpu.enqueue_indirect_dma source(%dma_start3A_1088 : memref<40000x16xf32, #tpu.memory_space<hbm>>) target(%dma_start3A_1082 : memref<80x16xf32, #tpu.memory_space<vmem>>) offsets(%dma_start3A_1085 : memref<80xi32, #tpu.memory_space<vmem>>) semaphore(%arg22 : memref<!tpu.dma_semaphore, #tpu.memory_space<semaphore_mem>>)
      %dma_start3A_1089 = arith.constant 0 : i32
      %dma_start3A_1090 = arith.constant 0 : i32
      %dma_start3A_1091 = arith.constant 0 : i32
      %dma_start3A_1092 = tpu.memref_slice %arg17[%dma_start3A_1090, %dma_start3A_1091] : memref<400x16xf32, #tpu.memory_space<vmem>> -> memref<80x16xf32, #tpu.memory_space<vmem>>
      %dma_start3A_1093 = arith.constant 0 : i32
      %dma_start3A_1094 = tpu.memref_slice %arg15[%dma_start3A_1089, %dma_start3A_1093] : memref<5x80xi32, #tpu.memory_space<vmem>> -> memref<1x80xi32, #tpu.memory_space<vmem>>
      %dma_start3A_1095 = tpu.memref_squeeze %dma_start3A_1094 : memref<1x80xi32, #tpu.memory_space<vmem>> -> memref<80xi32, #tpu.memory_space<vmem>>
      %dma_start3A_1096 = arith.constant 0 : i32
      %dma_start3A_1097 = arith.constant 0 : i32
      %dma_start3A_1098 = tpu.memref_slice %arg6[%dma_start3A_1096, %dma_start3A_1097] : memref<40000x16xf32, #tpu.memory_space<hbm>> -> memref<40000x16xf32, #tpu.memory_space<hbm>>
      tpu.enqueue_indirect_dma source(%dma_start3A_1098 : memref<40000x16xf32, #tpu.memory_space<hbm>>) target(%dma_start3A_1092 : memref<80x16xf32, #tpu.memory_space<vmem>>) offsets(%dma_start3A_1095 : memref<80xi32, #tpu.memory_space<vmem>>) semaphore(%arg22 : memref<!tpu.dma_semaphore, #tpu.memory_space<semaphore_mem>>)
      %dma_start3A_1099 = arith.constant 1 : i32
      %dma_start3A_1100 = arith.constant 80 : i32
      %dma_start3A_1101 = arith.constant 0 : i32
      %dma_start3A_1102 = tpu.memref_slice %arg16[%dma_start3A_1100, %dma_start3A_1101] : memref<400x16xf32, #tpu.memory_space<vmem>> -> memref<80x16xf32, #tpu.memory_space<vmem>>
      %dma_start3A_1103 = arith.constant 0 : i32
      %dma_start3A_1104 = tpu.memref_slice %arg14[%dma_start3A_1099, %dma_start3A_1103] : memref<5x80xi32, #tpu.memory_space<vmem>> -> memref<1x80xi32, #tpu.memory_space<vmem>>
      %dma_start3A_1105 = tpu.memref_squeeze %dma_start3A_1104 : memref<1x80xi32, #tpu.memory_space<vmem>> -> memref<80xi32, #tpu.memory_space<vmem>>
      %dma_start3A_1106 = arith.constant 0 : i32
      %dma_start3A_1107 = arith.constant 0 : i32
      %dma_start3A_1108 = tpu.memref_slice %arg5[%dma_start3A_1106, %dma_start3A_1107] : memref<40000x16xf32, #tpu.memory_space<hbm>> -> memref<40000x16xf32, #tpu.memory_space<hbm>>
      tpu.enqueue_indirect_dma source(%dma_start3A_1108 : memref<40000x16xf32, #tpu.memory_space<hbm>>) target(%dma_start3A_1102 : memref<80x16xf32, #tpu.memory_space<vmem>>) offsets(%dma_start3A_1105 : memref<80xi32, #tpu.memory_space<vmem>>) semaphore(%arg22 : memref<!tpu.dma_semaphore, #tpu.memory_space<semaphore_mem>>)
      %dma_start3A_1109 = arith.constant 1 : i32
      %dma_start3A_1110 = arith.constant 80 : i32
      %dma_start3A_1111 = arith.constant 0 : i32
      %dma_start3A_1112 = tpu.memref_slice %arg17[%dma_start3A_1110, %dma_start3A_1111] : memref<400x16xf32, #tpu.memory_space<vmem>> -> memref<80x16xf32, #tpu.memory_space<vmem>>
      %dma_start3A_1113 = arith.constant 0 : i32
      %dma_start3A_1114 = tpu.memref_slice %arg15[%dma_start3A_1109, %dma_start3A_1113] : memref<5x80xi32, #tpu.memory_space<vmem>> -> memref<1x80xi32, #tpu.memory_space<vmem>>
      %dma_start3A_1115 = tpu.memref_squeeze %dma_start3A_1114 : memref<1x80xi32, #tpu.memory_space<vmem>> -> memref<80xi32, #tpu.memory_space<vmem>>
      %dma_start3A_1116 = arith.constant 0 : i32
      %dma_start3A_1117 = arith.constant 0 : i32
      %dma_start3A_1118 = tpu.memref_slice %arg6[%dma_start3A_1116, %dma_start3A_1117] : memref<40000x16xf32, #tpu.memory_space<hbm>> -> memref<40000x16xf32, #tpu.memory_space<hbm>>
      tpu.enqueue_indirect_dma source(%dma_start3A_1118 : memref<40000x16xf32, #tpu.memory_space<hbm>>) target(%dma_start3A_1112 : memref<80x16xf32, #tpu.memory_space<vmem>>) offsets(%dma_start3A_1115 : memref<80xi32, #tpu.memory_space<vmem>>) semaphore(%arg22 : memref<!tpu.dma_semaphore, #tpu.memory_space<semaphore_mem>>)
      %dma_start3A_1119 = arith.constant 2 : i32
      %dma_start3A_1120 = arith.constant 160 : i32
      %dma_start3A_1121 = arith.constant 0 : i32
      %dma_start3A_1122 = tpu.memref_slice %arg16[%dma_start3A_1120, %dma_start3A_1121] : memref<400x16xf32, #tpu.memory_space<vmem>> -> memref<80x16xf32, #tpu.memory_space<vmem>>
      %dma_start3A_1123 = arith.constant 0 : i32
      %dma_start3A_1124 = tpu.memref_slice %arg14[%dma_start3A_1119, %dma_start3A_1123] : memref<5x80xi32, #tpu.memory_space<vmem>> -> memref<1x80xi32, #tpu.memory_space<vmem>>
      %dma_start3A_1125 = tpu.memref_squeeze %dma_start3A_1124 : memref<1x80xi32, #tpu.memory_space<vmem>> -> memref<80xi32, #tpu.memory_space<vmem>>
      %dma_start3A_1126 = arith.constant 0 : i32
      %dma_start3A_1127 = arith.constant 0 : i32
      %dma_start3A_1128 = tpu.memref_slice %arg5[%dma_start3A_1126, %dma_start3A_1127] : memref<40000x16xf32, #tpu.memory_space<hbm>> -> memref<40000x16xf32, #tpu.memory_space<hbm>>
      tpu.enqueue_indirect_dma source(%dma_start3A_1128 : memref<40000x16xf32, #tpu.memory_space<hbm>>) target(%dma_start3A_1122 : memref<80x16xf32, #tpu.memory_space<vmem>>) offsets(%dma_start3A_1125 : memref<80xi32, #tpu.memory_space<vmem>>) semaphore(%arg22 : memref<!tpu.dma_semaphore, #tpu.memory_space<semaphore_mem>>)
      %dma_start3A_1129 = arith.constant 2 : i32
      %dma_start3A_1130 = arith.constant 160 : i32
      %dma_start3A_1131 = arith.constant 0 : i32
      %dma_start3A_1132 = tpu.memref_slice %arg17[%dma_start3A_1130, %dma_start3A_1131] : memref<400x16xf32, #tpu.memory_space<vmem>> -> memref<80x16xf32, #tpu.memory_space<vmem>>
      %dma_start3A_1133 = arith.constant 0 : i32
      %dma_start3A_1134 = tpu.memref_slice %arg15[%dma_start3A_1129, %dma_start3A_1133] : memref<5x80xi32, #tpu.memory_space<vmem>> -> memref<1x80xi32, #tpu.memory_space<vmem>>
      %dma_start3A_1135 = tpu.memref_squeeze %dma_start3A_1134 : memref<1x80xi32, #tpu.memory_space<vmem>> -> memref<80xi32, #tpu.memory_space<vmem>>
      %dma_start3A_1136 = arith.constant 0 : i32
      %dma_start3A_1137 = arith.constant 0 : i32
      %dma_start3A_1138 = tpu.memref_slice %arg6[%dma_start3A_1136, %dma_start3A_1137] : memref<40000x16xf32, #tpu.memory_space<hbm>> -> memref<40000x16xf32, #tpu.memory_space<hbm>>
      tpu.enqueue_indirect_dma source(%dma_start3A_1138 : memref<40000x16xf32, #tpu.memory_space<hbm>>) target(%dma_start3A_1132 : memref<80x16xf32, #tpu.memory_space<vmem>>) offsets(%dma_start3A_1135 : memref<80xi32, #tpu.memory_space<vmem>>) semaphore(%arg22 : memref<!tpu.dma_semaphore, #tpu.memory_space<semaphore_mem>>)
      %dma_start3A_1139 = arith.constant 3 : i32
      %dma_start3A_1140 = arith.constant 240 : i32
      %dma_start3A_1141 = arith.constant 0 : i32
      %dma_start3A_1142 = tpu.memref_slice %arg16[%dma_start3A_1140, %dma_start3A_1141] : memref<400x16xf32, #tpu.memory_space<vmem>> -> memref<80x16xf32, #tpu.memory_space<vmem>>
      %dma_start3A_1143 = arith.constant 0 : i32
      %dma_start3A_1144 = tpu.memref_slice %arg14[%dma_start3A_1139, %dma_start3A_1143] : memref<5x80xi32, #tpu.memory_space<vmem>> -> memref<1x80xi32, #tpu.memory_space<vmem>>
      %dma_start3A_1145 = tpu.memref_squeeze %dma_start3A_1144 : memref<1x80xi32, #tpu.memory_space<vmem>> -> memref<80xi32, #tpu.memory_space<vmem>>
      %dma_start3A_1146 = arith.constant 0 : i32
      %dma_start3A_1147 = arith.constant 0 : i32
      %dma_start3A_1148 = tpu.memref_slice %arg5[%dma_start3A_1146, %dma_start3A_1147] : memref<40000x16xf32, #tpu.memory_space<hbm>> -> memref<40000x16xf32, #tpu.memory_space<hbm>>
      tpu.enqueue_indirect_dma source(%dma_start3A_1148 : memref<40000x16xf32, #tpu.memory_space<hbm>>) target(%dma_start3A_1142 : memref<80x16xf32, #tpu.memory_space<vmem>>) offsets(%dma_start3A_1145 : memref<80xi32, #tpu.memory_space<vmem>>) semaphore(%arg22 : memref<!tpu.dma_semaphore, #tpu.memory_space<semaphore_mem>>)
      %dma_start3A_1149 = arith.constant 3 : i32
      %dma_start3A_1150 = arith.constant 240 : i32
      %dma_start3A_1151 = arith.constant 0 : i32
      %dma_start3A_1152 = tpu.memref_slice %arg17[%dma_start3A_1150, %dma_start3A_1151] : memref<400x16xf32, #tpu.memory_space<vmem>> -> memref<80x16xf32, #tpu.memory_space<vmem>>
      %dma_start3A_1153 = arith.constant 0 : i32
      %dma_start3A_1154 = tpu.memref_slice %arg15[%dma_start3A_1149, %dma_start3A_1153] : memref<5x80xi32, #tpu.memory_space<vmem>> -> memref<1x80xi32, #tpu.memory_space<vmem>>
      %dma_start3A_1155 = tpu.memref_squeeze %dma_start3A_1154 : memref<1x80xi32, #tpu.memory_space<vmem>> -> memref<80xi32, #tpu.memory_space<vmem>>
      %dma_start3A_1156 = arith.constant 0 : i32
      %dma_start3A_1157 = arith.constant 0 : i32
      %dma_start3A_1158 = tpu.memref_slice %arg6[%dma_start3A_1156, %dma_start3A_1157] : memref<40000x16xf32, #tpu.memory_space<hbm>> -> memref<40000x16xf32, #tpu.memory_space<hbm>>
      tpu.enqueue_indirect_dma source(%dma_start3A_1158 : memref<40000x16xf32, #tpu.memory_space<hbm>>) target(%dma_start3A_1152 : memref<80x16xf32, #tpu.memory_space<vmem>>) offsets(%dma_start3A_1155 : memref<80xi32, #tpu.memory_space<vmem>>) semaphore(%arg22 : memref<!tpu.dma_semaphore, #tpu.memory_space<semaphore_mem>>)
      %dma_start3A_1159 = arith.constant 4 : i32
      %dma_start3A_1160 = arith.constant 320 : i32
      %dma_start3A_1161 = arith.constant 0 : i32
      %dma_start3A_1162 = tpu.memref_slice %arg16[%dma_start3A_1160, %dma_start3A_1161] : memref<400x16xf32, #tpu.memory_space<vmem>> -> memref<80x16xf32, #tpu.memory_space<vmem>>
      %dma_start3A_1163 = arith.constant 0 : i32
      %dma_start3A_1164 = tpu.memref_slice %arg14[%dma_start3A_1159, %dma_start3A_1163] : memref<5x80xi32, #tpu.memory_space<vmem>> -> memref<1x80xi32, #tpu.memory_space<vmem>>
      %dma_start3A_1165 = tpu.memref_squeeze %dma_start3A_1164 : memref<1x80xi32, #tpu.memory_space<vmem>> -> memref<80xi32, #tpu.memory_space<vmem>>
      %dma_start3A_1166 = arith.constant 0 : i32
      %dma_start3A_1167 = arith.constant 0 : i32
      %dma_start3A_1168 = tpu.memref_slice %arg5[%dma_start3A_1166, %dma_start3A_1167] : memref<40000x16xf32, #tpu.memory_space<hbm>> -> memref<40000x16xf32, #tpu.memory_space<hbm>>
      tpu.enqueue_indirect_dma source(%dma_start3A_1168 : memref<40000x16xf32, #tpu.memory_space<hbm>>) target(%dma_start3A_1162 : memref<80x16xf32, #tpu.memory_space<vmem>>) offsets(%dma_start3A_1165 : memref<80xi32, #tpu.memory_space<vmem>>) semaphore(%arg22 : memref<!tpu.dma_semaphore, #tpu.memory_space<semaphore_mem>>)
      %dma_start3A_1169 = arith.constant 4 : i32
      %dma_start3A_1170 = arith.constant 320 : i32
      %dma_start3A_1171 = arith.constant 0 : i32
      %dma_start3A_1172 = tpu.memref_slice %arg17[%dma_start3A_1170, %dma_start3A_1171] : memref<400x16xf32, #tpu.memory_space<vmem>> -> memref<80x16xf32, #tpu.memory_space<vmem>>
      %dma_start3A_1173 = arith.constant 0 : i32
      %dma_start3A_1174 = tpu.memref_slice %arg15[%dma_start3A_1169, %dma_start3A_1173] : memref<5x80xi32, #tpu.memory_space<vmem>> -> memref<1x80xi32, #tpu.memory_space<vmem>>
      %dma_start3A_1175 = tpu.memref_squeeze %dma_start3A_1174 : memref<1x80xi32, #tpu.memory_space<vmem>> -> memref<80xi32, #tpu.memory_space<vmem>>
      %dma_start3A_1176 = arith.constant 0 : i32
      %dma_start3A_1177 = arith.constant 0 : i32
      %dma_start3A_1178 = tpu.memref_slice %arg6[%dma_start3A_1176, %dma_start3A_1177] : memref<40000x16xf32, #tpu.memory_space<hbm>> -> memref<40000x16xf32, #tpu.memory_space<hbm>>
      tpu.enqueue_indirect_dma source(%dma_start3A_1178 : memref<40000x16xf32, #tpu.memory_space<hbm>>) target(%dma_start3A_1172 : memref<80x16xf32, #tpu.memory_space<vmem>>) offsets(%dma_start3A_1175 : memref<80xi32, #tpu.memory_space<vmem>>) semaphore(%arg22 : memref<!tpu.dma_semaphore, #tpu.memory_space<semaphore_mem>>)
      %eq3A_1179 = arith.constant 0 : i32
      %eq3A_1180 = arith.cmpi eq, %arg0, %eq3A_1179 : i32
      %convert_element_type3A_1181 = arith.extui %eq3A_1180 : i1 to i32
      %cond3A_1182 = arith.constant 0 : i32
      %cond3A_1183 = arith.cmpi ne, %convert_element_type3A_1181, %cond3A_1182 : i32
      scf.if %cond3A_1183 {
        %dma_start3A_1507 = arith.constant 0 : i32
        %dma_start3A_1508 = arith.constant 0 : i32
        %dma_start3A_1509 = arith.constant 0 : i32
        %dma_start3A_1510 = tpu.memref_slice %arg19[%dma_start3A_1508, %dma_start3A_1509] : memref<400x64xf32, #tpu.memory_space<vmem>> -> memref<80x64xf32, #tpu.memory_space<vmem>>
        %dma_start3A_1511 = arith.constant 0 : i32
        %dma_start3A_1512 = tpu.memref_slice %arg11[%dma_start3A_1507, %dma_start3A_1511] : memref<5x80xi32, #tpu.memory_space<vmem>> -> memref<1x80xi32, #tpu.memory_space<vmem>>
        %dma_start3A_1513 = tpu.memref_squeeze %dma_start3A_1512 : memref<1x80xi32, #tpu.memory_space<vmem>> -> memref<80xi32, #tpu.memory_space<vmem>>
        %dma_start3A_1514 = arith.constant 0 : i32
        %dma_start3A_1515 = arith.constant 0 : i32
        %dma_start3A_1516 = tpu.memref_slice %arg7[%dma_start3A_1514, %dma_start3A_1515] : memref<10000x64xf32, #tpu.memory_space<hbm>> -> memref<10000x64xf32, #tpu.memory_space<hbm>>
        tpu.enqueue_indirect_dma source(%dma_start3A_1516 : memref<10000x64xf32, #tpu.memory_space<hbm>>) target(%dma_start3A_1510 : memref<80x64xf32, #tpu.memory_space<vmem>>) offsets(%dma_start3A_1513 : memref<80xi32, #tpu.memory_space<vmem>>) semaphore(%arg22 : memref<!tpu.dma_semaphore, #tpu.memory_space<semaphore_mem>>)
        %dma_start3A_1517 = arith.constant 1 : i32
        %dma_start3A_1518 = arith.constant 80 : i32
        %dma_start3A_1519 = arith.constant 0 : i32
        %dma_start3A_1520 = tpu.memref_slice %arg19[%dma_start3A_1518, %dma_start3A_1519] : memref<400x64xf32, #tpu.memory_space<vmem>> -> memref<80x64xf32, #tpu.memory_space<vmem>>
        %dma_start3A_1521 = arith.constant 0 : i32
        %dma_start3A_1522 = tpu.memref_slice %arg11[%dma_start3A_1517, %dma_start3A_1521] : memref<5x80xi32, #tpu.memory_space<vmem>> -> memref<1x80xi32, #tpu.memory_space<vmem>>
        %dma_start3A_1523 = tpu.memref_squeeze %dma_start3A_1522 : memref<1x80xi32, #tpu.memory_space<vmem>> -> memref<80xi32, #tpu.memory_space<vmem>>
        %dma_start3A_1524 = arith.constant 0 : i32
        %dma_start3A_1525 = arith.constant 0 : i32
        %dma_start3A_1526 = tpu.memref_slice %arg7[%dma_start3A_1524, %dma_start3A_1525] : memref<10000x64xf32, #tpu.memory_space<hbm>> -> memref<10000x64xf32, #tpu.memory_space<hbm>>
        tpu.enqueue_indirect_dma source(%dma_start3A_1526 : memref<10000x64xf32, #tpu.memory_space<hbm>>) target(%dma_start3A_1520 : memref<80x64xf32, #tpu.memory_space<vmem>>) offsets(%dma_start3A_1523 : memref<80xi32, #tpu.memory_space<vmem>>) semaphore(%arg22 : memref<!tpu.dma_semaphore, #tpu.memory_space<semaphore_mem>>)
        %dma_start3A_1527 = arith.constant 2 : i32
        %dma_start3A_1528 = arith.constant 160 : i32
        %dma_start3A_1529 = arith.constant 0 : i32
        %dma_start3A_1530 = tpu.memref_slice %arg19[%dma_start3A_1528, %dma_start3A_1529] : memref<400x64xf32, #tpu.memory_space<vmem>> -> memref<80x64xf32, #tpu.memory_space<vmem>>
        %dma_start3A_1531 = arith.constant 0 : i32
        %dma_start3A_1532 = tpu.memref_slice %arg11[%dma_start3A_1527, %dma_start3A_1531] : memref<5x80xi32, #tpu.memory_space<vmem>> -> memref<1x80xi32, #tpu.memory_space<vmem>>
        %dma_start3A_1533 = tpu.memref_squeeze %dma_start3A_1532 : memref<1x80xi32, #tpu.memory_space<vmem>> -> memref<80xi32, #tpu.memory_space<vmem>>
        %dma_start3A_1534 = arith.constant 0 : i32
        %dma_start3A_1535 = arith.constant 0 : i32
        %dma_start3A_1536 = tpu.memref_slice %arg7[%dma_start3A_1534, %dma_start3A_1535] : memref<10000x64xf32, #tpu.memory_space<hbm>> -> memref<10000x64xf32, #tpu.memory_space<hbm>>
        tpu.enqueue_indirect_dma source(%dma_start3A_1536 : memref<10000x64xf32, #tpu.memory_space<hbm>>) target(%dma_start3A_1530 : memref<80x64xf32, #tpu.memory_space<vmem>>) offsets(%dma_start3A_1533 : memref<80xi32, #tpu.memory_space<vmem>>) semaphore(%arg22 : memref<!tpu.dma_semaphore, #tpu.memory_space<semaphore_mem>>)
        %dma_start3A_1537 = arith.constant 3 : i32
        %dma_start3A_1538 = arith.constant 240 : i32
        %dma_start3A_1539 = arith.constant 0 : i32
        %dma_start3A_1540 = tpu.memref_slice %arg19[%dma_start3A_1538, %dma_start3A_1539] : memref<400x64xf32, #tpu.memory_space<vmem>> -> memref<80x64xf32, #tpu.memory_space<vmem>>
        %dma_start3A_1541 = arith.constant 0 : i32
        %dma_start3A_1542 = tpu.memref_slice %arg11[%dma_start3A_1537, %dma_start3A_1541] : memref<5x80xi32, #tpu.memory_space<vmem>> -> memref<1x80xi32, #tpu.memory_space<vmem>>
        %dma_start3A_1543 = tpu.memref_squeeze %dma_start3A_1542 : memref<1x80xi32, #tpu.memory_space<vmem>> -> memref<80xi32, #tpu.memory_space<vmem>>
        %dma_start3A_1544 = arith.constant 0 : i32
        %dma_start3A_1545 = arith.constant 0 : i32
        %dma_start3A_1546 = tpu.memref_slice %arg7[%dma_start3A_1544, %dma_start3A_1545] : memref<10000x64xf32, #tpu.memory_space<hbm>> -> memref<10000x64xf32, #tpu.memory_space<hbm>>
        tpu.enqueue_indirect_dma source(%dma_start3A_1546 : memref<10000x64xf32, #tpu.memory_space<hbm>>) target(%dma_start3A_1540 : memref<80x64xf32, #tpu.memory_space<vmem>>) offsets(%dma_start3A_1543 : memref<80xi32, #tpu.memory_space<vmem>>) semaphore(%arg22 : memref<!tpu.dma_semaphore, #tpu.memory_space<semaphore_mem>>)
        %dma_start3A_1547 = arith.constant 4 : i32
        %dma_start3A_1548 = arith.constant 320 : i32
        %dma_start3A_1549 = arith.constant 0 : i32
        %dma_start3A_1550 = tpu.memref_slice %arg19[%dma_start3A_1548, %dma_start3A_1549] : memref<400x64xf32, #tpu.memory_space<vmem>> -> memref<80x64xf32, #tpu.memory_space<vmem>>
        %dma_start3A_1551 = arith.constant 0 : i32
        %dma_start3A_1552 = tpu.memref_slice %arg11[%dma_start3A_1547, %dma_start3A_1551] : memref<5x80xi32, #tpu.memory_space<vmem>> -> memref<1x80xi32, #tpu.memory_space<vmem>>
        %dma_start3A_1553 = tpu.memref_squeeze %dma_start3A_1552 : memref<1x80xi32, #tpu.memory_space<vmem>> -> memref<80xi32, #tpu.memory_space<vmem>>
        %dma_start3A_1554 = arith.constant 0 : i32
        %dma_start3A_1555 = arith.constant 0 : i32
        %dma_start3A_1556 = tpu.memref_slice %arg7[%dma_start3A_1554, %dma_start3A_1555] : memref<10000x64xf32, #tpu.memory_space<hbm>> -> memref<10000x64xf32, #tpu.memory_space<hbm>>
        tpu.enqueue_indirect_dma source(%dma_start3A_1556 : memref<10000x64xf32, #tpu.memory_space<hbm>>) target(%dma_start3A_1550 : memref<80x64xf32, #tpu.memory_space<vmem>>) offsets(%dma_start3A_1553 : memref<80xi32, #tpu.memory_space<vmem>>) semaphore(%arg22 : memref<!tpu.dma_semaphore, #tpu.memory_space<semaphore_mem>>)
        %dma_wait3A_1557 = arith.constant 0 : i32
        %dma_wait3A_1558 = arith.constant 0 : i32
        %dma_wait3A_1559 = arith.constant 0 : i32
        %dma_wait3A_1560 = tpu.memref_slice %arg19[%dma_wait3A_1558, %dma_wait3A_1559] : memref<400x64xf32, #tpu.memory_space<vmem>> -> memref<80x64xf32, #tpu.memory_space<vmem>>
        %dma_wait3A_1561 = arith.constant 0 : i32
        %dma_wait3A_1562 = tpu.memref_slice %arg11[%dma_wait3A_1557, %dma_wait3A_1561] : memref<5x80xi32, #tpu.memory_space<vmem>> -> memref<1x80xi32, #tpu.memory_space<vmem>>
        %dma_wait3A_1563 = tpu.memref_squeeze %dma_wait3A_1562 : memref<1x80xi32, #tpu.memory_space<vmem>> -> memref<80xi32, #tpu.memory_space<vmem>>
        %dma_wait3A_1564 = arith.constant 0 : i32
        %dma_wait3A_1565 = arith.constant 0 : i32
        %dma_wait3A_1566 = tpu.memref_slice %arg7[%dma_wait3A_1564, %dma_wait3A_1565] : memref<10000x64xf32, #tpu.memory_space<hbm>> -> memref<10000x64xf32, #tpu.memory_space<hbm>>
        tpu.wait_indirect_dma semaphore(%arg22 : memref<!tpu.dma_semaphore, #tpu.memory_space<semaphore_mem>>) src(%dma_wait3A_1566 : memref<10000x64xf32, #tpu.memory_space<hbm>>) dst(%dma_wait3A_1560 : memref<80x64xf32, #tpu.memory_space<vmem>>)
        %dma_wait3A_1567 = arith.constant 1 : i32
        %dma_wait3A_1568 = arith.constant 80 : i32
        %dma_wait3A_1569 = arith.constant 0 : i32
        %dma_wait3A_1570 = tpu.memref_slice %arg19[%dma_wait3A_1568, %dma_wait3A_1569] : memref<400x64xf32, #tpu.memory_space<vmem>> -> memref<80x64xf32, #tpu.memory_space<vmem>>
        %dma_wait3A_1571 = arith.constant 0 : i32
        %dma_wait3A_1572 = tpu.memref_slice %arg11[%dma_wait3A_1567, %dma_wait3A_1571] : memref<5x80xi32, #tpu.memory_space<vmem>> -> memref<1x80xi32, #tpu.memory_space<vmem>>
        %dma_wait3A_1573 = tpu.memref_squeeze %dma_wait3A_1572 : memref<1x80xi32, #tpu.memory_space<vmem>> -> memref<80xi32, #tpu.memory_space<vmem>>
        %dma_wait3A_1574 = arith.constant 0 : i32
        %dma_wait3A_1575 = arith.constant 0 : i32
        %dma_wait3A_1576 = tpu.memref_slice %arg7[%dma_wait3A_1574, %dma_wait3A_1575] : memref<10000x64xf32, #tpu.memory_space<hbm>> -> memref<10000x64xf32, #tpu.memory_space<hbm>>
        tpu.wait_indirect_dma semaphore(%arg22 : memref<!tpu.dma_semaphore, #tpu.memory_space<semaphore_mem>>) src(%dma_wait3A_1576 : memref<10000x64xf32, #tpu.memory_space<hbm>>) dst(%dma_wait3A_1570 : memref<80x64xf32, #tpu.memory_space<vmem>>)
        %dma_wait3A_1577 = arith.constant 2 : i32
        %dma_wait3A_1578 = arith.constant 160 : i32
        %dma_wait3A_1579 = arith.constant 0 : i32
        %dma_wait3A_1580 = tpu.memref_slice %arg19[%dma_wait3A_1578, %dma_wait3A_1579] : memref<400x64xf32, #tpu.memory_space<vmem>> -> memref<80x64xf32, #tpu.memory_space<vmem>>
        %dma_wait3A_1581 = arith.constant 0 : i32
        %dma_wait3A_1582 = tpu.memref_slice %arg11[%dma_wait3A_1577, %dma_wait3A_1581] : memref<5x80xi32, #tpu.memory_space<vmem>> -> memref<1x80xi32, #tpu.memory_space<vmem>>
        %dma_wait3A_1583 = tpu.memref_squeeze %dma_wait3A_1582 : memref<1x80xi32, #tpu.memory_space<vmem>> -> memref<80xi32, #tpu.memory_space<vmem>>
        %dma_wait3A_1584 = arith.constant 0 : i32
        %dma_wait3A_1585 = arith.constant 0 : i32
        %dma_wait3A_1586 = tpu.memref_slice %arg7[%dma_wait3A_1584, %dma_wait3A_1585] : memref<10000x64xf32, #tpu.memory_space<hbm>> -> memref<10000x64xf32, #tpu.memory_space<hbm>>
        tpu.wait_indirect_dma semaphore(%arg22 : memref<!tpu.dma_semaphore, #tpu.memory_space<semaphore_mem>>) src(%dma_wait3A_1586 : memref<10000x64xf32, #tpu.memory_space<hbm>>) dst(%dma_wait3A_1580 : memref<80x64xf32, #tpu.memory_space<vmem>>)
        %dma_wait3A_1587 = arith.constant 3 : i32
        %dma_wait3A_1588 = arith.constant 240 : i32
        %dma_wait3A_1589 = arith.constant 0 : i32
        %dma_wait3A_1590 = tpu.memref_slice %arg19[%dma_wait3A_1588, %dma_wait3A_1589] : memref<400x64xf32, #tpu.memory_space<vmem>> -> memref<80x64xf32, #tpu.memory_space<vmem>>
        %dma_wait3A_1591 = arith.constant 0 : i32
        %dma_wait3A_1592 = tpu.memref_slice %arg11[%dma_wait3A_1587, %dma_wait3A_1591] : memref<5x80xi32, #tpu.memory_space<vmem>> -> memref<1x80xi32, #tpu.memory_space<vmem>>
        %dma_wait3A_1593 = tpu.memref_squeeze %dma_wait3A_1592 : memref<1x80xi32, #tpu.memory_space<vmem>> -> memref<80xi32, #tpu.memory_space<vmem>>
        %dma_wait3A_1594 = arith.constant 0 : i32
        %dma_wait3A_1595 = arith.constant 0 : i32
        %dma_wait3A_1596 = tpu.memref_slice %arg7[%dma_wait3A_1594, %dma_wait3A_1595] : memref<10000x64xf32, #tpu.memory_space<hbm>> -> memref<10000x64xf32, #tpu.memory_space<hbm>>
        tpu.wait_indirect_dma semaphore(%arg22 : memref<!tpu.dma_semaphore, #tpu.memory_space<semaphore_mem>>) src(%dma_wait3A_1596 : memref<10000x64xf32, #tpu.memory_space<hbm>>) dst(%dma_wait3A_1590 : memref<80x64xf32, #tpu.memory_space<vmem>>)
        %dma_wait3A_1597 = arith.constant 4 : i32
        %dma_wait3A_1598 = arith.constant 320 : i32
        %dma_wait3A_1599 = arith.constant 0 : i32
        %dma_wait3A_1600 = tpu.memref_slice %arg19[%dma_wait3A_1598, %dma_wait3A_1599] : memref<400x64xf32, #tpu.memory_space<vmem>> -> memref<80x64xf32, #tpu.memory_space<vmem>>
        %dma_wait3A_1601 = arith.constant 0 : i32
        %dma_wait3A_1602 = tpu.memref_slice %arg11[%dma_wait3A_1597, %dma_wait3A_1601] : memref<5x80xi32, #tpu.memory_space<vmem>> -> memref<1x80xi32, #tpu.memory_space<vmem>>
        %dma_wait3A_1603 = tpu.memref_squeeze %dma_wait3A_1602 : memref<1x80xi32, #tpu.memory_space<vmem>> -> memref<80xi32, #tpu.memory_space<vmem>>
        %dma_wait3A_1604 = arith.constant 0 : i32
        %dma_wait3A_1605 = arith.constant 0 : i32
        %dma_wait3A_1606 = tpu.memref_slice %arg7[%dma_wait3A_1604, %dma_wait3A_1605] : memref<10000x64xf32, #tpu.memory_space<hbm>> -> memref<10000x64xf32, #tpu.memory_space<hbm>>
        tpu.wait_indirect_dma semaphore(%arg22 : memref<!tpu.dma_semaphore, #tpu.memory_space<semaphore_mem>>) src(%dma_wait3A_1606 : memref<10000x64xf32, #tpu.memory_space<hbm>>) dst(%dma_wait3A_1600 : memref<80x64xf32, #tpu.memory_space<vmem>>)
      } else {
      }
      %eq3A_1184 = arith.constant 1 : i32
      %eq3A_1185 = arith.cmpi eq, %arg0, %eq3A_1184 : i32
      %convert_element_type3A_1186 = arith.extui %eq3A_1185 : i1 to i32
      %cond3A_1187 = arith.constant 0 : i32
      %cond3A_1188 = arith.cmpi ne, %convert_element_type3A_1186, %cond3A_1187 : i32
      scf.if %cond3A_1188 {
        %dma_start3A_1507 = arith.constant 0 : i32
        %dma_start3A_1508 = arith.constant 0 : i32
        %dma_start3A_1509 = arith.constant 0 : i32
        %dma_start3A_1510 = tpu.memref_slice %arg19[%dma_start3A_1508, %dma_start3A_1509] : memref<400x64xf32, #tpu.memory_space<vmem>> -> memref<80x64xf32, #tpu.memory_space<vmem>>
        %dma_start3A_1511 = arith.constant 0 : i32
        %dma_start3A_1512 = tpu.memref_slice %arg11[%dma_start3A_1507, %dma_start3A_1511] : memref<5x80xi32, #tpu.memory_space<vmem>> -> memref<1x80xi32, #tpu.memory_space<vmem>>
        %dma_start3A_1513 = tpu.memref_squeeze %dma_start3A_1512 : memref<1x80xi32, #tpu.memory_space<vmem>> -> memref<80xi32, #tpu.memory_space<vmem>>
        %dma_start3A_1514 = arith.constant 0 : i32
        %dma_start3A_1515 = arith.constant 0 : i32
        %dma_start3A_1516 = tpu.memref_slice %arg8[%dma_start3A_1514, %dma_start3A_1515] : memref<10000x64xf32, #tpu.memory_space<hbm>> -> memref<10000x64xf32, #tpu.memory_space<hbm>>
        tpu.enqueue_indirect_dma source(%dma_start3A_1516 : memref<10000x64xf32, #tpu.memory_space<hbm>>) target(%dma_start3A_1510 : memref<80x64xf32, #tpu.memory_space<vmem>>) offsets(%dma_start3A_1513 : memref<80xi32, #tpu.memory_space<vmem>>) semaphore(%arg22 : memref<!tpu.dma_semaphore, #tpu.memory_space<semaphore_mem>>)
        %dma_start3A_1517 = arith.constant 1 : i32
        %dma_start3A_1518 = arith.constant 80 : i32
        %dma_start3A_1519 = arith.constant 0 : i32
        %dma_start3A_1520 = tpu.memref_slice %arg19[%dma_start3A_1518, %dma_start3A_1519] : memref<400x64xf32, #tpu.memory_space<vmem>> -> memref<80x64xf32, #tpu.memory_space<vmem>>
        %dma_start3A_1521 = arith.constant 0 : i32
        %dma_start3A_1522 = tpu.memref_slice %arg11[%dma_start3A_1517, %dma_start3A_1521] : memref<5x80xi32, #tpu.memory_space<vmem>> -> memref<1x80xi32, #tpu.memory_space<vmem>>
        %dma_start3A_1523 = tpu.memref_squeeze %dma_start3A_1522 : memref<1x80xi32, #tpu.memory_space<vmem>> -> memref<80xi32, #tpu.memory_space<vmem>>
        %dma_start3A_1524 = arith.constant 0 : i32
        %dma_start3A_1525 = arith.constant 0 : i32
        %dma_start3A_1526 = tpu.memref_slice %arg8[%dma_start3A_1524, %dma_start3A_1525] : memref<10000x64xf32, #tpu.memory_space<hbm>> -> memref<10000x64xf32, #tpu.memory_space<hbm>>
        tpu.enqueue_indirect_dma source(%dma_start3A_1526 : memref<10000x64xf32, #tpu.memory_space<hbm>>) target(%dma_start3A_1520 : memref<80x64xf32, #tpu.memory_space<vmem>>) offsets(%dma_start3A_1523 : memref<80xi32, #tpu.memory_space<vmem>>) semaphore(%arg22 : memref<!tpu.dma_semaphore, #tpu.memory_space<semaphore_mem>>)
        %dma_start3A_1527 = arith.constant 2 : i32
        %dma_start3A_1528 = arith.constant 160 : i32
        %dma_start3A_1529 = arith.constant 0 : i32
        %dma_start3A_1530 = tpu.memref_slice %arg19[%dma_start3A_1528, %dma_start3A_1529] : memref<400x64xf32, #tpu.memory_space<vmem>> -> memref<80x64xf32, #tpu.memory_space<vmem>>
        %dma_start3A_1531 = arith.constant 0 : i32
        %dma_start3A_1532 = tpu.memref_slice %arg11[%dma_start3A_1527, %dma_start3A_1531] : memref<5x80xi32, #tpu.memory_space<vmem>> -> memref<1x80xi32, #tpu.memory_space<vmem>>
        %dma_start3A_1533 = tpu.memref_squeeze %dma_start3A_1532 : memref<1x80xi32, #tpu.memory_space<vmem>> -> memref<80xi32, #tpu.memory_space<vmem>>
        %dma_start3A_1534 = arith.constant 0 : i32
        %dma_start3A_1535 = arith.constant 0 : i32
        %dma_start3A_1536 = tpu.memref_slice %arg8[%dma_start3A_1534, %dma_start3A_1535] : memref<10000x64xf32, #tpu.memory_space<hbm>> -> memref<10000x64xf32, #tpu.memory_space<hbm>>
        tpu.enqueue_indirect_dma source(%dma_start3A_1536 : memref<10000x64xf32, #tpu.memory_space<hbm>>) target(%dma_start3A_1530 : memref<80x64xf32, #tpu.memory_space<vmem>>) offsets(%dma_start3A_1533 : memref<80xi32, #tpu.memory_space<vmem>>) semaphore(%arg22 : memref<!tpu.dma_semaphore, #tpu.memory_space<semaphore_mem>>)
        %dma_start3A_1537 = arith.constant 3 : i32
        %dma_start3A_1538 = arith.constant 240 : i32
        %dma_start3A_1539 = arith.constant 0 : i32
        %dma_start3A_1540 = tpu.memref_slice %arg19[%dma_start3A_1538, %dma_start3A_1539] : memref<400x64xf32, #tpu.memory_space<vmem>> -> memref<80x64xf32, #tpu.memory_space<vmem>>
        %dma_start3A_1541 = arith.constant 0 : i32
        %dma_start3A_1542 = tpu.memref_slice %arg11[%dma_start3A_1537, %dma_start3A_1541] : memref<5x80xi32, #tpu.memory_space<vmem>> -> memref<1x80xi32, #tpu.memory_space<vmem>>
        %dma_start3A_1543 = tpu.memref_squeeze %dma_start3A_1542 : memref<1x80xi32, #tpu.memory_space<vmem>> -> memref<80xi32, #tpu.memory_space<vmem>>
        %dma_start3A_1544 = arith.constant 0 : i32
        %dma_start3A_1545 = arith.constant 0 : i32
        %dma_start3A_1546 = tpu.memref_slice %arg8[%dma_start3A_1544, %dma_start3A_1545] : memref<10000x64xf32, #tpu.memory_space<hbm>> -> memref<10000x64xf32, #tpu.memory_space<hbm>>
        tpu.enqueue_indirect_dma source(%dma_start3A_1546 : memref<10000x64xf32, #tpu.memory_space<hbm>>) target(%dma_start3A_1540 : memref<80x64xf32, #tpu.memory_space<vmem>>) offsets(%dma_start3A_1543 : memref<80xi32, #tpu.memory_space<vmem>>) semaphore(%arg22 : memref<!tpu.dma_semaphore, #tpu.memory_space<semaphore_mem>>)
        %dma_start3A_1547 = arith.constant 4 : i32
        %dma_start3A_1548 = arith.constant 320 : i32
        %dma_start3A_1549 = arith.constant 0 : i32
        %dma_start3A_1550 = tpu.memref_slice %arg19[%dma_start3A_1548, %dma_start3A_1549] : memref<400x64xf32, #tpu.memory_space<vmem>> -> memref<80x64xf32, #tpu.memory_space<vmem>>
        %dma_start3A_1551 = arith.constant 0 : i32
        %dma_start3A_1552 = tpu.memref_slice %arg11[%dma_start3A_1547, %dma_start3A_1551] : memref<5x80xi32, #tpu.memory_space<vmem>> -> memref<1x80xi32, #tpu.memory_space<vmem>>
        %dma_start3A_1553 = tpu.memref_squeeze %dma_start3A_1552 : memref<1x80xi32, #tpu.memory_space<vmem>> -> memref<80xi32, #tpu.memory_space<vmem>>
        %dma_start3A_1554 = arith.constant 0 : i32
        %dma_start3A_1555 = arith.constant 0 : i32
        %dma_start3A_1556 = tpu.memref_slice %arg8[%dma_start3A_1554, %dma_start3A_1555] : memref<10000x64xf32, #tpu.memory_space<hbm>> -> memref<10000x64xf32, #tpu.memory_space<hbm>>
        tpu.enqueue_indirect_dma source(%dma_start3A_1556 : memref<10000x64xf32, #tpu.memory_space<hbm>>) target(%dma_start3A_1550 : memref<80x64xf32, #tpu.memory_space<vmem>>) offsets(%dma_start3A_1553 : memref<80xi32, #tpu.memory_space<vmem>>) semaphore(%arg22 : memref<!tpu.dma_semaphore, #tpu.memory_space<semaphore_mem>>)
        %dma_wait3A_1557 = arith.constant 0 : i32
        %dma_wait3A_1558 = arith.constant 0 : i32
        %dma_wait3A_1559 = arith.constant 0 : i32
        %dma_wait3A_1560 = tpu.memref_slice %arg19[%dma_wait3A_1558, %dma_wait3A_1559] : memref<400x64xf32, #tpu.memory_space<vmem>> -> memref<80x64xf32, #tpu.memory_space<vmem>>
        %dma_wait3A_1561 = arith.constant 0 : i32
        %dma_wait3A_1562 = tpu.memref_slice %arg11[%dma_wait3A_1557, %dma_wait3A_1561] : memref<5x80xi32, #tpu.memory_space<vmem>> -> memref<1x80xi32, #tpu.memory_space<vmem>>
        %dma_wait3A_1563 = tpu.memref_squeeze %dma_wait3A_1562 : memref<1x80xi32, #tpu.memory_space<vmem>> -> memref<80xi32, #tpu.memory_space<vmem>>
        %dma_wait3A_1564 = arith.constant 0 : i32
        %dma_wait3A_1565 = arith.constant 0 : i32
        %dma_wait3A_1566 = tpu.memref_slice %arg8[%dma_wait3A_1564, %dma_wait3A_1565] : memref<10000x64xf32, #tpu.memory_space<hbm>> -> memref<10000x64xf32, #tpu.memory_space<hbm>>
        tpu.wait_indirect_dma semaphore(%arg22 : memref<!tpu.dma_semaphore, #tpu.memory_space<semaphore_mem>>) src(%dma_wait3A_1566 : memref<10000x64xf32, #tpu.memory_space<hbm>>) dst(%dma_wait3A_1560 : memref<80x64xf32, #tpu.memory_space<vmem>>)
        %dma_wait3A_1567 = arith.constant 1 : i32
        %dma_wait3A_1568 = arith.constant 80 : i32
        %dma_wait3A_1569 = arith.constant 0 : i32
        %dma_wait3A_1570 = tpu.memref_slice %arg19[%dma_wait3A_1568, %dma_wait3A_1569] : memref<400x64xf32, #tpu.memory_space<vmem>> -> memref<80x64xf32, #tpu.memory_space<vmem>>
        %dma_wait3A_1571 = arith.constant 0 : i32
        %dma_wait3A_1572 = tpu.memref_slice %arg11[%dma_wait3A_1567, %dma_wait3A_1571] : memref<5x80xi32, #tpu.memory_space<vmem>> -> memref<1x80xi32, #tpu.memory_space<vmem>>
        %dma_wait3A_1573 = tpu.memref_squeeze %dma_wait3A_1572 : memref<1x80xi32, #tpu.memory_space<vmem>> -> memref<80xi32, #tpu.memory_space<vmem>>
        %dma_wait3A_1574 = arith.constant 0 : i32
        %dma_wait3A_1575 = arith.constant 0 : i32
        %dma_wait3A_1576 = tpu.memref_slice %arg8[%dma_wait3A_1574, %dma_wait3A_1575] : memref<10000x64xf32, #tpu.memory_space<hbm>> -> memref<10000x64xf32, #tpu.memory_space<hbm>>
        tpu.wait_indirect_dma semaphore(%arg22 : memref<!tpu.dma_semaphore, #tpu.memory_space<semaphore_mem>>) src(%dma_wait3A_1576 : memref<10000x64xf32, #tpu.memory_space<hbm>>) dst(%dma_wait3A_1570 : memref<80x64xf32, #tpu.memory_space<vmem>>)
        %dma_wait3A_1577 = arith.constant 2 : i32
        %dma_wait3A_1578 = arith.constant 160 : i32
        %dma_wait3A_1579 = arith.constant 0 : i32
        %dma_wait3A_1580 = tpu.memref_slice %arg19[%dma_wait3A_1578, %dma_wait3A_1579] : memref<400x64xf32, #tpu.memory_space<vmem>> -> memref<80x64xf32, #tpu.memory_space<vmem>>
        %dma_wait3A_1581 = arith.constant 0 : i32
        %dma_wait3A_1582 = tpu.memref_slice %arg11[%dma_wait3A_1577, %dma_wait3A_1581] : memref<5x80xi32, #tpu.memory_space<vmem>> -> memref<1x80xi32, #tpu.memory_space<vmem>>
        %dma_wait3A_1583 = tpu.memref_squeeze %dma_wait3A_1582 : memref<1x80xi32, #tpu.memory_space<vmem>> -> memref<80xi32, #tpu.memory_space<vmem>>
        %dma_wait3A_1584 = arith.constant 0 : i32
        %dma_wait3A_1585 = arith.constant 0 : i32
        %dma_wait3A_1586 = tpu.memref_slice %arg8[%dma_wait3A_1584, %dma_wait3A_1585] : memref<10000x64xf32, #tpu.memory_space<hbm>> -> memref<10000x64xf32, #tpu.memory_space<hbm>>
        tpu.wait_indirect_dma semaphore(%arg22 : memref<!tpu.dma_semaphore, #tpu.memory_space<semaphore_mem>>) src(%dma_wait3A_1586 : memref<10000x64xf32, #tpu.memory_space<hbm>>) dst(%dma_wait3A_1580 : memref<80x64xf32, #tpu.memory_space<vmem>>)
        %dma_wait3A_1587 = arith.constant 3 : i32
        %dma_wait3A_1588 = arith.constant 240 : i32
        %dma_wait3A_1589 = arith.constant 0 : i32
        %dma_wait3A_1590 = tpu.memref_slice %arg19[%dma_wait3A_1588, %dma_wait3A_1589] : memref<400x64xf32, #tpu.memory_space<vmem>> -> memref<80x64xf32, #tpu.memory_space<vmem>>
        %dma_wait3A_1591 = arith.constant 0 : i32
        %dma_wait3A_1592 = tpu.memref_slice %arg11[%dma_wait3A_1587, %dma_wait3A_1591] : memref<5x80xi32, #tpu.memory_space<vmem>> -> memref<1x80xi32, #tpu.memory_space<vmem>>
        %dma_wait3A_1593 = tpu.memref_squeeze %dma_wait3A_1592 : memref<1x80xi32, #tpu.memory_space<vmem>> -> memref<80xi32, #tpu.memory_space<vmem>>
        %dma_wait3A_1594 = arith.constant 0 : i32
        %dma_wait3A_1595 = arith.constant 0 : i32
        %dma_wait3A_1596 = tpu.memref_slice %arg8[%dma_wait3A_1594, %dma_wait3A_1595] : memref<10000x64xf32, #tpu.memory_space<hbm>> -> memref<10000x64xf32, #tpu.memory_space<hbm>>
        tpu.wait_indirect_dma semaphore(%arg22 : memref<!tpu.dma_semaphore, #tpu.memory_space<semaphore_mem>>) src(%dma_wait3A_1596 : memref<10000x64xf32, #tpu.memory_space<hbm>>) dst(%dma_wait3A_1590 : memref<80x64xf32, #tpu.memory_space<vmem>>)
        %dma_wait3A_1597 = arith.constant 4 : i32
        %dma_wait3A_1598 = arith.constant 320 : i32
        %dma_wait3A_1599 = arith.constant 0 : i32
        %dma_wait3A_1600 = tpu.memref_slice %arg19[%dma_wait3A_1598, %dma_wait3A_1599] : memref<400x64xf32, #tpu.memory_space<vmem>> -> memref<80x64xf32, #tpu.memory_space<vmem>>
        %dma_wait3A_1601 = arith.constant 0 : i32
        %dma_wait3A_1602 = tpu.memref_slice %arg11[%dma_wait3A_1597, %dma_wait3A_1601] : memref<5x80xi32, #tpu.memory_space<vmem>> -> memref<1x80xi32, #tpu.memory_space<vmem>>
        %dma_wait3A_1603 = tpu.memref_squeeze %dma_wait3A_1602 : memref<1x80xi32, #tpu.memory_space<vmem>> -> memref<80xi32, #tpu.memory_space<vmem>>
        %dma_wait3A_1604 = arith.constant 0 : i32
        %dma_wait3A_1605 = arith.constant 0 : i32
        %dma_wait3A_1606 = tpu.memref_slice %arg8[%dma_wait3A_1604, %dma_wait3A_1605] : memref<10000x64xf32, #tpu.memory_space<hbm>> -> memref<10000x64xf32, #tpu.memory_space<hbm>>
        tpu.wait_indirect_dma semaphore(%arg22 : memref<!tpu.dma_semaphore, #tpu.memory_space<semaphore_mem>>) src(%dma_wait3A_1606 : memref<10000x64xf32, #tpu.memory_space<hbm>>) dst(%dma_wait3A_1600 : memref<80x64xf32, #tpu.memory_space<vmem>>)
      } else {
      }
      %dma_wait3A_1189 = arith.constant 0 : i32
      %dma_wait3A_1190 = arith.constant 0 : i32
      %dma_wait3A_1191 = arith.constant 0 : i32
      %dma_wait3A_1192 = tpu.memref_slice %arg16[%dma_wait3A_1190, %dma_wait3A_1191] : memref<400x16xf32, #tpu.memory_space<vmem>> -> memref<80x16xf32, #tpu.memory_space<vmem>>
      %dma_wait3A_1193 = arith.constant 0 : i32
      %dma_wait3A_1194 = tpu.memref_slice %arg14[%dma_wait3A_1189, %dma_wait3A_1193] : memref<5x80xi32, #tpu.memory_space<vmem>> -> memref<1x80xi32, #tpu.memory_space<vmem>>
      %dma_wait3A_1195 = tpu.memref_squeeze %dma_wait3A_1194 : memref<1x80xi32, #tpu.memory_space<vmem>> -> memref<80xi32, #tpu.memory_space<vmem>>
      %dma_wait3A_1196 = arith.constant 0 : i32
      %dma_wait3A_1197 = arith.constant 0 : i32
      %dma_wait3A_1198 = tpu.memref_slice %arg5[%dma_wait3A_1196, %dma_wait3A_1197] : memref<40000x16xf32, #tpu.memory_space<hbm>> -> memref<40000x16xf32, #tpu.memory_space<hbm>>
      tpu.wait_indirect_dma semaphore(%arg22 : memref<!tpu.dma_semaphore, #tpu.memory_space<semaphore_mem>>) src(%dma_wait3A_1198 : memref<40000x16xf32, #tpu.memory_space<hbm>>) dst(%dma_wait3A_1192 : memref<80x16xf32, #tpu.memory_space<vmem>>)
      %dma_wait3A_1199 = arith.constant 0 : i32
      %dma_wait3A_1200 = arith.constant 0 : i32
      %dma_wait3A_1201 = arith.constant 0 : i32
      %dma_wait3A_1202 = tpu.memref_slice %arg17[%dma_wait3A_1200, %dma_wait3A_1201] : memref<400x16xf32, #tpu.memory_space<vmem>> -> memref<80x16xf32, #tpu.memory_space<vmem>>
      %dma_wait3A_1203 = arith.constant 0 : i32
      %dma_wait3A_1204 = tpu.memref_slice %arg15[%dma_wait3A_1199, %dma_wait3A_1203] : memref<5x80xi32, #tpu.memory_space<vmem>> -> memref<1x80xi32, #tpu.memory_space<vmem>>
      %dma_wait3A_1205 = tpu.memref_squeeze %dma_wait3A_1204 : memref<1x80xi32, #tpu.memory_space<vmem>> -> memref<80xi32, #tpu.memory_space<vmem>>
      %dma_wait3A_1206 = arith.constant 0 : i32
      %dma_wait3A_1207 = arith.constant 0 : i32
      %dma_wait3A_1208 = tpu.memref_slice %arg6[%dma_wait3A_1206, %dma_wait3A_1207] : memref<40000x16xf32, #tpu.memory_space<hbm>> -> memref<40000x16xf32, #tpu.memory_space<hbm>>
      tpu.wait_indirect_dma semaphore(%arg22 : memref<!tpu.dma_semaphore, #tpu.memory_space<semaphore_mem>>) src(%dma_wait3A_1208 : memref<40000x16xf32, #tpu.memory_space<hbm>>) dst(%dma_wait3A_1202 : memref<80x16xf32, #tpu.memory_space<vmem>>)
      %dma_wait3A_1209 = arith.constant 1 : i32
      %dma_wait3A_1210 = arith.constant 80 : i32
      %dma_wait3A_1211 = arith.constant 0 : i32
      %dma_wait3A_1212 = tpu.memref_slice %arg16[%dma_wait3A_1210, %dma_wait3A_1211] : memref<400x16xf32, #tpu.memory_space<vmem>> -> memref<80x16xf32, #tpu.memory_space<vmem>>
      %dma_wait3A_1213 = arith.constant 0 : i32
      %dma_wait3A_1214 = tpu.memref_slice %arg14[%dma_wait3A_1209, %dma_wait3A_1213] : memref<5x80xi32, #tpu.memory_space<vmem>> -> memref<1x80xi32, #tpu.memory_space<vmem>>
      %dma_wait3A_1215 = tpu.memref_squeeze %dma_wait3A_1214 : memref<1x80xi32, #tpu.memory_space<vmem>> -> memref<80xi32, #tpu.memory_space<vmem>>
      %dma_wait3A_1216 = arith.constant 0 : i32
      %dma_wait3A_1217 = arith.constant 0 : i32
      %dma_wait3A_1218 = tpu.memref_slice %arg5[%dma_wait3A_1216, %dma_wait3A_1217] : memref<40000x16xf32, #tpu.memory_space<hbm>> -> memref<40000x16xf32, #tpu.memory_space<hbm>>
      tpu.wait_indirect_dma semaphore(%arg22 : memref<!tpu.dma_semaphore, #tpu.memory_space<semaphore_mem>>) src(%dma_wait3A_1218 : memref<40000x16xf32, #tpu.memory_space<hbm>>) dst(%dma_wait3A_1212 : memref<80x16xf32, #tpu.memory_space<vmem>>)
      %dma_wait3A_1219 = arith.constant 1 : i32
      %dma_wait3A_1220 = arith.constant 80 : i32
      %dma_wait3A_1221 = arith.constant 0 : i32
      %dma_wait3A_1222 = tpu.memref_slice %arg17[%dma_wait3A_1220, %dma_wait3A_1221] : memref<400x16xf32, #tpu.memory_space<vmem>> -> memref<80x16xf32, #tpu.memory_space<vmem>>
      %dma_wait3A_1223 = arith.constant 0 : i32
      %dma_wait3A_1224 = tpu.memref_slice %arg15[%dma_wait3A_1219, %dma_wait3A_1223] : memref<5x80xi32, #tpu.memory_space<vmem>> -> memref<1x80xi32, #tpu.memory_space<vmem>>
      %dma_wait3A_1225 = tpu.memref_squeeze %dma_wait3A_1224 : memref<1x80xi32, #tpu.memory_space<vmem>> -> memref<80xi32, #tpu.memory_space<vmem>>
      %dma_wait3A_1226 = arith.constant 0 : i32
      %dma_wait3A_1227 = arith.constant 0 : i32
      %dma_wait3A_1228 = tpu.memref_slice %arg6[%dma_wait3A_1226, %dma_wait3A_1227] : memref<40000x16xf32, #tpu.memory_space<hbm>> -> memref<40000x16xf32, #tpu.memory_space<hbm>>
      tpu.wait_indirect_dma semaphore(%arg22 : memref<!tpu.dma_semaphore, #tpu.memory_space<semaphore_mem>>) src(%dma_wait3A_1228 : memref<40000x16xf32, #tpu.memory_space<hbm>>) dst(%dma_wait3A_1222 : memref<80x16xf32, #tpu.memory_space<vmem>>)
      %dma_wait3A_1229 = arith.constant 2 : i32
      %dma_wait3A_1230 = arith.constant 160 : i32
      %dma_wait3A_1231 = arith.constant 0 : i32
      %dma_wait3A_1232 = tpu.memref_slice %arg16[%dma_wait3A_1230, %dma_wait3A_1231] : memref<400x16xf32, #tpu.memory_space<vmem>> -> memref<80x16xf32, #tpu.memory_space<vmem>>
      %dma_wait3A_1233 = arith.constant 0 : i32
      %dma_wait3A_1234 = tpu.memref_slice %arg14[%dma_wait3A_1229, %dma_wait3A_1233] : memref<5x80xi32, #tpu.memory_space<vmem>> -> memref<1x80xi32, #tpu.memory_space<vmem>>
      %dma_wait3A_1235 = tpu.memref_squeeze %dma_wait3A_1234 : memref<1x80xi32, #tpu.memory_space<vmem>> -> memref<80xi32, #tpu.memory_space<vmem>>
      %dma_wait3A_1236 = arith.constant 0 : i32
      %dma_wait3A_1237 = arith.constant 0 : i32
      %dma_wait3A_1238 = tpu.memref_slice %arg5[%dma_wait3A_1236, %dma_wait3A_1237] : memref<40000x16xf32, #tpu.memory_space<hbm>> -> memref<40000x16xf32, #tpu.memory_space<hbm>>
      tpu.wait_indirect_dma semaphore(%arg22 : memref<!tpu.dma_semaphore, #tpu.memory_space<semaphore_mem>>) src(%dma_wait3A_1238 : memref<40000x16xf32, #tpu.memory_space<hbm>>) dst(%dma_wait3A_1232 : memref<80x16xf32, #tpu.memory_space<vmem>>)
      %dma_wait3A_1239 = arith.constant 2 : i32
      %dma_wait3A_1240 = arith.constant 160 : i32
      %dma_wait3A_1241 = arith.constant 0 : i32
      %dma_wait3A_1242 = tpu.memref_slice %arg17[%dma_wait3A_1240, %dma_wait3A_1241] : memref<400x16xf32, #tpu.memory_space<vmem>> -> memref<80x16xf32, #tpu.memory_space<vmem>>
      %dma_wait3A_1243 = arith.constant 0 : i32
      %dma_wait3A_1244 = tpu.memref_slice %arg15[%dma_wait3A_1239, %dma_wait3A_1243] : memref<5x80xi32, #tpu.memory_space<vmem>> -> memref<1x80xi32, #tpu.memory_space<vmem>>
      %dma_wait3A_1245 = tpu.memref_squeeze %dma_wait3A_1244 : memref<1x80xi32, #tpu.memory_space<vmem>> -> memref<80xi32, #tpu.memory_space<vmem>>
      %dma_wait3A_1246 = arith.constant 0 : i32
      %dma_wait3A_1247 = arith.constant 0 : i32
      %dma_wait3A_1248 = tpu.memref_slice %arg6[%dma_wait3A_1246, %dma_wait3A_1247] : memref<40000x16xf32, #tpu.memory_space<hbm>> -> memref<40000x16xf32, #tpu.memory_space<hbm>>
      tpu.wait_indirect_dma semaphore(%arg22 : memref<!tpu.dma_semaphore, #tpu.memory_space<semaphore_mem>>) src(%dma_wait3A_1248 : memref<40000x16xf32, #tpu.memory_space<hbm>>) dst(%dma_wait3A_1242 : memref<80x16xf32, #tpu.memory_space<vmem>>)
      %dma_wait3A_1249 = arith.constant 3 : i32
      %dma_wait3A_1250 = arith.constant 240 : i32
      %dma_wait3A_1251 = arith.constant 0 : i32
      %dma_wait3A_1252 = tpu.memref_slice %arg16[%dma_wait3A_1250, %dma_wait3A_1251] : memref<400x16xf32, #tpu.memory_space<vmem>> -> memref<80x16xf32, #tpu.memory_space<vmem>>
      %dma_wait3A_1253 = arith.constant 0 : i32
      %dma_wait3A_1254 = tpu.memref_slice %arg14[%dma_wait3A_1249, %dma_wait3A_1253] : memref<5x80xi32, #tpu.memory_space<vmem>> -> memref<1x80xi32, #tpu.memory_space<vmem>>
      %dma_wait3A_1255 = tpu.memref_squeeze %dma_wait3A_1254 : memref<1x80xi32, #tpu.memory_space<vmem>> -> memref<80xi32, #tpu.memory_space<vmem>>
      %dma_wait3A_1256 = arith.constant 0 : i32
      %dma_wait3A_1257 = arith.constant 0 : i32
      %dma_wait3A_1258 = tpu.memref_slice %arg5[%dma_wait3A_1256, %dma_wait3A_1257] : memref<40000x16xf32, #tpu.memory_space<hbm>> -> memref<40000x16xf32, #tpu.memory_space<hbm>>
      tpu.wait_indirect_dma semaphore(%arg22 : memref<!tpu.dma_semaphore, #tpu.memory_space<semaphore_mem>>) src(%dma_wait3A_1258 : memref<40000x16xf32, #tpu.memory_space<hbm>>) dst(%dma_wait3A_1252 : memref<80x16xf32, #tpu.memory_space<vmem>>)
      %dma_wait3A_1259 = arith.constant 3 : i32
      %dma_wait3A_1260 = arith.constant 240 : i32
      %dma_wait3A_1261 = arith.constant 0 : i32
      %dma_wait3A_1262 = tpu.memref_slice %arg17[%dma_wait3A_1260, %dma_wait3A_1261] : memref<400x16xf32, #tpu.memory_space<vmem>> -> memref<80x16xf32, #tpu.memory_space<vmem>>
      %dma_wait3A_1263 = arith.constant 0 : i32
      %dma_wait3A_1264 = tpu.memref_slice %arg15[%dma_wait3A_1259, %dma_wait3A_1263] : memref<5x80xi32, #tpu.memory_space<vmem>> -> memref<1x80xi32, #tpu.memory_space<vmem>>
      %dma_wait3A_1265 = tpu.memref_squeeze %dma_wait3A_1264 : memref<1x80xi32, #tpu.memory_space<vmem>> -> memref<80xi32, #tpu.memory_space<vmem>>
      %dma_wait3A_1266 = arith.constant 0 : i32
      %dma_wait3A_1267 = arith.constant 0 : i32
      %dma_wait3A_1268 = tpu.memref_slice %arg6[%dma_wait3A_1266, %dma_wait3A_1267] : memref<40000x16xf32, #tpu.memory_space<hbm>> -> memref<40000x16xf32, #tpu.memory_space<hbm>>
      tpu.wait_indirect_dma semaphore(%arg22 : memref<!tpu.dma_semaphore, #tpu.memory_space<semaphore_mem>>) src(%dma_wait3A_1268 : memref<40000x16xf32, #tpu.memory_space<hbm>>) dst(%dma_wait3A_1262 : memref<80x16xf32, #tpu.memory_space<vmem>>)
      %dma_wait3A_1269 = arith.constant 4 : i32
      %dma_wait3A_1270 = arith.constant 320 : i32
      %dma_wait3A_1271 = arith.constant 0 : i32
      %dma_wait3A_1272 = tpu.memref_slice %arg16[%dma_wait3A_1270, %dma_wait3A_1271] : memref<400x16xf32, #tpu.memory_space<vmem>> -> memref<80x16xf32, #tpu.memory_space<vmem>>
      %dma_wait3A_1273 = arith.constant 0 : i32
      %dma_wait3A_1274 = tpu.memref_slice %arg14[%dma_wait3A_1269, %dma_wait3A_1273] : memref<5x80xi32, #tpu.memory_space<vmem>> -> memref<1x80xi32, #tpu.memory_space<vmem>>
      %dma_wait3A_1275 = tpu.memref_squeeze %dma_wait3A_1274 : memref<1x80xi32, #tpu.memory_space<vmem>> -> memref<80xi32, #tpu.memory_space<vmem>>
      %dma_wait3A_1276 = arith.constant 0 : i32
      %dma_wait3A_1277 = arith.constant 0 : i32
      %dma_wait3A_1278 = tpu.memref_slice %arg5[%dma_wait3A_1276, %dma_wait3A_1277] : memref<40000x16xf32, #tpu.memory_space<hbm>> -> memref<40000x16xf32, #tpu.memory_space<hbm>>
      tpu.wait_indirect_dma semaphore(%arg22 : memref<!tpu.dma_semaphore, #tpu.memory_space<semaphore_mem>>) src(%dma_wait3A_1278 : memref<40000x16xf32, #tpu.memory_space<hbm>>) dst(%dma_wait3A_1272 : memref<80x16xf32, #tpu.memory_space<vmem>>)
      %dma_wait3A_1279 = arith.constant 4 : i32
      %dma_wait3A_1280 = arith.constant 320 : i32
      %dma_wait3A_1281 = arith.constant 0 : i32
      %dma_wait3A_1282 = tpu.memref_slice %arg17[%dma_wait3A_1280, %dma_wait3A_1281] : memref<400x16xf32, #tpu.memory_space<vmem>> -> memref<80x16xf32, #tpu.memory_space<vmem>>
      %dma_wait3A_1283 = arith.constant 0 : i32
      %dma_wait3A_1284 = tpu.memref_slice %arg15[%dma_wait3A_1279, %dma_wait3A_1283] : memref<5x80xi32, #tpu.memory_space<vmem>> -> memref<1x80xi32, #tpu.memory_space<vmem>>
      %dma_wait3A_1285 = tpu.memref_squeeze %dma_wait3A_1284 : memref<1x80xi32, #tpu.memory_space<vmem>> -> memref<80xi32, #tpu.memory_space<vmem>>
      %dma_wait3A_1286 = arith.constant 0 : i32
      %dma_wait3A_1287 = arith.constant 0 : i32
      %dma_wait3A_1288 = tpu.memref_slice %arg6[%dma_wait3A_1286, %dma_wait3A_1287] : memref<40000x16xf32, #tpu.memory_space<hbm>> -> memref<40000x16xf32, #tpu.memory_space<hbm>>
      tpu.wait_indirect_dma semaphore(%arg22 : memref<!tpu.dma_semaphore, #tpu.memory_space<semaphore_mem>>) src(%dma_wait3A_1288 : memref<40000x16xf32, #tpu.memory_space<hbm>>) dst(%dma_wait3A_1282 : memref<80x16xf32, #tpu.memory_space<vmem>>)
      %scan3A_1289 = arith.constant 0 : i32
      %scan3A_1290 = arith.constant 0 : i32
      %scan3A_1291 = arith.constant 400 : i32
      %scan3A_1292 = arith.addi %scan3A_1290, %scan3A_1291 : i32
      %scan3A_1293 = arith.constant 1 : i32
      %scan3A_1294 = scf.for %scan3A_1507 = %scan3A_1290 to %scan3A_1292 step %scan3A_1293 iter_args(%scan3A_1508 = %scan3A_1289) -> (i32)  : i32 {
        %get3A_1509 = arith.index_cast %scan3A_1507 : i32 to index
        %get3A_1510 = arith.constant 0 : index
        %get3A_1511 = tpu.vector_load %arg16[%get3A_1509, %get3A_1510] {strides = array<i32>} : memref<400x16xf32, #tpu.memory_space<vmem>>, vector<1x16xf32>,
        %get3A_1512 = vector.shape_cast %get3A_1511 : vector<1x16xf32> to vector<16xf32>
        %get3A_1513 = arith.index_cast %scan3A_1507 : i32 to index
        %get3A_1514 = arith.constant 0 : index
        %get3A_1515 = tpu.vector_load %arg17[%get3A_1513, %get3A_1514] {strides = array<i32>} : memref<400x16xf32, #tpu.memory_space<vmem>>, vector<1x16xf32>,
        %get3A_1516 = vector.shape_cast %get3A_1515 : vector<1x16xf32> to vector<16xf32>
        %add3A_1517 = arith.addf %get3A_1512, %get3A_1516 : vector<16xf32>
        %ge3A = arith.constant 0.000000e+00 : f32
        %ge3A_1518 = vector.broadcast %ge3A : f32 to vector<16xf32>
        %ge3A_1519 = arith.cmpf oge, %add3A_1517, %ge3A_1518 : vector<16xf32>
        %mul3A_1520 = arith.constant 2.000000e-01 : f32
        %mul3A_1521 = vector.broadcast %mul3A_1520 : f32 to vector<16xf32>
        %mul3A_1522 = arith.mulf %add3A_1517, %mul3A_1521 : vector<16xf32>
        %select_n3A = arith.select %ge3A_1519, %add3A_1517, %mul3A_1522 : vector<16xi1>, vector<16xf32>
        %exp3A = math.exp %select_n3A : vector<16xf32>
        %swap3A_1523 = arith.index_cast %scan3A_1507 : i32 to index
        %swap3A_1524 = arith.constant 0 : index
        %swap3A_1525 = tpu.vector_load %arg18[%swap3A_1523, %swap3A_1524] {strides = array<i32>} : memref<400x16xf32, #tpu.memory_space<vmem>>, vector<1x16xf32>,
        %swap3A_1526 = vector.shape_cast %swap3A_1525 : vector<1x16xf32> to vector<16xf32>
        %swap3A_1527 = vector.shape_cast %exp3A : vector<16xf32> to vector<1x16xf32>
        tpu.vector_store %arg18[%swap3A_1523, %swap3A_1524], %swap3A_1527 {strides = array<i32>} : memref<400x16xf32, #tpu.memory_space<vmem>>, vector<1x16xf32>,
        %scan3A_1528 = arith.constant 0 : i32
        scf.yield %scan3A_1528 : i32
      }
      %scan3A_1295 = arith.constant 400 : i32
      %dma_start3A_1296 = arith.constant 0 : i32
      %dma_start3A_1297 = arith.constant 0 : i32
      %dma_start3A_1298 = arith.constant 0 : i32
      %dma_start3A_1299 = tpu.memref_slice %arg18[%dma_start3A_1297, %dma_start3A_1298] : memref<400x16xf32, #tpu.memory_space<vmem>> -> memref<80x16xf32, #tpu.memory_space<vmem>>
      %dma_start3A_1300 = arith.constant 0 : i32
      %dma_start3A_1301 = tpu.memref_slice %arg12[%dma_start3A_1296, %dma_start3A_1300] : memref<5x80xi32, #tpu.memory_space<vmem>> -> memref<1x80xi32, #tpu.memory_space<vmem>>
      %dma_start3A_1302 = tpu.memref_squeeze %dma_start3A_1301 : memref<1x80xi32, #tpu.memory_space<vmem>> -> memref<80xi32, #tpu.memory_space<vmem>>
      %dma_start3A_1303 = arith.constant 0 : i32
      %dma_start3A_1304 = arith.constant 0 : i32
      %dma_start3A_1305 = tpu.memref_slice %arg24[%dma_start3A_1303, %dma_start3A_1304] : memref<10000x16xf32, #tpu.memory_space<vmem_shared>> -> memref<10000x16xf32, #tpu.memory_space<vmem_shared>>
      tpu.enqueue_indirect_dma source(%dma_start3A_1299 : memref<80x16xf32, #tpu.memory_space<vmem>>) target(%dma_start3A_1305 : memref<10000x16xf32, #tpu.memory_space<vmem_shared>>) offsets(%dma_start3A_1302 : memref<80xi32, #tpu.memory_space<vmem>>) semaphore(%arg22 : memref<!tpu.dma_semaphore, #tpu.memory_space<semaphore_mem>>) {add = true}
      %dma_start3A_1306 = arith.constant 1 : i32
      %dma_start3A_1307 = arith.constant 80 : i32
      %dma_start3A_1308 = arith.constant 0 : i32
      %dma_start3A_1309 = tpu.memref_slice %arg18[%dma_start3A_1307, %dma_start3A_1308] : memref<400x16xf32, #tpu.memory_space<vmem>> -> memref<80x16xf32, #tpu.memory_space<vmem>>
      %dma_start3A_1310 = arith.constant 0 : i32
      %dma_start3A_1311 = tpu.memref_slice %arg12[%dma_start3A_1306, %dma_start3A_1310] : memref<5x80xi32, #tpu.memory_space<vmem>> -> memref<1x80xi32, #tpu.memory_space<vmem>>
      %dma_start3A_1312 = tpu.memref_squeeze %dma_start3A_1311 : memref<1x80xi32, #tpu.memory_space<vmem>> -> memref<80xi32, #tpu.memory_space<vmem>>
      %dma_start3A_1313 = arith.constant 0 : i32
      %dma_start3A_1314 = arith.constant 0 : i32
      %dma_start3A_1315 = tpu.memref_slice %arg24[%dma_start3A_1313, %dma_start3A_1314] : memref<10000x16xf32, #tpu.memory_space<vmem_shared>> -> memref<10000x16xf32, #tpu.memory_space<vmem_shared>>
      tpu.enqueue_indirect_dma source(%dma_start3A_1309 : memref<80x16xf32, #tpu.memory_space<vmem>>) target(%dma_start3A_1315 : memref<10000x16xf32, #tpu.memory_space<vmem_shared>>) offsets(%dma_start3A_1312 : memref<80xi32, #tpu.memory_space<vmem>>) semaphore(%arg22 : memref<!tpu.dma_semaphore, #tpu.memory_space<semaphore_mem>>) {add = true}
      %dma_start3A_1316 = arith.constant 2 : i32
      %dma_start3A_1317 = arith.constant 160 : i32
      %dma_start3A_1318 = arith.constant 0 : i32
      %dma_start3A_1319 = tpu.memref_slice %arg18[%dma_start3A_1317, %dma_start3A_1318] : memref<400x16xf32, #tpu.memory_space<vmem>> -> memref<80x16xf32, #tpu.memory_space<vmem>>
      %dma_start3A_1320 = arith.constant 0 : i32
      %dma_start3A_1321 = tpu.memref_slice %arg12[%dma_start3A_1316, %dma_start3A_1320] : memref<5x80xi32, #tpu.memory_space<vmem>> -> memref<1x80xi32, #tpu.memory_space<vmem>>
      %dma_start3A_1322 = tpu.memref_squeeze %dma_start3A_1321 : memref<1x80xi32, #tpu.memory_space<vmem>> -> memref<80xi32, #tpu.memory_space<vmem>>
      %dma_start3A_1323 = arith.constant 0 : i32
      %dma_start3A_1324 = arith.constant 0 : i32
      %dma_start3A_1325 = tpu.memref_slice %arg24[%dma_start3A_1323, %dma_start3A_1324] : memref<10000x16xf32, #tpu.memory_space<vmem_shared>> -> memref<10000x16xf32, #tpu.memory_space<vmem_shared>>
      tpu.enqueue_indirect_dma source(%dma_start3A_1319 : memref<80x16xf32, #tpu.memory_space<vmem>>) target(%dma_start3A_1325 : memref<10000x16xf32, #tpu.memory_space<vmem_shared>>) offsets(%dma_start3A_1322 : memref<80xi32, #tpu.memory_space<vmem>>) semaphore(%arg22 : memref<!tpu.dma_semaphore, #tpu.memory_space<semaphore_mem>>) {add = true}
      %dma_start3A_1326 = arith.constant 3 : i32
      %dma_start3A_1327 = arith.constant 240 : i32
      %dma_start3A_1328 = arith.constant 0 : i32
      %dma_start3A_1329 = tpu.memref_slice %arg18[%dma_start3A_1327, %dma_start3A_1328] : memref<400x16xf32, #tpu.memory_space<vmem>> -> memref<80x16xf32, #tpu.memory_space<vmem>>
      %dma_start3A_1330 = arith.constant 0 : i32
      %dma_start3A_1331 = tpu.memref_slice %arg12[%dma_start3A_1326, %dma_start3A_1330] : memref<5x80xi32, #tpu.memory_space<vmem>> -> memref<1x80xi32, #tpu.memory_space<vmem>>
      %dma_start3A_1332 = tpu.memref_squeeze %dma_start3A_1331 : memref<1x80xi32, #tpu.memory_space<vmem>> -> memref<80xi32, #tpu.memory_space<vmem>>
      %dma_start3A_1333 = arith.constant 0 : i32
      %dma_start3A_1334 = arith.constant 0 : i32
      %dma_start3A_1335 = tpu.memref_slice %arg24[%dma_start3A_1333, %dma_start3A_1334] : memref<10000x16xf32, #tpu.memory_space<vmem_shared>> -> memref<10000x16xf32, #tpu.memory_space<vmem_shared>>
      tpu.enqueue_indirect_dma source(%dma_start3A_1329 : memref<80x16xf32, #tpu.memory_space<vmem>>) target(%dma_start3A_1335 : memref<10000x16xf32, #tpu.memory_space<vmem_shared>>) offsets(%dma_start3A_1332 : memref<80xi32, #tpu.memory_space<vmem>>) semaphore(%arg22 : memref<!tpu.dma_semaphore, #tpu.memory_space<semaphore_mem>>) {add = true}
      %dma_start3A_1336 = arith.constant 4 : i32
      %dma_start3A_1337 = arith.constant 320 : i32
      %dma_start3A_1338 = arith.constant 0 : i32
      %dma_start3A_1339 = tpu.memref_slice %arg18[%dma_start3A_1337, %dma_start3A_1338] : memref<400x16xf32, #tpu.memory_space<vmem>> -> memref<80x16xf32, #tpu.memory_space<vmem>>
      %dma_start3A_1340 = arith.constant 0 : i32
      %dma_start3A_1341 = tpu.memref_slice %arg12[%dma_start3A_1336, %dma_start3A_1340] : memref<5x80xi32, #tpu.memory_space<vmem>> -> memref<1x80xi32, #tpu.memory_space<vmem>>
      %dma_start3A_1342 = tpu.memref_squeeze %dma_start3A_1341 : memref<1x80xi32, #tpu.memory_space<vmem>> -> memref<80xi32, #tpu.memory_space<vmem>>
      %dma_start3A_1343 = arith.constant 0 : i32
      %dma_start3A_1344 = arith.constant 0 : i32
      %dma_start3A_1345 = tpu.memref_slice %arg24[%dma_start3A_1343, %dma_start3A_1344] : memref<10000x16xf32, #tpu.memory_space<vmem_shared>> -> memref<10000x16xf32, #tpu.memory_space<vmem_shared>>
      tpu.enqueue_indirect_dma source(%dma_start3A_1339 : memref<80x16xf32, #tpu.memory_space<vmem>>) target(%dma_start3A_1345 : memref<10000x16xf32, #tpu.memory_space<vmem_shared>>) offsets(%dma_start3A_1342 : memref<80xi32, #tpu.memory_space<vmem>>) semaphore(%arg22 : memref<!tpu.dma_semaphore, #tpu.memory_space<semaphore_mem>>) {add = true}
      %eq3A_1346 = arith.constant 0 : i32
      %eq3A_1347 = arith.cmpi eq, %arg0, %eq3A_1346 : i32
      %convert_element_type3A_1348 = arith.extui %eq3A_1347 : i1 to i32
      %cond3A_1349 = arith.constant 0 : i32
      %cond3A_1350 = arith.cmpi ne, %convert_element_type3A_1348, %cond3A_1349 : i32
      scf.if %cond3A_1350 {
        %scan3A_1507 = arith.constant 0 : i32
        %scan3A_1508 = arith.constant 0 : i32
        %scan3A_1509 = arith.constant 400 : i32
        %scan3A_1510 = arith.addi %scan3A_1508, %scan3A_1509 : i32
        %scan3A_1511 = arith.constant 1 : i32
        %scan3A_1512 = scf.for %scan3A_1514 = %scan3A_1508 to %scan3A_1510 step %scan3A_1511 iter_args(%scan3A_1515 = %scan3A_1507) -> (i32)  : i32 {
          %get3A_1516 = arith.index_cast %scan3A_1514 : i32 to index
          %get3A_1517 = arith.constant 0 : index
          %get3A_1518 = tpu.vector_load %arg18[%get3A_1516, %get3A_1517] {strides = array<i32>} : memref<400x16xf32, #tpu.memory_space<vmem>>, vector<1x16xf32>,
          %get3A_1519 = vector.shape_cast %get3A_1518 : vector<1x16xf32> to vector<16xf32>
          %get3A_1520 = arith.index_cast %scan3A_1514 : i32 to index
          %get3A_1521 = arith.constant 0 : index
          %get3A_1522 = tpu.vector_load %arg19[%get3A_1520, %get3A_1521] {strides = array<i32>} : memref<400x64xf32, #tpu.memory_space<vmem>>, vector<1x16xf32>,
          %get3A_1523 = vector.shape_cast %get3A_1522 : vector<1x16xf32> to vector<16xf32>
          %slice3A = vector.extract_strided_slice %get3A_1519 {offsets = [0], sizes = [1], strides = [1]} : vector<16xf32> to vector<1xf32>
          %squeeze3A = vector.extract %slice3A[0] : f32 from vector<1xf32>
          %mul3A_1524 = vector.broadcast %squeeze3A : f32 to vector<16xf32>
          %mul3A_1525 = arith.mulf %get3A_1523, %mul3A_1524 : vector<16xf32>
          %swap3A_1526 = arith.index_cast %scan3A_1514 : i32 to index
          %swap3A_1527 = arith.constant 0 : index
          %swap3A_1528 = tpu.vector_load %arg19[%swap3A_1526, %swap3A_1527] {strides = array<i32>} : memref<400x64xf32, #tpu.memory_space<vmem>>, vector<1x16xf32>,
          %swap3A_1529 = vector.shape_cast %swap3A_1528 : vector<1x16xf32> to vector<16xf32>
          %swap3A_1530 = vector.shape_cast %mul3A_1525 : vector<16xf32> to vector<1x16xf32>
          tpu.vector_store %arg19[%swap3A_1526, %swap3A_1527], %swap3A_1530 {strides = array<i32>} : memref<400x64xf32, #tpu.memory_space<vmem>>, vector<1x16xf32>,
          %get3A_1531 = arith.index_cast %scan3A_1514 : i32 to index
          %get3A_1532 = arith.constant 16 : index
          %get3A_1533 = tpu.vector_load %arg19[%get3A_1531, %get3A_1532] {strides = array<i32>} : memref<400x64xf32, #tpu.memory_space<vmem>>, vector<1x16xf32>,
          %get3A_1534 = vector.shape_cast %get3A_1533 : vector<1x16xf32> to vector<16xf32>
          %slice3A_1535 = vector.extract_strided_slice %get3A_1519 {offsets = [1], sizes = [1], strides = [1]} : vector<16xf32> to vector<1xf32>
          %squeeze3A_1536 = vector.extract %slice3A_1535[0] : f32 from vector<1xf32>
          %mul3A_1537 = vector.broadcast %squeeze3A_1536 : f32 to vector<16xf32>
          %mul3A_1538 = arith.mulf %get3A_1534, %mul3A_1537 : vector<16xf32>
          %swap3A_1539 = arith.index_cast %scan3A_1514 : i32 to index
          %swap3A_1540 = arith.constant 16 : index
          %swap3A_1541 = tpu.vector_load %arg19[%swap3A_1539, %swap3A_1540] {strides = array<i32>} : memref<400x64xf32, #tpu.memory_space<vmem>>, vector<1x16xf32>,
          %swap3A_1542 = vector.shape_cast %swap3A_1541 : vector<1x16xf32> to vector<16xf32>
          %swap3A_1543 = vector.shape_cast %mul3A_1538 : vector<16xf32> to vector<1x16xf32>
          tpu.vector_store %arg19[%swap3A_1539, %swap3A_1540], %swap3A_1543 {strides = array<i32>} : memref<400x64xf32, #tpu.memory_space<vmem>>, vector<1x16xf32>,
          %get3A_1544 = arith.index_cast %scan3A_1514 : i32 to index
          %get3A_1545 = arith.constant 32 : index
          %get3A_1546 = tpu.vector_load %arg19[%get3A_1544, %get3A_1545] {strides = array<i32>} : memref<400x64xf32, #tpu.memory_space<vmem>>, vector<1x16xf32>,
          %get3A_1547 = vector.shape_cast %get3A_1546 : vector<1x16xf32> to vector<16xf32>
          %slice3A_1548 = vector.extract_strided_slice %get3A_1519 {offsets = [2], sizes = [1], strides = [1]} : vector<16xf32> to vector<1xf32>
          %squeeze3A_1549 = vector.extract %slice3A_1548[0] : f32 from vector<1xf32>
          %mul3A_1550 = vector.broadcast %squeeze3A_1549 : f32 to vector<16xf32>
          %mul3A_1551 = arith.mulf %get3A_1547, %mul3A_1550 : vector<16xf32>
          %swap3A_1552 = arith.index_cast %scan3A_1514 : i32 to index
          %swap3A_1553 = arith.constant 32 : index
          %swap3A_1554 = tpu.vector_load %arg19[%swap3A_1552, %swap3A_1553] {strides = array<i32>} : memref<400x64xf32, #tpu.memory_space<vmem>>, vector<1x16xf32>,
          %swap3A_1555 = vector.shape_cast %swap3A_1554 : vector<1x16xf32> to vector<16xf32>
          %swap3A_1556 = vector.shape_cast %mul3A_1551 : vector<16xf32> to vector<1x16xf32>
          tpu.vector_store %arg19[%swap3A_1552, %swap3A_1553], %swap3A_1556 {strides = array<i32>} : memref<400x64xf32, #tpu.memory_space<vmem>>, vector<1x16xf32>,
          %get3A_1557 = arith.index_cast %scan3A_1514 : i32 to index
          %get3A_1558 = arith.constant 48 : index
          %get3A_1559 = tpu.vector_load %arg19[%get3A_1557, %get3A_1558] {strides = array<i32>} : memref<400x64xf32, #tpu.memory_space<vmem>>, vector<1x16xf32>,
          %get3A_1560 = vector.shape_cast %get3A_1559 : vector<1x16xf32> to vector<16xf32>
          %slice3A_1561 = vector.extract_strided_slice %get3A_1519 {offsets = [3], sizes = [1], strides = [1]} : vector<16xf32> to vector<1xf32>
          %squeeze3A_1562 = vector.extract %slice3A_1561[0] : f32 from vector<1xf32>
          %mul3A_1563 = vector.broadcast %squeeze3A_1562 : f32 to vector<16xf32>
          %mul3A_1564 = arith.mulf %get3A_1560, %mul3A_1563 : vector<16xf32>
          %swap3A_1565 = arith.index_cast %scan3A_1514 : i32 to index
          %swap3A_1566 = arith.constant 48 : index
          %swap3A_1567 = tpu.vector_load %arg19[%swap3A_1565, %swap3A_1566] {strides = array<i32>} : memref<400x64xf32, #tpu.memory_space<vmem>>, vector<1x16xf32>,
          %swap3A_1568 = vector.shape_cast %swap3A_1567 : vector<1x16xf32> to vector<16xf32>
          %swap3A_1569 = vector.shape_cast %mul3A_1564 : vector<16xf32> to vector<1x16xf32>
          tpu.vector_store %arg19[%swap3A_1565, %swap3A_1566], %swap3A_1569 {strides = array<i32>} : memref<400x64xf32, #tpu.memory_space<vmem>>, vector<1x16xf32>,
          %scan3A_1570 = arith.constant 0 : i32
          scf.yield %scan3A_1570 : i32
        }
        %scan3A_1513 = arith.constant 400 : i32
      } else {
      }
      %eq3A_1351 = arith.constant 1 : i32
      %eq3A_1352 = arith.cmpi eq, %arg0, %eq3A_1351 : i32
      %convert_element_type3A_1353 = arith.extui %eq3A_1352 : i1 to i32
      %cond3A_1354 = arith.constant 0 : i32
      %cond3A_1355 = arith.cmpi ne, %convert_element_type3A_1353, %cond3A_1354 : i32
      scf.if %cond3A_1355 {
        %scan3A_1507 = arith.constant 0 : i32
        %scan3A_1508 = arith.constant 0 : i32
        %scan3A_1509 = arith.constant 400 : i32
        %scan3A_1510 = arith.addi %scan3A_1508, %scan3A_1509 : i32
        %scan3A_1511 = arith.constant 1 : i32
        %scan3A_1512 = scf.for %scan3A_1514 = %scan3A_1508 to %scan3A_1510 step %scan3A_1511 iter_args(%scan3A_1515 = %scan3A_1507) -> (i32)  : i32 {
          %get3A_1516 = arith.index_cast %scan3A_1514 : i32 to index
          %get3A_1517 = arith.constant 0 : index
          %get3A_1518 = tpu.vector_load %arg18[%get3A_1516, %get3A_1517] {strides = array<i32>} : memref<400x16xf32, #tpu.memory_space<vmem>>, vector<1x16xf32>,
          %get3A_1519 = vector.shape_cast %get3A_1518 : vector<1x16xf32> to vector<16xf32>
          %get3A_1520 = arith.index_cast %scan3A_1514 : i32 to index
          %get3A_1521 = arith.constant 0 : index
          %get3A_1522 = tpu.vector_load %arg19[%get3A_1520, %get3A_1521] {strides = array<i32>} : memref<400x64xf32, #tpu.memory_space<vmem>>, vector<1x16xf32>,
          %get3A_1523 = vector.shape_cast %get3A_1522 : vector<1x16xf32> to vector<16xf32>
          %slice3A = vector.extract_strided_slice %get3A_1519 {offsets = [4], sizes = [1], strides = [1]} : vector<16xf32> to vector<1xf32>
          %squeeze3A = vector.extract %slice3A[0] : f32 from vector<1xf32>
          %mul3A_1524 = vector.broadcast %squeeze3A : f32 to vector<16xf32>
          %mul3A_1525 = arith.mulf %get3A_1523, %mul3A_1524 : vector<16xf32>
          %swap3A_1526 = arith.index_cast %scan3A_1514 : i32 to index
          %swap3A_1527 = arith.constant 0 : index
          %swap3A_1528 = tpu.vector_load %arg19[%swap3A_1526, %swap3A_1527] {strides = array<i32>} : memref<400x64xf32, #tpu.memory_space<vmem>>, vector<1x16xf32>,
          %swap3A_1529 = vector.shape_cast %swap3A_1528 : vector<1x16xf32> to vector<16xf32>
          %swap3A_1530 = vector.shape_cast %mul3A_1525 : vector<16xf32> to vector<1x16xf32>
          tpu.vector_store %arg19[%swap3A_1526, %swap3A_1527], %swap3A_1530 {strides = array<i32>} : memref<400x64xf32, #tpu.memory_space<vmem>>, vector<1x16xf32>,
          %get3A_1531 = arith.index_cast %scan3A_1514 : i32 to index
          %get3A_1532 = arith.constant 16 : index
          %get3A_1533 = tpu.vector_load %arg19[%get3A_1531, %get3A_1532] {strides = array<i32>} : memref<400x64xf32, #tpu.memory_space<vmem>>, vector<1x16xf32>,
          %get3A_1534 = vector.shape_cast %get3A_1533 : vector<1x16xf32> to vector<16xf32>
          %slice3A_1535 = vector.extract_strided_slice %get3A_1519 {offsets = [5], sizes = [1], strides = [1]} : vector<16xf32> to vector<1xf32>
          %squeeze3A_1536 = vector.extract %slice3A_1535[0] : f32 from vector<1xf32>
          %mul3A_1537 = vector.broadcast %squeeze3A_1536 : f32 to vector<16xf32>
          %mul3A_1538 = arith.mulf %get3A_1534, %mul3A_1537 : vector<16xf32>
          %swap3A_1539 = arith.index_cast %scan3A_1514 : i32 to index
          %swap3A_1540 = arith.constant 16 : index
          %swap3A_1541 = tpu.vector_load %arg19[%swap3A_1539, %swap3A_1540] {strides = array<i32>} : memref<400x64xf32, #tpu.memory_space<vmem>>, vector<1x16xf32>,
          %swap3A_1542 = vector.shape_cast %swap3A_1541 : vector<1x16xf32> to vector<16xf32>
          %swap3A_1543 = vector.shape_cast %mul3A_1538 : vector<16xf32> to vector<1x16xf32>
          tpu.vector_store %arg19[%swap3A_1539, %swap3A_1540], %swap3A_1543 {strides = array<i32>} : memref<400x64xf32, #tpu.memory_space<vmem>>, vector<1x16xf32>,
          %get3A_1544 = arith.index_cast %scan3A_1514 : i32 to index
          %get3A_1545 = arith.constant 32 : index
          %get3A_1546 = tpu.vector_load %arg19[%get3A_1544, %get3A_1545] {strides = array<i32>} : memref<400x64xf32, #tpu.memory_space<vmem>>, vector<1x16xf32>,
          %get3A_1547 = vector.shape_cast %get3A_1546 : vector<1x16xf32> to vector<16xf32>
          %slice3A_1548 = vector.extract_strided_slice %get3A_1519 {offsets = [6], sizes = [1], strides = [1]} : vector<16xf32> to vector<1xf32>
          %squeeze3A_1549 = vector.extract %slice3A_1548[0] : f32 from vector<1xf32>
          %mul3A_1550 = vector.broadcast %squeeze3A_1549 : f32 to vector<16xf32>
          %mul3A_1551 = arith.mulf %get3A_1547, %mul3A_1550 : vector<16xf32>
          %swap3A_1552 = arith.index_cast %scan3A_1514 : i32 to index
          %swap3A_1553 = arith.constant 32 : index
          %swap3A_1554 = tpu.vector_load %arg19[%swap3A_1552, %swap3A_1553] {strides = array<i32>} : memref<400x64xf32, #tpu.memory_space<vmem>>, vector<1x16xf32>,
          %swap3A_1555 = vector.shape_cast %swap3A_1554 : vector<1x16xf32> to vector<16xf32>
          %swap3A_1556 = vector.shape_cast %mul3A_1551 : vector<16xf32> to vector<1x16xf32>
          tpu.vector_store %arg19[%swap3A_1552, %swap3A_1553], %swap3A_1556 {strides = array<i32>} : memref<400x64xf32, #tpu.memory_space<vmem>>, vector<1x16xf32>,
          %get3A_1557 = arith.index_cast %scan3A_1514 : i32 to index
          %get3A_1558 = arith.constant 48 : index
          %get3A_1559 = tpu.vector_load %arg19[%get3A_1557, %get3A_1558] {strides = array<i32>} : memref<400x64xf32, #tpu.memory_space<vmem>>, vector<1x16xf32>,
          %get3A_1560 = vector.shape_cast %get3A_1559 : vector<1x16xf32> to vector<16xf32>
          %slice3A_1561 = vector.extract_strided_slice %get3A_1519 {offsets = [7], sizes = [1], strides = [1]} : vector<16xf32> to vector<1xf32>
          %squeeze3A_1562 = vector.extract %slice3A_1561[0] : f32 from vector<1xf32>
          %mul3A_1563 = vector.broadcast %squeeze3A_1562 : f32 to vector<16xf32>
          %mul3A_1564 = arith.mulf %get3A_1560, %mul3A_1563 : vector<16xf32>
          %swap3A_1565 = arith.index_cast %scan3A_1514 : i32 to index
          %swap3A_1566 = arith.constant 48 : index
          %swap3A_1567 = tpu.vector_load %arg19[%swap3A_1565, %swap3A_1566] {strides = array<i32>} : memref<400x64xf32, #tpu.memory_space<vmem>>, vector<1x16xf32>,
          %swap3A_1568 = vector.shape_cast %swap3A_1567 : vector<1x16xf32> to vector<16xf32>
          %swap3A_1569 = vector.shape_cast %mul3A_1564 : vector<16xf32> to vector<1x16xf32>
          tpu.vector_store %arg19[%swap3A_1565, %swap3A_1566], %swap3A_1569 {strides = array<i32>} : memref<400x64xf32, #tpu.memory_space<vmem>>, vector<1x16xf32>,
          %scan3A_1570 = arith.constant 0 : i32
          scf.yield %scan3A_1570 : i32
        }
        %scan3A_1513 = arith.constant 400 : i32
      } else {
      }
      %dma_start3A_1356 = arith.constant 0 : i32
      %dma_start3A_1357 = arith.constant 0 : i32
      %dma_start3A_1358 = arith.constant 0 : i32
      %dma_start3A_1359 = tpu.memref_slice %arg19[%dma_start3A_1357, %dma_start3A_1358] : memref<400x64xf32, #tpu.memory_space<vmem>> -> memref<80x64xf32, #tpu.memory_space<vmem>>
      %dma_start3A_1360 = arith.constant 0 : i32
      %dma_start3A_1361 = tpu.memref_slice %arg12[%dma_start3A_1356, %dma_start3A_1360] : memref<5x80xi32, #tpu.memory_space<vmem>> -> memref<1x80xi32, #tpu.memory_space<vmem>>
      %dma_start3A_1362 = tpu.memref_squeeze %dma_start3A_1361 : memref<1x80xi32, #tpu.memory_space<vmem>> -> memref<80xi32, #tpu.memory_space<vmem>>
      %dma_start3A_1363 = arith.constant 0 : i32
      %dma_start3A_1364 = arith.constant 0 : i32
      %dma_start3A_1365 = tpu.memref_slice %arg23[%dma_start3A_1363, %dma_start3A_1364] : memref<10000x64xf32, #tpu.memory_space<vmem_shared>> -> memref<10000x64xf32, #tpu.memory_space<vmem_shared>>
      tpu.enqueue_indirect_dma source(%dma_start3A_1359 : memref<80x64xf32, #tpu.memory_space<vmem>>) target(%dma_start3A_1365 : memref<10000x64xf32, #tpu.memory_space<vmem_shared>>) offsets(%dma_start3A_1362 : memref<80xi32, #tpu.memory_space<vmem>>) semaphore(%arg22 : memref<!tpu.dma_semaphore, #tpu.memory_space<semaphore_mem>>) {add = true}
      %dma_start3A_1366 = arith.constant 1 : i32
      %dma_start3A_1367 = arith.constant 80 : i32
      %dma_start3A_1368 = arith.constant 0 : i32
      %dma_start3A_1369 = tpu.memref_slice %arg19[%dma_start3A_1367, %dma_start3A_1368] : memref<400x64xf32, #tpu.memory_space<vmem>> -> memref<80x64xf32, #tpu.memory_space<vmem>>
      %dma_start3A_1370 = arith.constant 0 : i32
      %dma_start3A_1371 = tpu.memref_slice %arg12[%dma_start3A_1366, %dma_start3A_1370] : memref<5x80xi32, #tpu.memory_space<vmem>> -> memref<1x80xi32, #tpu.memory_space<vmem>>
      %dma_start3A_1372 = tpu.memref_squeeze %dma_start3A_1371 : memref<1x80xi32, #tpu.memory_space<vmem>> -> memref<80xi32, #tpu.memory_space<vmem>>
      %dma_start3A_1373 = arith.constant 0 : i32
      %dma_start3A_1374 = arith.constant 0 : i32
      %dma_start3A_1375 = tpu.memref_slice %arg23[%dma_start3A_1373, %dma_start3A_1374] : memref<10000x64xf32, #tpu.memory_space<vmem_shared>> -> memref<10000x64xf32, #tpu.memory_space<vmem_shared>>
      tpu.enqueue_indirect_dma source(%dma_start3A_1369 : memref<80x64xf32, #tpu.memory_space<vmem>>) target(%dma_start3A_1375 : memref<10000x64xf32, #tpu.memory_space<vmem_shared>>) offsets(%dma_start3A_1372 : memref<80xi32, #tpu.memory_space<vmem>>) semaphore(%arg22 : memref<!tpu.dma_semaphore, #tpu.memory_space<semaphore_mem>>) {add = true}
      %dma_start3A_1376 = arith.constant 2 : i32
      %dma_start3A_1377 = arith.constant 160 : i32
      %dma_start3A_1378 = arith.constant 0 : i32
      %dma_start3A_1379 = tpu.memref_slice %arg19[%dma_start3A_1377, %dma_start3A_1378] : memref<400x64xf32, #tpu.memory_space<vmem>> -> memref<80x64xf32, #tpu.memory_space<vmem>>
      %dma_start3A_1380 = arith.constant 0 : i32
      %dma_start3A_1381 = tpu.memref_slice %arg12[%dma_start3A_1376, %dma_start3A_1380] : memref<5x80xi32, #tpu.memory_space<vmem>> -> memref<1x80xi32, #tpu.memory_space<vmem>>
      %dma_start3A_1382 = tpu.memref_squeeze %dma_start3A_1381 : memref<1x80xi32, #tpu.memory_space<vmem>> -> memref<80xi32, #tpu.memory_space<vmem>>
      %dma_start3A_1383 = arith.constant 0 : i32
      %dma_start3A_1384 = arith.constant 0 : i32
      %dma_start3A_1385 = tpu.memref_slice %arg23[%dma_start3A_1383, %dma_start3A_1384] : memref<10000x64xf32, #tpu.memory_space<vmem_shared>> -> memref<10000x64xf32, #tpu.memory_space<vmem_shared>>
      tpu.enqueue_indirect_dma source(%dma_start3A_1379 : memref<80x64xf32, #tpu.memory_space<vmem>>) target(%dma_start3A_1385 : memref<10000x64xf32, #tpu.memory_space<vmem_shared>>) offsets(%dma_start3A_1382 : memref<80xi32, #tpu.memory_space<vmem>>) semaphore(%arg22 : memref<!tpu.dma_semaphore, #tpu.memory_space<semaphore_mem>>) {add = true}
      %dma_start3A_1386 = arith.constant 3 : i32
      %dma_start3A_1387 = arith.constant 240 : i32
      %dma_start3A_1388 = arith.constant 0 : i32
      %dma_start3A_1389 = tpu.memref_slice %arg19[%dma_start3A_1387, %dma_start3A_1388] : memref<400x64xf32, #tpu.memory_space<vmem>> -> memref<80x64xf32, #tpu.memory_space<vmem>>
      %dma_start3A_1390 = arith.constant 0 : i32
      %dma_start3A_1391 = tpu.memref_slice %arg12[%dma_start3A_1386, %dma_start3A_1390] : memref<5x80xi32, #tpu.memory_space<vmem>> -> memref<1x80xi32, #tpu.memory_space<vmem>>
      %dma_start3A_1392 = tpu.memref_squeeze %dma_start3A_1391 : memref<1x80xi32, #tpu.memory_space<vmem>> -> memref<80xi32, #tpu.memory_space<vmem>>
      %dma_start3A_1393 = arith.constant 0 : i32
      %dma_start3A_1394 = arith.constant 0 : i32
      %dma_start3A_1395 = tpu.memref_slice %arg23[%dma_start3A_1393, %dma_start3A_1394] : memref<10000x64xf32, #tpu.memory_space<vmem_shared>> -> memref<10000x64xf32, #tpu.memory_space<vmem_shared>>
      tpu.enqueue_indirect_dma source(%dma_start3A_1389 : memref<80x64xf32, #tpu.memory_space<vmem>>) target(%dma_start3A_1395 : memref<10000x64xf32, #tpu.memory_space<vmem_shared>>) offsets(%dma_start3A_1392 : memref<80xi32, #tpu.memory_space<vmem>>) semaphore(%arg22 : memref<!tpu.dma_semaphore, #tpu.memory_space<semaphore_mem>>) {add = true}
      %dma_start3A_1396 = arith.constant 4 : i32
      %dma_start3A_1397 = arith.constant 320 : i32
      %dma_start3A_1398 = arith.constant 0 : i32
      %dma_start3A_1399 = tpu.memref_slice %arg19[%dma_start3A_1397, %dma_start3A_1398] : memref<400x64xf32, #tpu.memory_space<vmem>> -> memref<80x64xf32, #tpu.memory_space<vmem>>
      %dma_start3A_1400 = arith.constant 0 : i32
      %dma_start3A_1401 = tpu.memref_slice %arg12[%dma_start3A_1396, %dma_start3A_1400] : memref<5x80xi32, #tpu.memory_space<vmem>> -> memref<1x80xi32, #tpu.memory_space<vmem>>
      %dma_start3A_1402 = tpu.memref_squeeze %dma_start3A_1401 : memref<1x80xi32, #tpu.memory_space<vmem>> -> memref<80xi32, #tpu.memory_space<vmem>>
      %dma_start3A_1403 = arith.constant 0 : i32
      %dma_start3A_1404 = arith.constant 0 : i32
      %dma_start3A_1405 = tpu.memref_slice %arg23[%dma_start3A_1403, %dma_start3A_1404] : memref<10000x64xf32, #tpu.memory_space<vmem_shared>> -> memref<10000x64xf32, #tpu.memory_space<vmem_shared>>
      tpu.enqueue_indirect_dma source(%dma_start3A_1399 : memref<80x64xf32, #tpu.memory_space<vmem>>) target(%dma_start3A_1405 : memref<10000x64xf32, #tpu.memory_space<vmem_shared>>) offsets(%dma_start3A_1402 : memref<80xi32, #tpu.memory_space<vmem>>) semaphore(%arg22 : memref<!tpu.dma_semaphore, #tpu.memory_space<semaphore_mem>>) {add = true}
      %dma_wait3A_1406 = arith.constant 0 : i32
      %dma_wait3A_1407 = arith.constant 0 : i32
      %dma_wait3A_1408 = arith.constant 0 : i32
      %dma_wait3A_1409 = tpu.memref_slice %arg18[%dma_wait3A_1407, %dma_wait3A_1408] : memref<400x16xf32, #tpu.memory_space<vmem>> -> memref<80x16xf32, #tpu.memory_space<vmem>>
      %dma_wait3A_1410 = arith.constant 0 : i32
      %dma_wait3A_1411 = tpu.memref_slice %arg12[%dma_wait3A_1406, %dma_wait3A_1410] : memref<5x80xi32, #tpu.memory_space<vmem>> -> memref<1x80xi32, #tpu.memory_space<vmem>>
      %dma_wait3A_1412 = tpu.memref_squeeze %dma_wait3A_1411 : memref<1x80xi32, #tpu.memory_space<vmem>> -> memref<80xi32, #tpu.memory_space<vmem>>
      %dma_wait3A_1413 = arith.constant 0 : i32
      %dma_wait3A_1414 = arith.constant 0 : i32
      %dma_wait3A_1415 = tpu.memref_slice %arg24[%dma_wait3A_1413, %dma_wait3A_1414] : memref<10000x16xf32, #tpu.memory_space<vmem_shared>> -> memref<10000x16xf32, #tpu.memory_space<vmem_shared>>
      tpu.wait_indirect_dma semaphore(%arg22 : memref<!tpu.dma_semaphore, #tpu.memory_space<semaphore_mem>>) src(%dma_wait3A_1409 : memref<80x16xf32, #tpu.memory_space<vmem>>) dst(%dma_wait3A_1415 : memref<10000x16xf32, #tpu.memory_space<vmem_shared>>)
      %dma_wait3A_1416 = arith.constant 1 : i32
      %dma_wait3A_1417 = arith.constant 80 : i32
      %dma_wait3A_1418 = arith.constant 0 : i32
      %dma_wait3A_1419 = tpu.memref_slice %arg18[%dma_wait3A_1417, %dma_wait3A_1418] : memref<400x16xf32, #tpu.memory_space<vmem>> -> memref<80x16xf32, #tpu.memory_space<vmem>>
      %dma_wait3A_1420 = arith.constant 0 : i32
      %dma_wait3A_1421 = tpu.memref_slice %arg12[%dma_wait3A_1416, %dma_wait3A_1420] : memref<5x80xi32, #tpu.memory_space<vmem>> -> memref<1x80xi32, #tpu.memory_space<vmem>>
      %dma_wait3A_1422 = tpu.memref_squeeze %dma_wait3A_1421 : memref<1x80xi32, #tpu.memory_space<vmem>> -> memref<80xi32, #tpu.memory_space<vmem>>
      %dma_wait3A_1423 = arith.constant 0 : i32
      %dma_wait3A_1424 = arith.constant 0 : i32
      %dma_wait3A_1425 = tpu.memref_slice %arg24[%dma_wait3A_1423, %dma_wait3A_1424] : memref<10000x16xf32, #tpu.memory_space<vmem_shared>> -> memref<10000x16xf32, #tpu.memory_space<vmem_shared>>
      tpu.wait_indirect_dma semaphore(%arg22 : memref<!tpu.dma_semaphore, #tpu.memory_space<semaphore_mem>>) src(%dma_wait3A_1419 : memref<80x16xf32, #tpu.memory_space<vmem>>) dst(%dma_wait3A_1425 : memref<10000x16xf32, #tpu.memory_space<vmem_shared>>)
      %dma_wait3A_1426 = arith.constant 2 : i32
      %dma_wait3A_1427 = arith.constant 160 : i32
      %dma_wait3A_1428 = arith.constant 0 : i32
      %dma_wait3A_1429 = tpu.memref_slice %arg18[%dma_wait3A_1427, %dma_wait3A_1428] : memref<400x16xf32, #tpu.memory_space<vmem>> -> memref<80x16xf32, #tpu.memory_space<vmem>>
      %dma_wait3A_1430 = arith.constant 0 : i32
      %dma_wait3A_1431 = tpu.memref_slice %arg12[%dma_wait3A_1426, %dma_wait3A_1430] : memref<5x80xi32, #tpu.memory_space<vmem>> -> memref<1x80xi32, #tpu.memory_space<vmem>>
      %dma_wait3A_1432 = tpu.memref_squeeze %dma_wait3A_1431 : memref<1x80xi32, #tpu.memory_space<vmem>> -> memref<80xi32, #tpu.memory_space<vmem>>
      %dma_wait3A_1433 = arith.constant 0 : i32
      %dma_wait3A_1434 = arith.constant 0 : i32
      %dma_wait3A_1435 = tpu.memref_slice %arg24[%dma_wait3A_1433, %dma_wait3A_1434] : memref<10000x16xf32, #tpu.memory_space<vmem_shared>> -> memref<10000x16xf32, #tpu.memory_space<vmem_shared>>
      tpu.wait_indirect_dma semaphore(%arg22 : memref<!tpu.dma_semaphore, #tpu.memory_space<semaphore_mem>>) src(%dma_wait3A_1429 : memref<80x16xf32, #tpu.memory_space<vmem>>) dst(%dma_wait3A_1435 : memref<10000x16xf32, #tpu.memory_space<vmem_shared>>)
      %dma_wait3A_1436 = arith.constant 3 : i32
      %dma_wait3A_1437 = arith.constant 240 : i32
      %dma_wait3A_1438 = arith.constant 0 : i32
      %dma_wait3A_1439 = tpu.memref_slice %arg18[%dma_wait3A_1437, %dma_wait3A_1438] : memref<400x16xf32, #tpu.memory_space<vmem>> -> memref<80x16xf32, #tpu.memory_space<vmem>>
      %dma_wait3A_1440 = arith.constant 0 : i32
      %dma_wait3A_1441 = tpu.memref_slice %arg12[%dma_wait3A_1436, %dma_wait3A_1440] : memref<5x80xi32, #tpu.memory_space<vmem>> -> memref<1x80xi32, #tpu.memory_space<vmem>>
      %dma_wait3A_1442 = tpu.memref_squeeze %dma_wait3A_1441 : memref<1x80xi32, #tpu.memory_space<vmem>> -> memref<80xi32, #tpu.memory_space<vmem>>
      %dma_wait3A_1443 = arith.constant 0 : i32
      %dma_wait3A_1444 = arith.constant 0 : i32
      %dma_wait3A_1445 = tpu.memref_slice %arg24[%dma_wait3A_1443, %dma_wait3A_1444] : memref<10000x16xf32, #tpu.memory_space<vmem_shared>> -> memref<10000x16xf32, #tpu.memory_space<vmem_shared>>
      tpu.wait_indirect_dma semaphore(%arg22 : memref<!tpu.dma_semaphore, #tpu.memory_space<semaphore_mem>>) src(%dma_wait3A_1439 : memref<80x16xf32, #tpu.memory_space<vmem>>) dst(%dma_wait3A_1445 : memref<10000x16xf32, #tpu.memory_space<vmem_shared>>)
      %dma_wait3A_1446 = arith.constant 4 : i32
      %dma_wait3A_1447 = arith.constant 320 : i32
      %dma_wait3A_1448 = arith.constant 0 : i32
      %dma_wait3A_1449 = tpu.memref_slice %arg18[%dma_wait3A_1447, %dma_wait3A_1448] : memref<400x16xf32, #tpu.memory_space<vmem>> -> memref<80x16xf32, #tpu.memory_space<vmem>>
      %dma_wait3A_1450 = arith.constant 0 : i32
      %dma_wait3A_1451 = tpu.memref_slice %arg12[%dma_wait3A_1446, %dma_wait3A_1450] : memref<5x80xi32, #tpu.memory_space<vmem>> -> memref<1x80xi32, #tpu.memory_space<vmem>>
      %dma_wait3A_1452 = tpu.memref_squeeze %dma_wait3A_1451 : memref<1x80xi32, #tpu.memory_space<vmem>> -> memref<80xi32, #tpu.memory_space<vmem>>
      %dma_wait3A_1453 = arith.constant 0 : i32
      %dma_wait3A_1454 = arith.constant 0 : i32
      %dma_wait3A_1455 = tpu.memref_slice %arg24[%dma_wait3A_1453, %dma_wait3A_1454] : memref<10000x16xf32, #tpu.memory_space<vmem_shared>> -> memref<10000x16xf32, #tpu.memory_space<vmem_shared>>
      tpu.wait_indirect_dma semaphore(%arg22 : memref<!tpu.dma_semaphore, #tpu.memory_space<semaphore_mem>>) src(%dma_wait3A_1449 : memref<80x16xf32, #tpu.memory_space<vmem>>) dst(%dma_wait3A_1455 : memref<10000x16xf32, #tpu.memory_space<vmem_shared>>)
      %dma_wait3A_1456 = arith.constant 0 : i32
      %dma_wait3A_1457 = arith.constant 0 : i32
      %dma_wait3A_1458 = arith.constant 0 : i32
      %dma_wait3A_1459 = tpu.memref_slice %arg19[%dma_wait3A_1457, %dma_wait3A_1458] : memref<400x64xf32, #tpu.memory_space<vmem>> -> memref<80x64xf32, #tpu.memory_space<vmem>>
      %dma_wait3A_1460 = arith.constant 0 : i32
      %dma_wait3A_1461 = tpu.memref_slice %arg12[%dma_wait3A_1456, %dma_wait3A_1460] : memref<5x80xi32, #tpu.memory_space<vmem>> -> memref<1x80xi32, #tpu.memory_space<vmem>>
      %dma_wait3A_1462 = tpu.memref_squeeze %dma_wait3A_1461 : memref<1x80xi32, #tpu.memory_space<vmem>> -> memref<80xi32, #tpu.memory_space<vmem>>
      %dma_wait3A_1463 = arith.constant 0 : i32
      %dma_wait3A_1464 = arith.constant 0 : i32
      %dma_wait3A_1465 = tpu.memref_slice %arg23[%dma_wait3A_1463, %dma_wait3A_1464] : memref<10000x64xf32, #tpu.memory_space<vmem_shared>> -> memref<10000x64xf32, #tpu.memory_space<vmem_shared>>
      tpu.wait_indirect_dma semaphore(%arg22 : memref<!tpu.dma_semaphore, #tpu.memory_space<semaphore_mem>>) src(%dma_wait3A_1459 : memref<80x64xf32, #tpu.memory_space<vmem>>) dst(%dma_wait3A_1465 : memref<10000x64xf32, #tpu.memory_space<vmem_shared>>)
      %dma_wait3A_1466 = arith.constant 1 : i32
      %dma_wait3A_1467 = arith.constant 80 : i32
      %dma_wait3A_1468 = arith.constant 0 : i32
      %dma_wait3A_1469 = tpu.memref_slice %arg19[%dma_wait3A_1467, %dma_wait3A_1468] : memref<400x64xf32, #tpu.memory_space<vmem>> -> memref<80x64xf32, #tpu.memory_space<vmem>>
      %dma_wait3A_1470 = arith.constant 0 : i32
      %dma_wait3A_1471 = tpu.memref_slice %arg12[%dma_wait3A_1466, %dma_wait3A_1470] : memref<5x80xi32, #tpu.memory_space<vmem>> -> memref<1x80xi32, #tpu.memory_space<vmem>>
      %dma_wait3A_1472 = tpu.memref_squeeze %dma_wait3A_1471 : memref<1x80xi32, #tpu.memory_space<vmem>> -> memref<80xi32, #tpu.memory_space<vmem>>
      %dma_wait3A_1473 = arith.constant 0 : i32
      %dma_wait3A_1474 = arith.constant 0 : i32
      %dma_wait3A_1475 = tpu.memref_slice %arg23[%dma_wait3A_1473, %dma_wait3A_1474] : memref<10000x64xf32, #tpu.memory_space<vmem_shared>> -> memref<10000x64xf32, #tpu.memory_space<vmem_shared>>
      tpu.wait_indirect_dma semaphore(%arg22 : memref<!tpu.dma_semaphore, #tpu.memory_space<semaphore_mem>>) src(%dma_wait3A_1469 : memref<80x64xf32, #tpu.memory_space<vmem>>) dst(%dma_wait3A_1475 : memref<10000x64xf32, #tpu.memory_space<vmem_shared>>)
      %dma_wait3A_1476 = arith.constant 2 : i32
      %dma_wait3A_1477 = arith.constant 160 : i32
      %dma_wait3A_1478 = arith.constant 0 : i32
      %dma_wait3A_1479 = tpu.memref_slice %arg19[%dma_wait3A_1477, %dma_wait3A_1478] : memref<400x64xf32, #tpu.memory_space<vmem>> -> memref<80x64xf32, #tpu.memory_space<vmem>>
      %dma_wait3A_1480 = arith.constant 0 : i32
      %dma_wait3A_1481 = tpu.memref_slice %arg12[%dma_wait3A_1476, %dma_wait3A_1480] : memref<5x80xi32, #tpu.memory_space<vmem>> -> memref<1x80xi32, #tpu.memory_space<vmem>>
      %dma_wait3A_1482 = tpu.memref_squeeze %dma_wait3A_1481 : memref<1x80xi32, #tpu.memory_space<vmem>> -> memref<80xi32, #tpu.memory_space<vmem>>
      %dma_wait3A_1483 = arith.constant 0 : i32
      %dma_wait3A_1484 = arith.constant 0 : i32
      %dma_wait3A_1485 = tpu.memref_slice %arg23[%dma_wait3A_1483, %dma_wait3A_1484] : memref<10000x64xf32, #tpu.memory_space<vmem_shared>> -> memref<10000x64xf32, #tpu.memory_space<vmem_shared>>
      tpu.wait_indirect_dma semaphore(%arg22 : memref<!tpu.dma_semaphore, #tpu.memory_space<semaphore_mem>>) src(%dma_wait3A_1479 : memref<80x64xf32, #tpu.memory_space<vmem>>) dst(%dma_wait3A_1485 : memref<10000x64xf32, #tpu.memory_space<vmem_shared>>)
      %dma_wait3A_1486 = arith.constant 3 : i32
      %dma_wait3A_1487 = arith.constant 240 : i32
      %dma_wait3A_1488 = arith.constant 0 : i32
      %dma_wait3A_1489 = tpu.memref_slice %arg19[%dma_wait3A_1487, %dma_wait3A_1488] : memref<400x64xf32, #tpu.memory_space<vmem>> -> memref<80x64xf32, #tpu.memory_space<vmem>>
      %dma_wait3A_1490 = arith.constant 0 : i32
      %dma_wait3A_1491 = tpu.memref_slice %arg12[%dma_wait3A_1486, %dma_wait3A_1490] : memref<5x80xi32, #tpu.memory_space<vmem>> -> memref<1x80xi32, #tpu.memory_space<vmem>>
      %dma_wait3A_1492 = tpu.memref_squeeze %dma_wait3A_1491 : memref<1x80xi32, #tpu.memory_space<vmem>> -> memref<80xi32, #tpu.memory_space<vmem>>
      %dma_wait3A_1493 = arith.constant 0 : i32
      %dma_wait3A_1494 = arith.constant 0 : i32
      %dma_wait3A_1495 = tpu.memref_slice %arg23[%dma_wait3A_1493, %dma_wait3A_1494] : memref<10000x64xf32, #tpu.memory_space<vmem_shared>> -> memref<10000x64xf32, #tpu.memory_space<vmem_shared>>
      tpu.wait_indirect_dma semaphore(%arg22 : memref<!tpu.dma_semaphore, #tpu.memory_space<semaphore_mem>>) src(%dma_wait3A_1489 : memref<80x64xf32, #tpu.memory_space<vmem>>) dst(%dma_wait3A_1495 : memref<10000x64xf32, #tpu.memory_space<vmem_shared>>)
      %dma_wait3A_1496 = arith.constant 4 : i32
      %dma_wait3A_1497 = arith.constant 320 : i32
      %dma_wait3A_1498 = arith.constant 0 : i32
      %dma_wait3A_1499 = tpu.memref_slice %arg19[%dma_wait3A_1497, %dma_wait3A_1498] : memref<400x64xf32, #tpu.memory_space<vmem>> -> memref<80x64xf32, #tpu.memory_space<vmem>>
      %dma_wait3A_1500 = arith.constant 0 : i32
      %dma_wait3A_1501 = tpu.memref_slice %arg12[%dma_wait3A_1496, %dma_wait3A_1500] : memref<5x80xi32, #tpu.memory_space<vmem>> -> memref<1x80xi32, #tpu.memory_space<vmem>>
      %dma_wait3A_1502 = tpu.memref_squeeze %dma_wait3A_1501 : memref<1x80xi32, #tpu.memory_space<vmem>> -> memref<80xi32, #tpu.memory_space<vmem>>
      %dma_wait3A_1503 = arith.constant 0 : i32
      %dma_wait3A_1504 = arith.constant 0 : i32
      %dma_wait3A_1505 = tpu.memref_slice %arg23[%dma_wait3A_1503, %dma_wait3A_1504] : memref<10000x64xf32, #tpu.memory_space<vmem_shared>> -> memref<10000x64xf32, #tpu.memory_space<vmem_shared>>
      tpu.wait_indirect_dma semaphore(%arg22 : memref<!tpu.dma_semaphore, #tpu.memory_space<semaphore_mem>>) src(%dma_wait3A_1499 : memref<80x64xf32, #tpu.memory_space<vmem>>) dst(%dma_wait3A_1505 : memref<10000x64xf32, #tpu.memory_space<vmem_shared>>)
      %scan3A_1506 = arith.constant 0 : i32
      scf.yield %scan3A_1506 : i32
    }
    %scan3A_27 = arith.constant 50 : i32
    %barrier3A_28 = arith.constant 0 : index
    tpu.barrier barrier_id(%barrier3A_28)
    %add3A_29 = arith.constant 0 : i32
    %add3A_30 = arith.addi %mul3A_0, %add3A_29 : i32
    "tpu.region"() ({
      %run_scoped3A = tpu.sem_alloc : memref<!tpu.dma_semaphore, #tpu.memory_space<semaphore_mem>>
      %dma_start3A = arith.constant 0 : i32
      %dma_start3A_52 = tpu.memref_slice %arg23[%add3A_30, %dma_start3A] : memref<10000x64xf32, #tpu.memory_space<vmem_shared>> -> memref<208x64xf32, #tpu.memory_space<vmem_shared>>
      %dma_start3A_53 = arith.constant 0 : i32
      %dma_start3A_54 = tpu.memref_slice %arg23[%add3A_30, %dma_start3A_53] : memref<10000x64xf32, #tpu.memory_space<vmem_shared>> -> memref<208x64xf32, #tpu.memory_space<vmem_shared>>
      tpu.enqueue_dma source(%dma_start3A_54 : memref<208x64xf32, #tpu.memory_space<vmem_shared>>) target(%arg20 : memref<208x64xf32, #tpu.memory_space<vmem>>) target_semaphore(%run_scoped3A : memref<!tpu.dma_semaphore, #tpu.memory_space<semaphore_mem>>)
      %dma_wait3A = arith.constant 0 : i32
      %dma_wait3A_55 = tpu.memref_slice %arg23[%add3A_30, %dma_wait3A] : memref<10000x64xf32, #tpu.memory_space<vmem_shared>> -> memref<208x64xf32, #tpu.memory_space<vmem_shared>>
      %dma_wait3A_56 = arith.constant 0 : i32
      %dma_wait3A_57 = tpu.memref_slice %arg23[%add3A_30, %dma_wait3A_56] : memref<10000x64xf32, #tpu.memory_space<vmem_shared>> -> memref<208x64xf32, #tpu.memory_space<vmem_shared>>
      tpu.wait_dma2 semaphore(%run_scoped3A : memref<!tpu.dma_semaphore, #tpu.memory_space<semaphore_mem>>) src(%dma_wait3A_57 : memref<208x64xf32, #tpu.memory_space<vmem_shared>>) dst(%arg20 : memref<208x64xf32, #tpu.memory_space<vmem>>)
      tpu.yield
    }) : () -> ()
    %mul3A_31 = arith.constant 10000 : i32
    %mul3A_32 = arith.muli %arg0, %mul3A_31 : i32
    %add3A_33 = arith.addi %mul3A_32, %add3A_30 : i32
    "tpu.region"() ({
      %run_scoped3A = tpu.sem_alloc : memref<!tpu.dma_semaphore, #tpu.memory_space<semaphore_mem>>
      %dma_start3A = arith.constant 0 : i32
      %dma_start3A_52 = tpu.memref_slice %arg9[%add3A_33, %dma_start3A] : memref<20000x64xf32, #tpu.memory_space<hbm>> -> memref<208x64xf32, #tpu.memory_space<hbm>>
      %dma_start3A_53 = arith.constant 0 : i32
      %dma_start3A_54 = tpu.memref_slice %arg9[%add3A_33, %dma_start3A_53] : memref<20000x64xf32, #tpu.memory_space<hbm>> -> memref<208x64xf32, #tpu.memory_space<hbm>>
      tpu.enqueue_dma source(%arg20 : memref<208x64xf32, #tpu.memory_space<vmem>>) target(%dma_start3A_54 : memref<208x64xf32, #tpu.memory_space<hbm>>) target_semaphore(%run_scoped3A : memref<!tpu.dma_semaphore, #tpu.memory_space<semaphore_mem>>)
      %dma_wait3A = arith.constant 0 : i32
      %dma_wait3A_55 = tpu.memref_slice %arg9[%add3A_33, %dma_wait3A] : memref<20000x64xf32, #tpu.memory_space<hbm>> -> memref<208x64xf32, #tpu.memory_space<hbm>>
      %dma_wait3A_56 = arith.constant 0 : i32
      %dma_wait3A_57 = tpu.memref_slice %arg9[%add3A_33, %dma_wait3A_56] : memref<20000x64xf32, #tpu.memory_space<hbm>> -> memref<208x64xf32, #tpu.memory_space<hbm>>
      tpu.wait_dma2 semaphore(%run_scoped3A : memref<!tpu.dma_semaphore, #tpu.memory_space<semaphore_mem>>) src(%arg20 : memref<208x64xf32, #tpu.memory_space<vmem>>) dst(%dma_wait3A_57 : memref<208x64xf32, #tpu.memory_space<hbm>>)
      tpu.yield
    }) : () -> ()
    %add3A_34 = arith.constant 208 : i32
    %add3A_35 = arith.addi %mul3A_0, %add3A_34 : i32
    "tpu.region"() ({
      %run_scoped3A = tpu.sem_alloc : memref<!tpu.dma_semaphore, #tpu.memory_space<semaphore_mem>>
      %dma_start3A = arith.constant 0 : i32
      %dma_start3A_52 = tpu.memref_slice %arg23[%add3A_35, %dma_start3A] : memref<10000x64xf32, #tpu.memory_space<vmem_shared>> -> memref<208x64xf32, #tpu.memory_space<vmem_shared>>
      %dma_start3A_53 = arith.constant 0 : i32
      %dma_start3A_54 = tpu.memref_slice %arg23[%add3A_35, %dma_start3A_53] : memref<10000x64xf32, #tpu.memory_space<vmem_shared>> -> memref<208x64xf32, #tpu.memory_space<vmem_shared>>
      tpu.enqueue_dma source(%dma_start3A_54 : memref<208x64xf32, #tpu.memory_space<vmem_shared>>) target(%arg20 : memref<208x64xf32, #tpu.memory_space<vmem>>) target_semaphore(%run_scoped3A : memref<!tpu.dma_semaphore, #tpu.memory_space<semaphore_mem>>)
      %dma_wait3A = arith.constant 0 : i32
      %dma_wait3A_55 = tpu.memref_slice %arg23[%add3A_35, %dma_wait3A] : memref<10000x64xf32, #tpu.memory_space<vmem_shared>> -> memref<208x64xf32, #tpu.memory_space<vmem_shared>>
      %dma_wait3A_56 = arith.constant 0 : i32
      %dma_wait3A_57 = tpu.memref_slice %arg23[%add3A_35, %dma_wait3A_56] : memref<10000x64xf32, #tpu.memory_space<vmem_shared>> -> memref<208x64xf32, #tpu.memory_space<vmem_shared>>
      tpu.wait_dma2 semaphore(%run_scoped3A : memref<!tpu.dma_semaphore, #tpu.memory_space<semaphore_mem>>) src(%dma_wait3A_57 : memref<208x64xf32, #tpu.memory_space<vmem_shared>>) dst(%arg20 : memref<208x64xf32, #tpu.memory_space<vmem>>)
      tpu.yield
    }) : () -> ()
    %mul3A_36 = arith.constant 10000 : i32
    %mul3A_37 = arith.muli %arg0, %mul3A_36 : i32
    %add3A_38 = arith.addi %mul3A_37, %add3A_35 : i32
    "tpu.region"() ({
      %run_scoped3A = tpu.sem_alloc : memref<!tpu.dma_semaphore, #tpu.memory_space<semaphore_mem>>
      %dma_start3A = arith.constant 0 : i32
      %dma_start3A_52 = tpu.memref_slice %arg9[%add3A_38, %dma_start3A] : memref<20000x64xf32, #tpu.memory_space<hbm>> -> memref<208x64xf32, #tpu.memory_space<hbm>>
      %dma_start3A_53 = arith.constant 0 : i32
      %dma_start3A_54 = tpu.memref_slice %arg9[%add3A_38, %dma_start3A_53] : memref<20000x64xf32, #tpu.memory_space<hbm>> -> memref<208x64xf32, #tpu.memory_space<hbm>>
      tpu.enqueue_dma source(%arg20 : memref<208x64xf32, #tpu.memory_space<vmem>>) target(%dma_start3A_54 : memref<208x64xf32, #tpu.memory_space<hbm>>) target_semaphore(%run_scoped3A : memref<!tpu.dma_semaphore, #tpu.memory_space<semaphore_mem>>)
      %dma_wait3A = arith.constant 0 : i32
      %dma_wait3A_55 = tpu.memref_slice %arg9[%add3A_38, %dma_wait3A] : memref<20000x64xf32, #tpu.memory_space<hbm>> -> memref<208x64xf32, #tpu.memory_space<hbm>>
      %dma_wait3A_56 = arith.constant 0 : i32
      %dma_wait3A_57 = tpu.memref_slice %arg9[%add3A_38, %dma_wait3A_56] : memref<20000x64xf32, #tpu.memory_space<hbm>> -> memref<208x64xf32, #tpu.memory_space<hbm>>
      tpu.wait_dma2 semaphore(%run_scoped3A : memref<!tpu.dma_semaphore, #tpu.memory_space<semaphore_mem>>) src(%arg20 : memref<208x64xf32, #tpu.memory_space<vmem>>) dst(%dma_wait3A_57 : memref<208x64xf32, #tpu.memory_space<hbm>>)
      tpu.yield
    }) : () -> ()
    %add3A_39 = arith.constant 416 : i32
    %add3A_40 = arith.addi %mul3A_0, %add3A_39 : i32
    "tpu.region"() ({
      %run_scoped3A = tpu.sem_alloc : memref<!tpu.dma_semaphore, #tpu.memory_space<semaphore_mem>>
      %dma_start3A = arith.constant 0 : i32
      %dma_start3A_52 = tpu.memref_slice %arg23[%add3A_40, %dma_start3A] : memref<10000x64xf32, #tpu.memory_space<vmem_shared>> -> memref<208x64xf32, #tpu.memory_space<vmem_shared>>
      %dma_start3A_53 = arith.constant 0 : i32
      %dma_start3A_54 = tpu.memref_slice %arg23[%add3A_40, %dma_start3A_53] : memref<10000x64xf32, #tpu.memory_space<vmem_shared>> -> memref<208x64xf32, #tpu.memory_space<vmem_shared>>
      tpu.enqueue_dma source(%dma_start3A_54 : memref<208x64xf32, #tpu.memory_space<vmem_shared>>) target(%arg20 : memref<208x64xf32, #tpu.memory_space<vmem>>) target_semaphore(%run_scoped3A : memref<!tpu.dma_semaphore, #tpu.memory_space<semaphore_mem>>)
      %dma_wait3A = arith.constant 0 : i32
      %dma_wait3A_55 = tpu.memref_slice %arg23[%add3A_40, %dma_wait3A] : memref<10000x64xf32, #tpu.memory_space<vmem_shared>> -> memref<208x64xf32, #tpu.memory_space<vmem_shared>>
      %dma_wait3A_56 = arith.constant 0 : i32
      %dma_wait3A_57 = tpu.memref_slice %arg23[%add3A_40, %dma_wait3A_56] : memref<10000x64xf32, #tpu.memory_space<vmem_shared>> -> memref<208x64xf32, #tpu.memory_space<vmem_shared>>
      tpu.wait_dma2 semaphore(%run_scoped3A : memref<!tpu.dma_semaphore, #tpu.memory_space<semaphore_mem>>) src(%dma_wait3A_57 : memref<208x64xf32, #tpu.memory_space<vmem_shared>>) dst(%arg20 : memref<208x64xf32, #tpu.memory_space<vmem>>)
      tpu.yield
    }) : () -> ()
    %mul3A_41 = arith.constant 10000 : i32
    %mul3A_42 = arith.muli %arg0, %mul3A_41 : i32
    %add3A_43 = arith.addi %mul3A_42, %add3A_40 : i32
    "tpu.region"() ({
      %run_scoped3A = tpu.sem_alloc : memref<!tpu.dma_semaphore, #tpu.memory_space<semaphore_mem>>
      %dma_start3A = arith.constant 0 : i32
      %dma_start3A_52 = tpu.memref_slice %arg9[%add3A_43, %dma_start3A] : memref<20000x64xf32, #tpu.memory_space<hbm>> -> memref<208x64xf32, #tpu.memory_space<hbm>>
      %dma_start3A_53 = arith.constant 0 : i32
      %dma_start3A_54 = tpu.memref_slice %arg9[%add3A_43, %dma_start3A_53] : memref<20000x64xf32, #tpu.memory_space<hbm>> -> memref<208x64xf32, #tpu.memory_space<hbm>>
      tpu.enqueue_dma source(%arg20 : memref<208x64xf32, #tpu.memory_space<vmem>>) target(%dma_start3A_54 : memref<208x64xf32, #tpu.memory_space<hbm>>) target_semaphore(%run_scoped3A : memref<!tpu.dma_semaphore, #tpu.memory_space<semaphore_mem>>)
      %dma_wait3A = arith.constant 0 : i32
      %dma_wait3A_55 = tpu.memref_slice %arg9[%add3A_43, %dma_wait3A] : memref<20000x64xf32, #tpu.memory_space<hbm>> -> memref<208x64xf32, #tpu.memory_space<hbm>>
      %dma_wait3A_56 = arith.constant 0 : i32
      %dma_wait3A_57 = tpu.memref_slice %arg9[%add3A_43, %dma_wait3A_56] : memref<20000x64xf32, #tpu.memory_space<hbm>> -> memref<208x64xf32, #tpu.memory_space<hbm>>
      tpu.wait_dma2 semaphore(%run_scoped3A : memref<!tpu.dma_semaphore, #tpu.memory_space<semaphore_mem>>) src(%arg20 : memref<208x64xf32, #tpu.memory_space<vmem>>) dst(%dma_wait3A_57 : memref<208x64xf32, #tpu.memory_space<hbm>>)
      tpu.yield
    }) : () -> ()
    "tpu.region"() ({
      %run_scoped3A = tpu.sem_alloc : memref<!tpu.dma_semaphore, #tpu.memory_space<semaphore_mem>>
      %dma_start3A = arith.constant 0 : i32
      %dma_start3A_52 = tpu.memref_slice %arg24[%mul3A_0, %dma_start3A] : memref<10000x16xf32, #tpu.memory_space<vmem_shared>> -> memref<624x16xf32, #tpu.memory_space<vmem_shared>>
      %dma_start3A_53 = arith.constant 0 : i32
      %dma_start3A_54 = tpu.memref_slice %arg24[%mul3A_0, %dma_start3A_53] : memref<10000x16xf32, #tpu.memory_space<vmem_shared>> -> memref<624x16xf32, #tpu.memory_space<vmem_shared>>
      tpu.enqueue_dma source(%dma_start3A_54 : memref<624x16xf32, #tpu.memory_space<vmem_shared>>) target(%arg21 : memref<624x16xf32, #tpu.memory_space<vmem>>) target_semaphore(%run_scoped3A : memref<!tpu.dma_semaphore, #tpu.memory_space<semaphore_mem>>)
      %dma_wait3A = arith.constant 0 : i32
      %dma_wait3A_55 = tpu.memref_slice %arg24[%mul3A_0, %dma_wait3A] : memref<10000x16xf32, #tpu.memory_space<vmem_shared>> -> memref<624x16xf32, #tpu.memory_space<vmem_shared>>
      %dma_wait3A_56 = arith.constant 0 : i32
      %dma_wait3A_57 = tpu.memref_slice %arg24[%mul3A_0, %dma_wait3A_56] : memref<10000x16xf32, #tpu.memory_space<vmem_shared>> -> memref<624x16xf32, #tpu.memory_space<vmem_shared>>
      tpu.wait_dma2 semaphore(%run_scoped3A : memref<!tpu.dma_semaphore, #tpu.memory_space<semaphore_mem>>) src(%dma_wait3A_57 : memref<624x16xf32, #tpu.memory_space<vmem_shared>>) dst(%arg21 : memref<624x16xf32, #tpu.memory_space<vmem>>)
      tpu.yield
    }) : () -> ()
    %mul3A_44 = arith.constant 10000 : i32
    %mul3A_45 = arith.muli %arg0, %mul3A_44 : i32
    %add3A_46 = arith.addi %mul3A_45, %mul3A_0 : i32
    "tpu.region"() ({
      %run_scoped3A = tpu.sem_alloc : memref<!tpu.dma_semaphore, #tpu.memory_space<semaphore_mem>>
      %dma_start3A = arith.constant 0 : i32
      %dma_start3A_52 = tpu.memref_slice %arg10[%add3A_46, %dma_start3A] : memref<20000x16xf32, #tpu.memory_space<hbm>> -> memref<624x16xf32, #tpu.memory_space<hbm>>
      %dma_start3A_53 = arith.constant 0 : i32
      %dma_start3A_54 = tpu.memref_slice %arg10[%add3A_46, %dma_start3A_53] : memref<20000x16xf32, #tpu.memory_space<hbm>> -> memref<624x16xf32, #tpu.memory_space<hbm>>
      tpu.enqueue_dma source(%arg21 : memref<624x16xf32, #tpu.memory_space<vmem>>) target(%dma_start3A_54 : memref<624x16xf32, #tpu.memory_space<hbm>>) target_semaphore(%run_scoped3A : memref<!tpu.dma_semaphore, #tpu.memory_space<semaphore_mem>>)
      %dma_wait3A = arith.constant 0 : i32
      %dma_wait3A_55 = tpu.memref_slice %arg10[%add3A_46, %dma_wait3A] : memref<20000x16xf32, #tpu.memory_space<hbm>> -> memref<624x16xf32, #tpu.memory_space<hbm>>
      %dma_wait3A_56 = arith.constant 0 : i32
      %dma_wait3A_57 = tpu.memref_slice %arg10[%add3A_46, %dma_wait3A_56] : memref<20000x16xf32, #tpu.memory_space<hbm>> -> memref<624x16xf32, #tpu.memory_space<hbm>>
      tpu.wait_dma2 semaphore(%run_scoped3A : memref<!tpu.dma_semaphore, #tpu.memory_space<semaphore_mem>>) src(%arg21 : memref<624x16xf32, #tpu.memory_space<vmem>>) dst(%dma_wait3A_57 : memref<624x16xf32, #tpu.memory_space<hbm>>)
      tpu.yield
    }) : () -> ()
    %eq3A_47 = arith.constant 15 : i32
    %eq3A_48 = arith.cmpi eq, %arg1, %eq3A_47 : i32
    %convert_element_type3A_49 = arith.extui %eq3A_48 : i1 to i32
    %cond3A_50 = arith.constant 0 : i32
    %cond3A_51 = arith.cmpi ne, %convert_element_type3A_49, %cond3A_50 : i32
    scf.if %cond3A_51 {
      "tpu.region"() ({
        %run_scoped3A = tpu.sem_alloc : memref<!tpu.dma_semaphore, #tpu.memory_space<semaphore_mem>>
        %dma_start3A = arith.constant 0 : i32
        %dma_start3A_60 = arith.constant 0 : i32
        %dma_start3A_61 = tpu.memref_slice %arg20[%dma_start3A, %dma_start3A_60] : memref<208x64xf32, #tpu.memory_space<vmem>> -> memref<16x64xf32, #tpu.memory_space<vmem>>
        %dma_start3A_62 = arith.constant 9984 : i32
        %dma_start3A_63 = arith.constant 0 : i32
        %dma_start3A_64 = tpu.memref_slice %arg23[%dma_start3A_62, %dma_start3A_63] : memref<10000x64xf32, #tpu.memory_space<vmem_shared>> -> memref<16x64xf32, #tpu.memory_space<vmem_shared>>
        %dma_start3A_65 = arith.constant 0 : i32
        %dma_start3A_66 = arith.constant 0 : i32
        %dma_start3A_67 = tpu.memref_slice %arg20[%dma_start3A_65, %dma_start3A_66] : memref<208x64xf32, #tpu.memory_space<vmem>> -> memref<16x64xf32, #tpu.memory_space<vmem>>
        %dma_start3A_68 = arith.constant 9984 : i32
        %dma_start3A_69 = arith.constant 0 : i32
        %dma_start3A_70 = tpu.memref_slice %arg23[%dma_start3A_68, %dma_start3A_69] : memref<10000x64xf32, #tpu.memory_space<vmem_shared>> -> memref<16x64xf32, #tpu.memory_space<vmem_shared>>
        tpu.enqueue_dma source(%dma_start3A_70 : memref<16x64xf32, #tpu.memory_space<vmem_shared>>) target(%dma_start3A_67 : memref<16x64xf32, #tpu.memory_space<vmem>>) target_semaphore(%run_scoped3A : memref<!tpu.dma_semaphore, #tpu.memory_space<semaphore_mem>>)
        %dma_wait3A = arith.constant 0 : i32
        %dma_wait3A_71 = arith.constant 0 : i32
        %dma_wait3A_72 = tpu.memref_slice %arg20[%dma_wait3A, %dma_wait3A_71] : memref<208x64xf32, #tpu.memory_space<vmem>> -> memref<16x64xf32, #tpu.memory_space<vmem>>
        %dma_wait3A_73 = arith.constant 9984 : i32
        %dma_wait3A_74 = arith.constant 0 : i32
        %dma_wait3A_75 = tpu.memref_slice %arg23[%dma_wait3A_73, %dma_wait3A_74] : memref<10000x64xf32, #tpu.memory_space<vmem_shared>> -> memref<16x64xf32, #tpu.memory_space<vmem_shared>>
        %dma_wait3A_76 = arith.constant 0 : i32
        %dma_wait3A_77 = arith.constant 0 : i32
        %dma_wait3A_78 = tpu.memref_slice %arg20[%dma_wait3A_76, %dma_wait3A_77] : memref<208x64xf32, #tpu.memory_space<vmem>> -> memref<16x64xf32, #tpu.memory_space<vmem>>
        %dma_wait3A_79 = arith.constant 9984 : i32
        %dma_wait3A_80 = arith.constant 0 : i32
        %dma_wait3A_81 = tpu.memref_slice %arg23[%dma_wait3A_79, %dma_wait3A_80] : memref<10000x64xf32, #tpu.memory_space<vmem_shared>> -> memref<16x64xf32, #tpu.memory_space<vmem_shared>>
        tpu.wait_dma2 semaphore(%run_scoped3A : memref<!tpu.dma_semaphore, #tpu.memory_space<semaphore_mem>>) src(%dma_wait3A_81 : memref<16x64xf32, #tpu.memory_space<vmem_shared>>) dst(%dma_wait3A_78 : memref<16x64xf32, #tpu.memory_space<vmem>>)
        tpu.yield
      }) : () -> ()
      %mul3A_52 = arith.constant 10000 : i32
      %mul3A_53 = arith.muli %arg0, %mul3A_52 : i32
      %add3A_54 = arith.constant 9984 : i32
      %add3A_55 = arith.addi %mul3A_53, %add3A_54 : i32
      "tpu.region"() ({
        %run_scoped3A = tpu.sem_alloc : memref<!tpu.dma_semaphore, #tpu.memory_space<semaphore_mem>>
        %dma_start3A = arith.constant 0 : i32
        %dma_start3A_60 = arith.constant 0 : i32
        %dma_start3A_61 = tpu.memref_slice %arg20[%dma_start3A, %dma_start3A_60] : memref<208x64xf32, #tpu.memory_space<vmem>> -> memref<16x64xf32, #tpu.memory_space<vmem>>
        %dma_start3A_62 = arith.constant 0 : i32
        %dma_start3A_63 = tpu.memref_slice %arg9[%add3A_55, %dma_start3A_62] : memref<20000x64xf32, #tpu.memory_space<hbm>> -> memref<16x64xf32, #tpu.memory_space<hbm>>
        %dma_start3A_64 = arith.constant 0 : i32
        %dma_start3A_65 = tpu.memref_slice %arg9[%add3A_55, %dma_start3A_64] : memref<20000x64xf32, #tpu.memory_space<hbm>> -> memref<16x64xf32, #tpu.memory_space<hbm>>
        %dma_start3A_66 = arith.constant 0 : i32
        %dma_start3A_67 = arith.constant 0 : i32
        %dma_start3A_68 = tpu.memref_slice %arg20[%dma_start3A_66, %dma_start3A_67] : memref<208x64xf32, #tpu.memory_space<vmem>> -> memref<16x64xf32, #tpu.memory_space<vmem>>
        tpu.enqueue_dma source(%dma_start3A_68 : memref<16x64xf32, #tpu.memory_space<vmem>>) target(%dma_start3A_65 : memref<16x64xf32, #tpu.memory_space<hbm>>) target_semaphore(%run_scoped3A : memref<!tpu.dma_semaphore, #tpu.memory_space<semaphore_mem>>)
        %dma_wait3A = arith.constant 0 : i32
        %dma_wait3A_69 = arith.constant 0 : i32
        %dma_wait3A_70 = tpu.memref_slice %arg20[%dma_wait3A, %dma_wait3A_69] : memref<208x64xf32, #tpu.memory_space<vmem>> -> memref<16x64xf32, #tpu.memory_space<vmem>>
        %dma_wait3A_71 = arith.constant 0 : i32
        %dma_wait3A_72 = tpu.memref_slice %arg9[%add3A_55, %dma_wait3A_71] : memref<20000x64xf32, #tpu.memory_space<hbm>> -> memref<16x64xf32, #tpu.memory_space<hbm>>
        %dma_wait3A_73 = arith.constant 0 : i32
        %dma_wait3A_74 = tpu.memref_slice %arg9[%add3A_55, %dma_wait3A_73] : memref<20000x64xf32, #tpu.memory_space<hbm>> -> memref<16x64xf32, #tpu.memory_space<hbm>>
        %dma_wait3A_75 = arith.constant 0 : i32
        %dma_wait3A_76 = arith.constant 0 : i32
        %dma_wait3A_77 = tpu.memref_slice %arg20[%dma_wait3A_75, %dma_wait3A_76] : memref<208x64xf32, #tpu.memory_space<vmem>> -> memref<16x64xf32, #tpu.memory_space<vmem>>
        tpu.wait_dma2 semaphore(%run_scoped3A : memref<!tpu.dma_semaphore, #tpu.memory_space<semaphore_mem>>) src(%dma_wait3A_77 : memref<16x64xf32, #tpu.memory_space<vmem>>) dst(%dma_wait3A_74 : memref<16x64xf32, #tpu.memory_space<hbm>>)
        tpu.yield
      }) : () -> ()
      "tpu.region"() ({
        %run_scoped3A = tpu.sem_alloc : memref<!tpu.dma_semaphore, #tpu.memory_space<semaphore_mem>>
        %dma_start3A = arith.constant 0 : i32
        %dma_start3A_60 = arith.constant 0 : i32
        %dma_start3A_61 = tpu.memref_slice %arg21[%dma_start3A, %dma_start3A_60] : memref<624x16xf32, #tpu.memory_space<vmem>> -> memref<16x16xf32, #tpu.memory_space<vmem>>
        %dma_start3A_62 = arith.constant 9984 : i32
        %dma_start3A_63 = arith.constant 0 : i32
        %dma_start3A_64 = tpu.memref_slice %arg24[%dma_start3A_62, %dma_start3A_63] : memref<10000x16xf32, #tpu.memory_space<vmem_shared>> -> memref<16x16xf32, #tpu.memory_space<vmem_shared>>
        %dma_start3A_65 = arith.constant 0 : i32
        %dma_start3A_66 = arith.constant 0 : i32
        %dma_start3A_67 = tpu.memref_slice %arg21[%dma_start3A_65, %dma_start3A_66] : memref<624x16xf32, #tpu.memory_space<vmem>> -> memref<16x16xf32, #tpu.memory_space<vmem>>
        %dma_start3A_68 = arith.constant 9984 : i32
        %dma_start3A_69 = arith.constant 0 : i32
        %dma_start3A_70 = tpu.memref_slice %arg24[%dma_start3A_68, %dma_start3A_69] : memref<10000x16xf32, #tpu.memory_space<vmem_shared>> -> memref<16x16xf32, #tpu.memory_space<vmem_shared>>
        tpu.enqueue_dma source(%dma_start3A_70 : memref<16x16xf32, #tpu.memory_space<vmem_shared>>) target(%dma_start3A_67 : memref<16x16xf32, #tpu.memory_space<vmem>>) target_semaphore(%run_scoped3A : memref<!tpu.dma_semaphore, #tpu.memory_space<semaphore_mem>>)
        %dma_wait3A = arith.constant 0 : i32
        %dma_wait3A_71 = arith.constant 0 : i32
        %dma_wait3A_72 = tpu.memref_slice %arg21[%dma_wait3A, %dma_wait3A_71] : memref<624x16xf32, #tpu.memory_space<vmem>> -> memref<16x16xf32, #tpu.memory_space<vmem>>
        %dma_wait3A_73 = arith.constant 9984 : i32
        %dma_wait3A_74 = arith.constant 0 : i32
        %dma_wait3A_75 = tpu.memref_slice %arg24[%dma_wait3A_73, %dma_wait3A_74] : memref<10000x16xf32, #tpu.memory_space<vmem_shared>> -> memref<16x16xf32, #tpu.memory_space<vmem_shared>>
        %dma_wait3A_76 = arith.constant 0 : i32
        %dma_wait3A_77 = arith.constant 0 : i32
        %dma_wait3A_78 = tpu.memref_slice %arg21[%dma_wait3A_76, %dma_wait3A_77] : memref<624x16xf32, #tpu.memory_space<vmem>> -> memref<16x16xf32, #tpu.memory_space<vmem>>
        %dma_wait3A_79 = arith.constant 9984 : i32
        %dma_wait3A_80 = arith.constant 0 : i32
        %dma_wait3A_81 = tpu.memref_slice %arg24[%dma_wait3A_79, %dma_wait3A_80] : memref<10000x16xf32, #tpu.memory_space<vmem_shared>> -> memref<16x16xf32, #tpu.memory_space<vmem_shared>>
        tpu.wait_dma2 semaphore(%run_scoped3A : memref<!tpu.dma_semaphore, #tpu.memory_space<semaphore_mem>>) src(%dma_wait3A_81 : memref<16x16xf32, #tpu.memory_space<vmem_shared>>) dst(%dma_wait3A_78 : memref<16x16xf32, #tpu.memory_space<vmem>>)
        tpu.yield
      }) : () -> ()
      %mul3A_56 = arith.constant 10000 : i32
      %mul3A_57 = arith.muli %arg0, %mul3A_56 : i32
      %add3A_58 = arith.constant 9984 : i32
      %add3A_59 = arith.addi %mul3A_57, %add3A_58 : i32
      "tpu.region"() ({
        %run_scoped3A = tpu.sem_alloc : memref<!tpu.dma_semaphore, #tpu.memory_space<semaphore_mem>>
        %dma_start3A = arith.constant 0 : i32
        %dma_start3A_60 = arith.constant 0 : i32
        %dma_start3A_61 = tpu.memref_slice %arg21[%dma_start3A, %dma_start3A_60] : memref<624x16xf32, #tpu.memory_space<vmem>> -> memref<16x16xf32, #tpu.memory_space<vmem>>
        %dma_start3A_62 = arith.constant 0 : i32
        %dma_start3A_63 = tpu.memref_slice %arg10[%add3A_59, %dma_start3A_62] : memref<20000x16xf32, #tpu.memory_space<hbm>> -> memref<16x16xf32, #tpu.memory_space<hbm>>
        %dma_start3A_64 = arith.constant 0 : i32
        %dma_start3A_65 = tpu.memref_slice %arg10[%add3A_59, %dma_start3A_64] : memref<20000x16xf32, #tpu.memory_space<hbm>> -> memref<16x16xf32, #tpu.memory_space<hbm>>
        %dma_start3A_66 = arith.constant 0 : i32
        %dma_start3A_67 = arith.constant 0 : i32
        %dma_start3A_68 = tpu.memref_slice %arg21[%dma_start3A_66, %dma_start3A_67] : memref<624x16xf32, #tpu.memory_space<vmem>> -> memref<16x16xf32, #tpu.memory_space<vmem>>
        tpu.enqueue_dma source(%dma_start3A_68 : memref<16x16xf32, #tpu.memory_space<vmem>>) target(%dma_start3A_65 : memref<16x16xf32, #tpu.memory_space<hbm>>) target_semaphore(%run_scoped3A : memref<!tpu.dma_semaphore, #tpu.memory_space<semaphore_mem>>)
        %dma_wait3A = arith.constant 0 : i32
        %dma_wait3A_69 = arith.constant 0 : i32
        %dma_wait3A_70 = tpu.memref_slice %arg21[%dma_wait3A, %dma_wait3A_69] : memref<624x16xf32, #tpu.memory_space<vmem>> -> memref<16x16xf32, #tpu.memory_space<vmem>>
        %dma_wait3A_71 = arith.constant 0 : i32
        %dma_wait3A_72 = tpu.memref_slice %arg10[%add3A_59, %dma_wait3A_71] : memref<20000x16xf32, #tpu.memory_space<hbm>> -> memref<16x16xf32, #tpu.memory_space<hbm>>
        %dma_wait3A_73 = arith.constant 0 : i32
        %dma_wait3A_74 = tpu.memref_slice %arg10[%add3A_59, %dma_wait3A_73] : memref<20000x16xf32, #tpu.memory_space<hbm>> -> memref<16x16xf32, #tpu.memory_space<hbm>>
        %dma_wait3A_75 = arith.constant 0 : i32
        %dma_wait3A_76 = arith.constant 0 : i32
        %dma_wait3A_77 = tpu.memref_slice %arg21[%dma_wait3A_75, %dma_wait3A_76] : memref<624x16xf32, #tpu.memory_space<vmem>> -> memref<16x16xf32, #tpu.memory_space<vmem>>
        tpu.wait_dma2 semaphore(%run_scoped3A : memref<!tpu.dma_semaphore, #tpu.memory_space<semaphore_mem>>) src(%dma_wait3A_77 : memref<16x16xf32, #tpu.memory_space<vmem>>) dst(%dma_wait3A_74 : memref<16x16xf32, #tpu.memory_space<hbm>>)
        tpu.yield
      }) : () -> ()
    } else {
    }
    return
  }
}

module attributes {stable_mosaic.version = 14 : i64} {
  func.func @_proj_body(%arg0: memref<10000x128xf32, #tpu.memory_space<vmem>>, %arg1: memref<128x256xf32, #tpu.memory_space<vmem>>, %arg2: memref<10000x256xf32, #tpu.memory_space<vmem>>) attributes {dimension_semantics = [], scalar_prefetch = 0 : i64, scratch_operands = 0 : i64, tpu.core_type = #tpu.core_type<tc>} {
    %get3A = arith.constant 0 : index
    %get3A_0 = arith.constant 0 : index
    %get3A_1 = vector.load %arg0[%get3A, %get3A_0] : memref<10000x128xf32, #tpu.memory_space<vmem>>, vector<10000x128xf32>
    %get3A_2 = arith.constant 0 : index
    %get3A_3 = arith.constant 0 : index
    %get3A_4 = vector.load %arg1[%get3A_2, %get3A_3] : memref<128x256xf32, #tpu.memory_space<vmem>>, vector<128x256xf32>
    %dot_general3A = arith.constant dense<0.000000e+00> : vector<10000x256xf32>
    %dot_general3A_5 = tpu.matmul %get3A_1, %get3A_4, %dot_general3A {dimension_numbers = #tpu.dot_dimension_numbers<[1], [0], [0], [1], [0, 0, 1, 1], [], []>, transpose_lhs_hint = false} : vector<10000x128xf32>, vector<128x256xf32>, vector<10000x256xf32> -> vector<10000x256xf32>
    %swap3A = arith.constant 0 : index
    %swap3A_6 = arith.constant 0 : index
    %swap3A_7 = vector.load %arg2[%swap3A, %swap3A_6] : memref<10000x256xf32, #tpu.memory_space<vmem>>, vector<10000x256xf32>
    tpu.vector_store %arg2[%swap3A, %swap3A_6], %dot_general3A_5 {strides = array<i32>} : memref<10000x256xf32, #tpu.memory_space<vmem>>, vector<10000x256xf32>,
    return
  }
}

module attributes {stable_mosaic.version = 14 : i64} {
  func.func @_final_body(%arg0: memref<20000x64xf32, #tpu.memory_space<vmem>>, %arg1: memref<20000x16xf32, #tpu.memory_space<vmem>>, %arg2: memref<10000x128xf32, #tpu.memory_space<vmem>>, %arg3: memref<128x128xf32, #tpu.memory_space<vmem>>, %arg4: memref<128x64xf32, #tpu.memory_space<vmem>>, %arg5: memref<8x128xf32, #tpu.memory_space<vmem>>, %arg6: memref<10000x64xf32, #tpu.memory_space<vmem>>) attributes {dimension_semantics = [], scalar_prefetch = 0 : i64, scratch_operands = 0 : i64, tpu.core_type = #tpu.core_type<tc>} {
    %get3A = arith.constant 0 : index
    %get3A_0 = arith.constant 0 : index
    %get3A_1 = vector.load %arg0[%get3A, %get3A_0] : memref<20000x64xf32, #tpu.memory_space<vmem>>, vector<10000x64xf32>
    %get3A_2 = arith.constant 10000 : index
    %get3A_3 = arith.constant 0 : index
    %get3A_4 = vector.load %arg0[%get3A_2, %get3A_3] : memref<20000x64xf32, #tpu.memory_space<vmem>>, vector<10000x64xf32>
    %concatenate3A = tpu.concatenate %get3A_1, %get3A_4 in 1 : vector<10000x64xf32>, vector<10000x64xf32> -> vector<10000x128xf32>
    %get3A_5 = arith.constant 0 : index
    %get3A_6 = arith.constant 0 : index
    %get3A_7 = vector.load %arg1[%get3A_5, %get3A_6] : memref<20000x16xf32, #tpu.memory_space<vmem>>, vector<10000x16xf32>
    %slice3A = vector.extract_strided_slice %get3A_7 {offsets = [0, 0], sizes = [10000, 8], strides = [1, 1]} : vector<10000x16xf32> to vector<10000x8xf32>
    %get3A_8 = arith.constant 0 : index
    %get3A_9 = arith.constant 0 : index
    %get3A_10 = vector.load %arg5[%get3A_8, %get3A_9] : memref<8x128xf32, #tpu.memory_space<vmem>>, vector<8x128xf32>
    %dot_general3A = arith.constant dense<0.000000e+00> : vector<10000x128xf32>
    %dot_general3A_11 = tpu.matmul %slice3A, %get3A_10, %dot_general3A {dimension_numbers = #tpu.dot_dimension_numbers<[1], [0], [0], [1], [0, 0, 1, 1], [], []>, transpose_lhs_hint = false} : vector<10000x8xf32>, vector<8x128xf32>, vector<10000x128xf32> -> vector<10000x128xf32>
    %add3A = arith.constant 9.99999971E-10 : f32
    %add3A_12 = vector.broadcast %add3A : f32 to vector<10000x128xf32>
    %add3A_13 = arith.addf %dot_general3A_11, %add3A_12 : vector<10000x128xf32>
    %div3A = arith.divf %concatenate3A, %add3A_13 : vector<10000x128xf32>
    %get3A_14 = arith.constant 0 : index
    %get3A_15 = arith.constant 0 : index
    %get3A_16 = vector.load %arg3[%get3A_14, %get3A_15] : memref<128x128xf32, #tpu.memory_space<vmem>>, vector<128x128xf32>
    %get3A_17 = arith.constant 0 : index
    %get3A_18 = arith.constant 0 : index
    %get3A_19 = vector.load %arg4[%get3A_17, %get3A_18] : memref<128x64xf32, #tpu.memory_space<vmem>>, vector<128x64xf32>
    %dot_general3A_20 = arith.constant dense<0.000000e+00> : vector<128x64xf32>
    %dot_general3A_21 = tpu.matmul %get3A_16, %get3A_19, %dot_general3A_20 {dimension_numbers = #tpu.dot_dimension_numbers<[1], [0], [0], [1], [0, 0, 1, 1], [], []>, transpose_lhs_hint = false} : vector<128x128xf32>, vector<128x64xf32>, vector<128x64xf32> -> vector<128x64xf32>
    %dot_general3A_22 = arith.constant dense<0.000000e+00> : vector<10000x64xf32>
    %dot_general3A_23 = tpu.matmul %div3A, %dot_general3A_21, %dot_general3A_22 {dimension_numbers = #tpu.dot_dimension_numbers<[1], [0], [0], [1], [0, 0, 1, 1], [], []>, transpose_lhs_hint = false} : vector<10000x128xf32>, vector<128x64xf32>, vector<10000x64xf32> -> vector<10000x64xf32>
    %get3A_24 = arith.constant 0 : index
    %get3A_25 = arith.constant 0 : index
    %get3A_26 = vector.load %arg2[%get3A_24, %get3A_25] : memref<10000x128xf32, #tpu.memory_space<vmem>>, vector<10000x128xf32>
    %get3A_27 = arith.constant 0 : index
    %get3A_28 = arith.constant 0 : index
    %get3A_29 = vector.load %arg4[%get3A_27, %get3A_28] : memref<128x64xf32, #tpu.memory_space<vmem>>, vector<128x64xf32>
    %dot_general3A_30 = arith.constant dense<0.000000e+00> : vector<10000x64xf32>
    %dot_general3A_31 = tpu.matmul %get3A_26, %get3A_29, %dot_general3A_30 {dimension_numbers = #tpu.dot_dimension_numbers<[1], [0], [0], [1], [0, 0, 1, 1], [], []>, transpose_lhs_hint = false} : vector<10000x128xf32>, vector<128x64xf32>, vector<10000x64xf32> -> vector<10000x64xf32>
    %add3A_32 = arith.addf %dot_general3A_23, %dot_general3A_31 : vector<10000x64xf32>
    %swap3A = arith.constant 0 : index
    %swap3A_33 = arith.constant 0 : index
    %swap3A_34 = vector.load %arg6[%swap3A, %swap3A_33] : memref<10000x64xf32, #tpu.memory_space<vmem>>, vector<10000x64xf32>
    tpu.vector_store %arg6[%swap3A, %swap3A_33], %add3A_32 {strides = array<i32>} : memref<10000x64xf32, #tpu.memory_space<vmem>>, vector<10000x64xf32>,
    return
  }
}

</mosaic_0001>

<sc_bundles>
// kernel: gather_offload_async_start
scs
__scs_entry_jumppad:
0x0: {  	(pc) =	sbr.rel $0x88, $3  }
0x1: {  	(tag) =	ssettag $0x0;
	lr =	simm.s32 $0x1  }
0x2: {  	[smem:$0x3F97] =	sst lr;
	_ =	strace $0xD0000000  }
0x3: {  	_ = 	snop  }
0x4: {  	_ = 	snop  }
0x5: {  	_ = 	snop  }
0x6: {  	_ = 	snop  }
0x7: {  	_ = 	snop  }
__scs_overlays_trampoline_lowered:
0x8: {  	[smem:$0x3FA6] =	sst s0  }
0x9: {  	[smem:$0x3FA7] =	sst s1  }
0xa: {  	[smem:$0x3FA8] =	sst s2  }
0xb: {  	[smem:$0x3FA9] =	sst s3  }
0xc: {  	[smem:$0x3FAA] =	sst s4  }
0xd: {  	[smem:$0x3FAB] =	sst s5  }
0xe: {  	[smem:$0x3FAC] =	sst s6  }
0xf: {  	[smem:$0x3FAD] =	sst s7  }
0x10: {  	[smem:$0x3FAE] =	sst s8  }
0x11: {  	[smem:$0x3FAF] =	sst s9;
	s0 =	simm.s32 @!p0 $0x0  }
0x12: {  	s1 =	sld [smem:$0x3F95];
	s0 =	simm.s32 @p0 $0x1  }
0x13: {  	[smem:$0x3FB0] =	sst s0;
	s0 =	simm.s32 @!p1 $0x0  }
0x14: {  	s2 =	sld [smem:$0x3F94];
	s0 =	simm.s32 @p1 $0x1  }
0x15: {  	[smem:$0x3FB1] =	sst s0;
	s0 =	simm.s32 @!p2 $0x0  }
0x16: {  	s3 =	sld [smem:$0x3FDB];
	s0 =	simm.s32 @p2 $0x1  }
0x17: {  	s4 =	simm.s32 $0x1BF5;
	[smem:$0x3FB3] =	sst s0  }
0x18: {  	s0 =	sld [smem:$0x3F96];
	_ =	swait.ge [sflag:s4], $0x0  }
0x19: {  	s7 =	sld [smem:$0x3F97]  }
0x1a: {  	s8 =	sadd.s32 $0xFFFFE003, lr  }
0x1b: {  	s9 =	sadd.s32 $0xFFFFFEF7, lr;
	s5 =	simm.s32 $0xFFFFFFFF;
	p2 =	slt.u32 s8, $0xFFFFF086  }
0x1c: {  	p1 =	slt.u32 s9, $0xF7A;
	s5 =	simm.s32 @!p2 $0x0  }
0x1d: {  	s5 =	simm.s32 @p1 $0x1;
	p0 =	seq.s32 s7, s2  }
0x1e: {  	s7 =	smul.u32 @!p0 $0xF7A, s2;
	p2 =	seq.s32 @!p0 s5, $0x0  }
0x1f: {  	s9 =	smul.u32 $0xF7A, s1;
	s8 =	simm.s32 @!p0 $0x1BF5;
	p2 =	por !p2, p0  }
0x20: {  	[sflag:s8] =	ssyncset.s32 @!p0 $0xFFFFF086;
	s6 =	sadd.s32 @!p0 s3, s7;
	s7 =	simm.s32 @!p0 $0x108  }
0x21: {  	s3 =	sadd.s32 s3, s9;
	s6 =	sadd.s32 @!p0 $0x88, s6;
	s7 =	simm.s32 @p2 $0x1082  }
0x22: {  	[simem:s7], [sflag:s8] =	dma.local @!p0 [hbm:s6], $0xF7A  }
0x23: {  	s9 =	sor.u32 $0xD0000000, s2;
	s6 =	simm.s32 $0x108;
	_ =	swait.ge @!p0 [sflag:s8], $0x0  }
0x24: {  	s3 =	sadd.s32 $0x88, s3;
	s6 =	simm.s32 @!p1 $0x1082;
	[sflag:s4] =	ssyncset.s32 $0xFFFFF086  }
0x25: {  	[simem:s6], [sflag:s4] =	dma.local [hbm:s3], $0xF7A  }
0x26: {  	[smem:$0x3F97] =	sst s1;
	(tag) =	ssettag s2;
	_ =	strace s9  }
0x27: {  	s1 =	sld [smem:$0x3FA7]  }
0x28: {  	s2 =	sld [smem:$0x3FA8]  }
0x29: {  	s4 =	sld [smem:$0x3FAA]  }
0x2a: {  	p0 =	seq.s32 s5, $0x0;
	s5 =	sld [smem:$0x3FAB]  }
0x2b: {  	s6 =	sld [smem:$0x3FAC]  }
0x2c: {  	s7 =	sld [smem:$0x3FAD]  }
0x2d: {  	s3 =	simm.s32 $0x108;
	s8 =	sld [smem:$0x3FAE]  }
0x2e: {  	s3 =	simm.s32 @!p0 $0x1082;
	s9 =	sld [smem:$0x3FAF]  }
0x2f: {  	lr =	sadd.s32 s0, s3;
	s0 =	sld [smem:$0x3FA6]  }
0x30: {  	s3 =	sld [smem:$0x3FA9]  }
0x31: {  	[smem:$0x3FB2] =	sst s10  }
0x32: {  	s10 =	sld [smem:$0x3FB0];
	_ =	sdelay $0x3  }
0x33: {  	p0 =	seq.s32 s10, $0x1;
	s10 =	sld [smem:$0x3FB2];
	_ =	sdelay $0x3  }
0x34: {  	[smem:$0x3FB2] =	sst s10  }
0x35: {  	s10 =	sld [smem:$0x3FB1];
	_ =	sdelay $0x3  }
0x36: {  	p1 =	seq.s32 s10, $0x1;
	s10 =	sld [smem:$0x3FB2];
	_ =	sdelay $0x3  }
0x37: {  	[smem:$0x3FB2] =	sst s10  }
0x38: {  	s10 =	sld [smem:$0x3FB3]  }
0x39: {  	_ = 	snop;
	(pc) =	sbr.ind lr, $3  }
0x3a: {  	_ = 	snop  }
0x3b: {  	_ = 	snop  }
0x3c: {  	p2 =	seq.s32 s10, $0x1;
	s10 =	sld [smem:$0x3FB2]  }
0x3d: {  	_ =	shalt  }
0x3e: {  	_ =	shalt  }
0x3f: {  	_ =	shalt  }
0x40: {  	_ =	shalt  }
0x41: {  	_ =	shalt  }
0x42: {  	_ =	shalt  }
0x43: {  	_ =	shalt  }
0x44: {  	_ =	shalt  }
0x45: {  	_ =	shalt  }
0x46: {  	_ =	shalt  }
0x47: {  	_ =	shalt  }
0x48: {  	_ =	shalt  }
0x49: {  	_ =	shalt  }
0x4a: {  	_ =	shalt  }
0x4b: {  	_ =	shalt  }
0x4c: {  	_ =	shalt  }
0x4d: {  	_ =	shalt  }
0x4e: {  	_ =	shalt  }
0x4f: {  	_ =	shalt  }
0x50: {  	_ =	shalt  }
0x51: {  	_ =	shalt  }
0x52: {  	_ =	shalt  }
0x53: {  	_ =	shalt  }
0x54: {  	_ =	shalt  }
0x55: {  	_ =	shalt  }
0x56: {  	_ =	shalt  }
0x57: {  	_ =	shalt  }
0x58: {  	_ =	shalt  }
0x59: {  	_ =	shalt  }
0x5a: {  	_ =	shalt  }
0x5b: {  	_ =	shalt  }
0x5c: {  	_ =	shalt  }
0x5d: {  	_ =	shalt  }
0x5e: {  	_ =	shalt  }
0x5f: {  	_ =	shalt  }
0x60: {  	_ =	shalt  }
0x61: {  	_ =	shalt  }
0x62: {  	_ =	shalt  }
0x63: {  	_ =	shalt  }
0x64: {  	_ =	shalt  }
0x65: {  	_ =	shalt  }
0x66: {  	_ =	shalt  }
0x67: {  	_ =	shalt  }
0x68: {  	_ =	shalt  }
0x69: {  	_ =	shalt  }
0x6a: {  	_ =	shalt  }
0x6b: {  	_ =	shalt  }
0x6c: {  	_ =	shalt  }
0x6d: {  	_ =	shalt  }
0x6e: {  	_ =	shalt  }
0x6f: {  	_ =	shalt  }
0x70: {  	_ =	shalt  }
0x71: {  	_ =	shalt  }
0x72: {  	_ =	shalt  }
0x73: {  	_ =	shalt  }
0x74: {  	_ =	shalt  }
0x75: {  	_ =	shalt  }
0x76: {  	_ =	shalt  }
0x77: {  	_ =	shalt  }
0x78: {  	_ =	shalt  }
0x79: {  	_ =	shalt  }
0x7a: {  	_ =	shalt  }
0x7b: {  	_ =	shalt  }
0x7c: {  	_ =	shalt  }
0x7d: {  	_ =	shalt  }
0x7e: {  	_ =	shalt  }
0x7f: {  	_ =	shalt  }
0x80: {  	_ =	shalt  }
0x81: {  	_ =	shalt  }
0x82: {  	_ =	shalt  }
0x83: {  	_ =	shalt  }
0x84: {  	_ =	shalt  }
0x85: {  	_ =	shalt  }
0x86: {  	_ =	shalt  }
0x87: {  	_ =	shalt  }
.Lfunc_end0:
.L_simem_size_0:
called_computation_lowered:
.L_overlay_start_0:
0x88: {  	s0 =	sld [smem:$0x3FD9]  }
0x89: {  	s1 =	sld [smem:$0x3FFE];
	_ =	sdelay $0x3  }
0x8a: {  	s0 =	sadd.s32 s1, s0  }
0x8b: {  	[smem:$0x3FBE] =	sst s0  }
0x8c: {  	_ = 	snop  }
0x8d: {  	s0 =	sld [smem:$0x3FC9]  }
0x8e: {  	s16 =	sld [smem:$0x3FD0];
	(tm) =	ssettm $0x1  }
0x8f: {  	s2 =	sld [smem:$0x3FFB];
	_ =	sdelay $0x3  }
0x90: {  	_ =	strace s2  }
0x91: {  	s2 =	sld [smem:$0x3FFC];
	_ =	sdelay $0x3  }
0x92: {  	_ =	strace s2  }
0x93: {  	s2 =	sld [smem:$0x3FFD];
	_ =	sdelay $0x3  }
0x94: {  	_ =	strace s2  }
0x95: {  	_ =	strace $0x8FFFFFFF  }
0x96: {  	s17 =	sld [smem:$0x3FDB];
	_ =	sdelay $0x1  }
0x97: {  	s3 =	simm.s32 $_scs_section_size  }
0x98: {  	s4 =	simm.s32 $_size__tile_overlayer_lowered;
	s5 =	simm.s32 $_tile_overlayer_lowered  }
0x99: {  	s20 =	simm.s32 $0x1BFF;
	s19 =	sshll.u32 s5, $0x1;
	s2 =	sadd.s32 s3, s17  }
0x9a: {  	s6 =	simm.s32 $0x0;
	s18 =	sshll.u32 s4, $0x1;
	s4 =	sadd.s32 s19, s2  }
0x9b: {  	[timem:s6], [sflag:s20] =	dma.local [hbm:s4], s18  }
0x9c: {  	_ =	swait.ge [sflag:s20], s18  }
0x9d: {  	s3 =	ssub.s32 $0x0, s18;
	[sflag:s20] =	ssyncset.done $0x0  }
0x9e: {  	[sflag:s20] =	ssyncadd.s32 s3;
	_ =	sdelay $0x1  }
0x9f: {  	s21 =	simm.s32 $0x1B8B  }
0xa0: {  	_ =	swait.ge [sflag:s21], $0x1  }
0xa1: {  	[sflag:s21] =	ssyncset.done $0x0  }
0xa2: {  	s23 =	simm.s32 $0x1B8E;
	s22 =	sld [smem:$0x3FFE];
	[sflag:s21] =	ssyncadd.s32 $0xFFFFFFFF  }
0xa3: {  	s24 =	simm.s32 $execute0_lowered;
	[smem:$0x3FD2] =	sst s23  }
0xa4: {  	s4 =	sshll.u32 s24, $0x1;
	_ =	strace $0x80000046;
	[dreg:$0x1] =	wrdreg $0xFFFFFFFF  }
0xa5: {  	s25 =	simm.s32 $_size_execute0_lowered;
	s2 =	sadd.s32 s2, s4;
	[dreg:$0x0] =	wrdreg $0x0  }
0xa6: {  	s4 =	sshll.u32 s25, $0x1;
	[dreg:$0x2] =	wrdreg s2  }
0xa7: {  	[dreg:$0x3] =	wrdreg s4  }
0xa8: {  	[dreg:$0x4] =	wrdreg $0xC0  }
0xa9: {  	_ =	task [dreg:s6], $0x5FFFF  }
0xaa: {  	[dreg:$0x1] =	wrdreg $0xFFFFFFFF  }
0xab: {  	[dreg:$0x0] =	wrdreg $0x60  }
0xac: {  	[dreg:$0x2] =	wrdreg s0  }
0xad: {  	[dreg:$0x3] =	wrdreg s16  }
0xae: {  	[dreg:$0x4] =	wrdreg s22  }
0xaf: {  	[dreg:$0x5] =	wrdreg $0x9  }
0xb0: {  	_ =	task.clear_ibuf [dreg:s6], $0x6FFFF;
	_ =	strace $0x90000046  }
0xb1: {  	s26 =	simm.s32 $0x9;
	_ =	strace $0x80000048  }
0xb2: {  	_ =	swait.ge [sflag:s26], $0x1  }
0xb3: {  	[sflag:s26] =	ssyncadd.s32 $0xFFFFFFFF  }
0xb4: {  	_ =	strace $0x90000048  }
0xb5: {  	_ =	sfence  }
0xb6: {  	s28 =	sld [smem:$0x0];
	_ =	sdelay $0x1  }
0xb7: {  	s29 =	srdreg.scid  }
0xb8: {  	s30 =	sshll.u32 s29, $0xD;
	s31 =	sshrl.u32 s29, $0x2  }
0xb9: {  	s1 =	sand.u32 $0x1, s29;
	s2 =	sand.u32 $0x4000, s30;
	s0 =	sadd.s32 s31, s28  }
0xba: {  	s1 =	sor.u32 s2, s1;
	s0 =	sshll.u32 s0, $0x11  }
0xbb: {  	s0 =	sor.u32 s0, s1  }
0xbc: {  	s0 =	sadd.s32 $0x8F2B, s0  }
0xbd: {  	[sflag:s0] =	ssyncadd.remote.s32 $0x1  }
0xbe: {  	_ =	sfence.sel $0xFFFF  }
0xbf: {  	[dreg:$0x0] =	wrdreg $0xFFFFFFFF;
	(pc) =	sbr.abs _section_cstart, $3  }
0xc0: {  	[dreg:$0x1] =	wrdreg $0xFFFFFFFF  }
0xc1: {  	_ =	task.clear_ibuf [dreg:s6], $0x2FFFF;
	_ =	strace $0x9FFFFFFF  }
0xc2: {  	(tm) =	ssettm $0x7FFFFFFF  }
0xc3: {  	_ =	shalt  }
tec
execute0_lowered:
.L_overlay_start_1:
0x0: {  	(tag) =	ssettag $0x1  }
0x1: {  	s0 =	stileid.u32  }
0x2: {  	s1 =	smin.u32 s0, $0x9  }
0x3: {  	s1 =	sadd.s32 s0, s1  }
0x4: {  	s2 =	simm.s32 $0x320;
	p0 =	slt.u32 s0, $0x9;
	s1 =	smul.u32 $0x190, s1  }
0x5: {  	s2 =	simm.s32 @!p0 $0x190  }
0x6: {  	s2 =	sadd.s32 s2, s1  }
0x7: {  	s3 =	smin.u32 s2, $0x2710  }
0x8: {  	s7 =	ssub.s32 s3, s1  }
0x9: {  	p0 =	sgt.s32 s7, $0x0  }
0xa: {  	s7 =	simm.s32 @!p0 $0x0  }
0xb: {  	s31 =	sand.u32 $0xFFF0, s7  }
0xc: {  	s4 =	rddreg [dreg:$0x0];
	s2 =	sshrl.u32 s31, $0x4  }
0xd: {  	s5 =	rddreg [dreg:$0x1];
	s2 =	smul.u32 $0xA3E, s2  }
0xe: {  	s9 =	rddreg [dreg:$0x2]  }
0xf: {  	s6 =	simm.s32 $0x1;
	s11 =	simm.s32 $0x3;
	s8 =	sshrl.u32 s2, $0x10  }
0x10: {  	s13 =	simm.s32 $0x0;
	s12 =	simm.s32 $0x0;
	s10 =	smul.u32 $0x190, s8  }
.Ltmp0:
0x11: {  	s9 =	sadd.s32 $0x1600, s9;
	s2 =	rddreg [dreg:$0x3];
	(pc) =	sbr.rel .LBB2_1-.Ltmp0, $4  }
0x12: {  	_ =	strace $0x80000047;
	p0 =	sne.s32 s7, s10;
	s10 =	simm.s32 $0x1  }
0x13: {  	[sflag:s6] =	ssyncpa.u1 $0x0;
	s7 =	simm.s32 $0x2;
	s10 =	simm.s32 @!p0 $0x0  }
0x14: {  	[sflag:s7] =	ssyncpa.u1 $0x0;
	p0 =	por $0x0, $0x0;
	s8 =	sadd.s32 s8, s10  }
0x15: {  	vm0 =	vmmov $0xff;
	vm1 =	vcmask $0x3F20;
	[sflag:s11] =	ssyncpa.u1 $0x0;
	s11 =	smov.u32 s1;
	s10 =	sadd.s32 $0x1, s8  }
.LBB2_6:
0x16: {  	[hbm:s17] =	stream.linear.scatter [tilespmem:s14], [sflag:$0x3], $0x400, $0x38;
	[tilespmem:$0x19320] =	vst v63  }
.LBB2_7:
0x17: {  	s13 =	sadd.s32 $0x190, s11  }
0x18: {  	s15 =	smov.u32 s1;
	p2 =	slt.s32 s13, s3  }
0x19: {  	s15 =	smov.u32 @p2 s13;
	p2 =	sne.s32 s12, s10  }
.Ltmp1:
0x1a: {  	p1 =	slt.u32 s12, $0x2;
	(pc) =	sbr.rel @!p2 .LBB2_8-.Ltmp1, $4  }
0x1b: {  	s14 =	simm.s32 @!p1 $0x3  }
0x1c: {  	s16 =	sadd.s32 $0x1, s12;
	_ =	swait.ge @!p1 [sflag:s14], $0xC800  }
0x1d: {  	p0 =	por !p0, !p0;
	s13 =	smov.u32 s11;
	[sflag:s14] =	ssyncset.done @!p1 $0x0  }
0x1e: {  	s12 =	smov.u32 s16;
	s11 =	smov.u32 s15;
	[sflag:s14] =	ssyncadd.s32 @!p1 $0xFFFF3800  }
.LBB2_1:
0x1f: {  	p1 =	sge.u32 s12, s8  }
0x20: {  	s14 =	sxor.u32 @!p1 $0xFFFFFFFF, s12  }
0x21: {  	s14 =	sand.u32 @!p1 $0x1, s14  }
0x22: {  	s14 =	smul.u32 @!p1 $0x640, s14  }
0x23: {  	s31 =	sadd.s32 $0xFFFFFFFF, s12;
	s15 =	sshrl.u32 @!p1 s11, $0x3  }
0x24: {  	s16 =	sand.u32 @!p1 $0x7, s11;
	s15 =	sadd.s32 @!p1 s5, s15;
	s14 =	sshrl.u32 @!p1 s14, $0x2  }
0x25: {  	[tilespmem:s14], [sflag:$0x2] =	stream.linear.gather @!p1 [hbm4b:s15+s16], $0x190, $0x38;
	[tilespmem:$0x19320] =	vst v63  }
0x26: {  	p1 =	sge.u32 s31, s8  }
.Ltmp2:
0x27: {  	_ = 	snop;
	(pc) =	sbr.rel @p1 .LBB2_7-.Ltmp2, $1  }
0x28: {  	_ =	sdelay $0x3  }
0x29: {  	s14 =	simm.s32 $0x1  }
0x2a: {  	s14 =	simm.s32 @!p0 $0x0  }
0x2b: {  	s15 =	smul.u32 $0x640, s14  }
0x2c: {  	_ =	swait.ge [sflag:s7], $0x190  }
0x2d: {  	[sflag:s7] =	ssyncset.done $0x0;
	s16 =	sshrl.u32 s15, $0x2  }
0x2e: {  	[sflag:s7] =	ssyncadd.s32 $0xFFFFFE70;
	s15 =	sadd.s32 $0x0, s16  }
0x2f: {  	v0 =	vld.msk [tilespmem:s15+$0x0 ss:$0x1], $0xffff;
	_ =	sdelay $0x4  }
0x30: {  	vm2 =	vgt.s32 v0, $0x0  }
0x31: {  	v0 =	vnsel vm2, $0x0, v0  }
0x32: {  	v0 =	vmin.u32 v0, $0x270F  }
0x33: {  	v0 =	vshll.u32 v0, $0x4  }
0x34: {  	s14 =	smul.u32 $0x32000, s14;
	_ =	sdelay $0x1  }
0x35: {  	s14 =	sshrl.u32 s14, $0x2  }
0x36: {  	s14 =	sor.u32 $0x320, s14  }
0x37: {  	[tilespmem:s14], [sflag:$0x1] =	stream.indirect_vreg.gather [hbm:s4], $0x80, v0, vm0, $0x38;
	[tilespmem:$0x19320] =	vst v63  }
0x38: {  	s17 =	sadd.s32 $0x10, s16;
	s15 =	sadd.s32 $0x400, s14  }
0x39: {  	[tilespmem:s15], [sflag:$0x1] =	stream.indirect_vreg.gather [hbm:s4], $0x80, v0, vm1, $0x38;
	[tilespmem:$0x19320] =	vst v63  }
0x3a: {  	s18 =	simm.s32 $0x80;
	v0 =	vld.msk [tilespmem:s17+$0x0 ss:$0x1], $0xffff;
	s17 =	smov.u32 s14  }
.LBB2_3:
0x3b: {  	p1 =	sne.s32 s18, $0x600;
	_ =	sdelay $0x4  }
0x3c: {  	vm2 =	vgt.s32 v0, $0x0  }
0x3d: {  	v0 =	vnsel vm2, $0x0, v0  }
0x3e: {  	v0 =	vmin.u32 v0, $0x270F  }
0x3f: {  	v0 =	vshll.u32 v0, $0x4;
	_ =	sdelay $0x3  }
.Ltmp3:
0x40: {  	s19 =	sshra.s32 s18, $0x2;
	s17 =	sadd.s32 $0x800, s17;
	(pc) =	sbr.rel @p1 .LBB2_3-.Ltmp3, $4  }
0x41: {  	[tilespmem:s17], [sflag:$0x1] =	stream.indirect_vreg.gather [hbm:s4], $0x80, v0, vm0, $0x38;
	[tilespmem:$0x19320] =	vst v63  }
0x42: {  	s19 =	sadd.s32 s19, s16;
	s20 =	sadd.s32 $0x400, s17  }
0x43: {  	[tilespmem:s20], [sflag:$0x1] =	stream.indirect_vreg.gather [hbm:s4], $0x80, v0, vm1, $0x38;
	[tilespmem:$0x19320] =	vst v63  }
0x44: {  	s18 =	sadd.s32 $0x40, s18;
	v0 =	vld.msk [tilespmem:s19+$0x0 ss:$0x1], $0xffff  }
0x45: {  	_ =	sdelay $0x3  }
0x46: {  	vm2 =	vgt.s32 v0, $0x0  }
0x47: {  	v0 =	vnsel vm2, $0x0, v0  }
0x48: {  	v0 =	vmin.u32 v0, $0x270F  }
0x49: {  	v0 =	vshll.u32 v0, $0x4;
	_ =	sdelay $0x3  }
0x4a: {  	s16 =	sadd.s32 $0x800, s17  }
0x4b: {  	[tilespmem:s16], [sflag:$0x1] =	stream.indirect_vreg.gather [hbm:s4], $0x80, v0, vm0, $0x38;
	[tilespmem:$0x19320] =	vst v63  }
0x4c: {  	s16 =	sadd.s32 $0x400, s16  }
0x4d: {  	[tilespmem:s16], [sflag:$0x1] =	stream.indirect_vreg.gather [hbm:s4], $0x80, v0, vm1, $0x38;
	[tilespmem:$0x19320] =	vst v63  }
0x4e: {  	s13 =	sshll.u32 s13, $0x4;
	_ =	swait.ge [sflag:s6], $0xC800  }
0x4f: {  	s13 =	sadd.s32 s13, s9;
	[sflag:s6] =	ssyncset.done $0x0  }
0x50: {  	s17 =	sadd.s32 $0x0, s13;
	s16 =	simm.s32 $0x80;
	[sflag:s6] =	ssyncadd.s32 $0xFFFF3800  }
.LBB2_5:
0x51: {  	[hbm:s17] =	stream.linear.scatter [tilespmem:s14], [sflag:$0x3], $0x400, $0x38;
	[tilespmem:$0x19320] =	vst v63  }
0x52: {  	s17 =	smov.u32 s16;
	s14 =	smov.u32 s15;
	p1 =	sne.s32 s16, $0x1880  }
.Ltmp4:
0x53: {  	s16 =	sadd.s32 $0x80, s16;
	(pc) =	sbr.rel @p1 .LBB2_5-.Ltmp4, $2  }
0x54: {  	_ =	sdelay $0x2  }
0x55: {  	s15 =	sadd.s32 $0x400, s15;
	s17 =	sadd.s32 s17, s13  }
.Ltmp5:
0x56: {  	_ = 	snop;
	(pc) =	sbr.rel .LBB2_6-.Ltmp5, $1  }
0x57: {  	_ =	sdelay $0x3  }
.LBB2_8:
0x58: {  	_ =	sfence.sel $0x180000  }
0x59: {  	s1 =	simm.s32 $0x2;
	[bflag:$0x0] =	sbarrier.arrive $0xFFFF  }
0x5a: {  	s30 =	simm.s32 $0x3;
	[sflag:s1] =	ssyncpa.u1 $0x1  }
0x5b: {  	s31 =	simm.s32 $0x1;
	[sflag:s30] =	ssyncpa.u1 $0x1  }
0x5c: {  	[sflag:s31] =	ssyncpa.u1 $0x1  }
0x5d: {  	p0 =	sne.s32 s0, $0x0;
	_ =	strace $0x90000047  }
0x5e: {  	s0 =	sadd.s32 @!p0 $0x100000, s2;
	[bflag:$0x2] =	sbarrier.arrive $0xFFFF  }
0x5f: {  	[sflag:s0] =	ssyncadd.tile.s32 @!p0 $0x1;
	_ =	shalt  }
.Lfunc_end2:
_tile_overlayer_lowered:
.L_overlay_start_2:
0x60: {  	(tag) =	ssettag $0x2  }
0x61: {  	s0 =	rddreg [dreg:$0x0];
	s2 =	stileid.u32  }
0x62: {  	s1 =	rddreg [dreg:$0x1];
	p0 =	sne.s32 s2, $0x0  }
0x63: {  	s3 =	rddreg [dreg:$0x2];
	[bflag:$0x3] =	sbarrier.arrive $0xFFFF;
	s2 =	simm.s32 @!p0 $0x1C01  }
0x64: {  	[timem:s3], [sflag:s2] =	dma.local @!p0 [hbm:s0], s1  }
0x65: {  	s0 =	simm.s32 @!p0 $0x1  }
0x66: {  	_ =	swait.ge @!p0 [sflag:s0], s1  }
0x67: {  	s1 =	ssub.s32 @!p0 $0x0, s1;
	[sflag:s0] =	ssyncset.done @!p0 $0x0  }
0x68: {  	[sflag:s0] =	ssyncadd.s32 @!p0 s1  }
0x69: {  	[bflag:$0x3] =	sbarrier.arrive $0xFFFF  }
0x6a: {  	_ =	shalt  }

// kernel: kernel.5.cloned.1.call-start
scs
__scs_entry_jumppad:
0x0: {  	(pc) =	sbr.rel $0x88, $3  }
0x1: {  	(tag) =	ssettag $0x0;
	lr =	simm.s32 $0x1  }
0x2: {  	[smem:$0x3F97] =	sst lr;
	_ =	strace $0xD0000000  }
0x3: {  	_ = 	snop  }
0x4: {  	_ = 	snop  }
0x5: {  	_ = 	snop  }
0x6: {  	_ = 	snop  }
0x7: {  	_ = 	snop  }
__scs_overlays_trampoline_lowered:
0x8: {  	[smem:$0x3FA6] =	sst s0  }
0x9: {  	[smem:$0x3FA7] =	sst s1  }
0xa: {  	[smem:$0x3FA8] =	sst s2  }
0xb: {  	[smem:$0x3FA9] =	sst s3  }
0xc: {  	[smem:$0x3FAA] =	sst s4  }
0xd: {  	[smem:$0x3FAB] =	sst s5  }
0xe: {  	[smem:$0x3FAC] =	sst s6  }
0xf: {  	[smem:$0x3FAD] =	sst s7  }
0x10: {  	[smem:$0x3FAE] =	sst s8  }
0x11: {  	[smem:$0x3FAF] =	sst s9;
	s0 =	simm.s32 @!p0 $0x0  }
0x12: {  	s1 =	sld [smem:$0x3F95];
	s0 =	simm.s32 @p0 $0x1  }
0x13: {  	[smem:$0x3FB0] =	sst s0;
	s0 =	simm.s32 @!p1 $0x0  }
0x14: {  	s2 =	sld [smem:$0x3F94];
	s0 =	simm.s32 @p1 $0x1  }
0x15: {  	[smem:$0x3FB1] =	sst s0;
	s0 =	simm.s32 @!p2 $0x0  }
0x16: {  	s3 =	sld [smem:$0x3FDB];
	s0 =	simm.s32 @p2 $0x1  }
0x17: {  	s4 =	simm.s32 $0x1BF5;
	[smem:$0x3FB3] =	sst s0  }
0x18: {  	s0 =	sld [smem:$0x3F96];
	_ =	swait.ge [sflag:s4], $0x0  }
0x19: {  	s7 =	sld [smem:$0x3F97]  }
0x1a: {  	s8 =	sadd.s32 $0xFFFFE003, lr  }
0x1b: {  	s9 =	sadd.s32 $0xFFFFFEF7, lr;
	s5 =	simm.s32 $0xFFFFFFFF;
	p2 =	slt.u32 s8, $0xFFFFF086  }
0x1c: {  	p1 =	slt.u32 s9, $0xF7A;
	s5 =	simm.s32 @!p2 $0x0  }
0x1d: {  	s5 =	simm.s32 @p1 $0x1;
	p0 =	seq.s32 s7, s2  }
0x1e: {  	s7 =	smul.u32 @!p0 $0xF7A, s2;
	p2 =	seq.s32 @!p0 s5, $0x0  }
0x1f: {  	s9 =	smul.u32 $0xF7A, s1;
	s8 =	simm.s32 @!p0 $0x1BF5;
	p2 =	por !p2, p0  }
0x20: {  	[sflag:s8] =	ssyncset.s32 @!p0 $0xFFFFF086;
	s6 =	sadd.s32 @!p0 s3, s7;
	s7 =	simm.s32 @!p0 $0x108  }
0x21: {  	s3 =	sadd.s32 s3, s9;
	s6 =	sadd.s32 @!p0 $0x88, s6;
	s7 =	simm.s32 @p2 $0x1082  }
0x22: {  	[simem:s7], [sflag:s8] =	dma.local @!p0 [hbm:s6], $0xF7A  }
0x23: {  	s9 =	sor.u32 $0xD0000000, s2;
	s6 =	simm.s32 $0x108;
	_ =	swait.ge @!p0 [sflag:s8], $0x0  }
0x24: {  	s3 =	sadd.s32 $0x88, s3;
	s6 =	simm.s32 @!p1 $0x1082;
	[sflag:s4] =	ssyncset.s32 $0xFFFFF086  }
0x25: {  	[simem:s6], [sflag:s4] =	dma.local [hbm:s3], $0xF7A  }
0x26: {  	[smem:$0x3F97] =	sst s1;
	(tag) =	ssettag s2;
	_ =	strace s9  }
0x27: {  	s1 =	sld [smem:$0x3FA7]  }
0x28: {  	s2 =	sld [smem:$0x3FA8]  }
0x29: {  	s4 =	sld [smem:$0x3FAA]  }
0x2a: {  	p0 =	seq.s32 s5, $0x0;
	s5 =	sld [smem:$0x3FAB]  }
0x2b: {  	s6 =	sld [smem:$0x3FAC]  }
0x2c: {  	s7 =	sld [smem:$0x3FAD]  }
0x2d: {  	s3 =	simm.s32 $0x108;
	s8 =	sld [smem:$0x3FAE]  }
0x2e: {  	s3 =	simm.s32 @!p0 $0x1082;
	s9 =	sld [smem:$0x3FAF]  }
0x2f: {  	lr =	sadd.s32 s0, s3;
	s0 =	sld [smem:$0x3FA6]  }
0x30: {  	s3 =	sld [smem:$0x3FA9]  }
0x31: {  	[smem:$0x3FB2] =	sst s10  }
0x32: {  	s10 =	sld [smem:$0x3FB0];
	_ =	sdelay $0x3  }
0x33: {  	p0 =	seq.s32 s10, $0x1;
	s10 =	sld [smem:$0x3FB2];
	_ =	sdelay $0x3  }
0x34: {  	[smem:$0x3FB2] =	sst s10  }
0x35: {  	s10 =	sld [smem:$0x3FB1];
	_ =	sdelay $0x3  }
0x36: {  	p1 =	seq.s32 s10, $0x1;
	s10 =	sld [smem:$0x3FB2];
	_ =	sdelay $0x3  }
0x37: {  	[smem:$0x3FB2] =	sst s10  }
0x38: {  	s10 =	sld [smem:$0x3FB3]  }
0x39: {  	_ = 	snop;
	(pc) =	sbr.ind lr, $3  }
0x3a: {  	_ = 	snop  }
0x3b: {  	_ = 	snop  }
0x3c: {  	p2 =	seq.s32 s10, $0x1;
	s10 =	sld [smem:$0x3FB2]  }
0x3d: {  	_ =	shalt  }
0x3e: {  	_ =	shalt  }
0x3f: {  	_ =	shalt  }
0x40: {  	_ =	shalt  }
0x41: {  	_ =	shalt  }
0x42: {  	_ =	shalt  }
0x43: {  	_ =	shalt  }
0x44: {  	_ =	shalt  }
0x45: {  	_ =	shalt  }
0x46: {  	_ =	shalt  }
0x47: {  	_ =	shalt  }
0x48: {  	_ =	shalt  }
0x49: {  	_ =	shalt  }
0x4a: {  	_ =	shalt  }
0x4b: {  	_ =	shalt  }
0x4c: {  	_ =	shalt  }
0x4d: {  	_ =	shalt  }
0x4e: {  	_ =	shalt  }
0x4f: {  	_ =	shalt  }
0x50: {  	_ =	shalt  }
0x51: {  	_ =	shalt  }
0x52: {  	_ =	shalt  }
0x53: {  	_ =	shalt  }
0x54: {  	_ =	shalt  }
0x55: {  	_ =	shalt  }
0x56: {  	_ =	shalt  }
0x57: {  	_ =	shalt  }
0x58: {  	_ =	shalt  }
0x59: {  	_ =	shalt  }
0x5a: {  	_ =	shalt  }
0x5b: {  	_ =	shalt  }
0x5c: {  	_ =	shalt  }
0x5d: {  	_ =	shalt  }
0x5e: {  	_ =	shalt  }
0x5f: {  	_ =	shalt  }
0x60: {  	_ =	shalt  }
0x61: {  	_ =	shalt  }
0x62: {  	_ =	shalt  }
0x63: {  	_ =	shalt  }
0x64: {  	_ =	shalt  }
0x65: {  	_ =	shalt  }
0x66: {  	_ =	shalt  }
0x67: {  	_ =	shalt  }
0x68: {  	_ =	shalt  }
0x69: {  	_ =	shalt  }
0x6a: {  	_ =	shalt  }
0x6b: {  	_ =	shalt  }
0x6c: {  	_ =	shalt  }
0x6d: {  	_ =	shalt  }
0x6e: {  	_ =	shalt  }
0x6f: {  	_ =	shalt  }
0x70: {  	_ =	shalt  }
0x71: {  	_ =	shalt  }
0x72: {  	_ =	shalt  }
0x73: {  	_ =	shalt  }
0x74: {  	_ =	shalt  }
0x75: {  	_ =	shalt  }
0x76: {  	_ =	shalt  }
0x77: {  	_ =	shalt  }
0x78: {  	_ =	shalt  }
0x79: {  	_ =	shalt  }
0x7a: {  	_ =	shalt  }
0x7b: {  	_ =	shalt  }
0x7c: {  	_ =	shalt  }
0x7d: {  	_ =	shalt  }
0x7e: {  	_ =	shalt  }
0x7f: {  	_ =	shalt  }
0x80: {  	_ =	shalt  }
0x81: {  	_ =	shalt  }
0x82: {  	_ =	shalt  }
0x83: {  	_ =	shalt  }
0x84: {  	_ =	shalt  }
0x85: {  	_ =	shalt  }
0x86: {  	_ =	shalt  }
0x87: {  	_ =	shalt  }
.Lfunc_end0:
.L_simem_size_0:
called_computation.1_lowered:
.L_overlay_start_0:
0x88: {  	s2 =	sld [smem:$0x3FD9]  }
0x89: {  	s3 =	sld [smem:$0x3FFE];
	_ =	sdelay $0x1  }
0x8a: {  	s1 =	srdreg.scid  }
0x8b: {  	s0 =	sand.u32 $0x1, s1  }
0x8c: {  	s17 =	sshll.u32 s0, $0xA;
	s2 =	sadd.s32 s3, s2  }
0x8d: {  	s2 =	sadd.s32 s2, s17  }
0x8e: {  	[smem:$0x3FBE] =	sst s2  }
0x8f: {  	_ = 	snop  }
0x90: {  	s2 =	sld [smem:$0x3FC7]  }
0x91: {  	s18 =	sld [smem:$0x3FD0];
	(tm) =	ssettm $0x1  }
0x92: {  	s4 =	sld [smem:$0x3FFB];
	_ =	sdelay $0x3  }
0x93: {  	_ =	strace s4  }
0x94: {  	s4 =	sld [smem:$0x3FFC];
	_ =	sdelay $0x3  }
0x95: {  	_ =	strace s4  }
0x96: {  	s4 =	sld [smem:$0x3FFD];
	_ =	sdelay $0x3  }
0x97: {  	_ =	strace s4  }
0x98: {  	_ =	strace $0x8FFFFFFF  }
0x99: {  	s19 =	sld [smem:$0x3FDB];
	_ =	sdelay $0x1  }
0x9a: {  	s5 =	simm.s32 $_scs_section_size  }
0x9b: {  	s6 =	simm.s32 $_size__tile_overlayer_lowered;
	s7 =	simm.s32 $_tile_overlayer_lowered  }
0x9c: {  	s22 =	simm.s32 $0x1BFF;
	s21 =	sshll.u32 s7, $0x1;
	s4 =	sadd.s32 s5, s19  }
0x9d: {  	s8 =	simm.s32 $0x0;
	s20 =	sshll.u32 s6, $0x1;
	s6 =	sadd.s32 s21, s4  }
0x9e: {  	[timem:s8], [sflag:s22] =	dma.local [hbm:s6], s20  }
0x9f: {  	_ =	swait.ge [sflag:s22], s20  }
0xa0: {  	s5 =	ssub.s32 $0x0, s20;
	[sflag:s22] =	ssyncset.done $0x0  }
0xa1: {  	[sflag:s22] =	ssyncadd.s32 s5;
	_ =	sdelay $0x1  }
0xa2: {  	s23 =	simm.s32 $0x1B8B  }
0xa3: {  	_ =	swait.ge [sflag:s23], $0x1  }
0xa4: {  	[sflag:s23] =	ssyncset.done $0x0  }
0xa5: {  	s25 =	simm.s32 $0x1B8E;
	s24 =	sld [smem:$0x3FFE];
	[sflag:s23] =	ssyncadd.s32 $0xFFFFFFFF  }
0xa6: {  	s26 =	simm.s32 $execute0_lowered;
	[smem:$0x3FD2] =	sst s25  }
0xa7: {  	s6 =	sshll.u32 s26, $0x1;
	_ =	strace $0x80000049;
	[dreg:$0x1] =	wrdreg $0xFFFFFFFF  }
0xa8: {  	s28 =	simm.s32 $_size_execute0_lowered;
	s4 =	sadd.s32 s4, s6;
	[dreg:$0x0] =	wrdreg $0x0  }
0xa9: {  	s6 =	sshll.u32 s28, $0x1;
	[dreg:$0x2] =	wrdreg s4  }
0xaa: {  	[dreg:$0x3] =	wrdreg s6  }
0xab: {  	[dreg:$0x4] =	wrdreg $0xC0  }
0xac: {  	_ =	task [dreg:s8], $0x5FFFF  }
0xad: {  	[dreg:$0x1] =	wrdreg $0xFFFFFFFF  }
0xae: {  	[dreg:$0x0] =	wrdreg $0x60  }
0xaf: {  	[dreg:$0x2] =	wrdreg s24  }
0xb0: {  	[dreg:$0x3] =	wrdreg s2  }
0xb1: {  	[dreg:$0x4] =	wrdreg s18  }
0xb2: {  	[dreg:$0x5] =	wrdreg $0x111D00  }
0xb3: {  	[dreg:$0x6] =	wrdreg $0x1AE100  }
0xb4: {  	[dreg:$0x7] =	wrdreg $0x9  }
0xb5: {  	_ =	task.clear_ibuf [dreg:s8], $0x8FFFF;
	_ =	strace $0x90000049  }
0xb6: {  	s29 =	simm.s32 $0x9;
	_ =	strace $0x8000004B  }
0xb7: {  	_ =	swait.ge [sflag:s29], $0x1  }
0xb8: {  	[sflag:s29] =	ssyncadd.s32 $0xFFFFFFFF  }
0xb9: {  	_ =	strace $0x9000004B  }
0xba: {  	_ =	sfence  }
0xbb: {  	s30 =	sld [smem:$0x0];
	_ =	sdelay $0x2  }
0xbc: {  	s31 =	sshll.u32 s1, $0xD;
	s1 =	sshrl.u32 s1, $0x2  }
0xbd: {  	s3 =	sand.u32 $0x4000, s31;
	s1 =	sadd.s32 s1, s30  }
0xbe: {  	s0 =	sor.u32 s3, s0;
	s1 =	sshll.u32 s1, $0x11  }
0xbf: {  	s0 =	sor.u32 s1, s0  }
0xc0: {  	s0 =	sadd.s32 $0x8F2B, s0  }
0xc1: {  	[sflag:s0] =	ssyncadd.remote.s32 $0x1  }
0xc2: {  	_ =	sfence.sel $0xFFFF  }
0xc3: {  	[dreg:$0x0] =	wrdreg $0xFFFFFFFF;
	(pc) =	sbr.abs _section_cstart, $3  }
0xc4: {  	[dreg:$0x1] =	wrdreg $0xFFFFFFFF  }
0xc5: {  	_ =	task.clear_ibuf [dreg:s8], $0x2FFFF;
	_ =	strace $0x9FFFFFFF  }
0xc6: {  	(tm) =	ssettm $0x7FFFFFFF  }
0xc7: {  	_ =	shalt  }
tec
execute0_lowered:
.L_overlay_start_1:
0x0: {  	(tag) =	ssettag $0x1  }
0x1: {  	s0 =	rddreg [dreg:$0x0]  }
0x2: {  	s2 =	rddreg [dreg:$0x2]  }
0x3: {  	s3 =	rddreg [dreg:$0x3]  }
0x4: {  	s4 =	rddreg [dreg:$0x4]  }
0x5: {  	s1 =	simm.s32 $0x0;
	s22 =	srdreg.scid;
	s18 =	stileid.u32  }
0x6: {  	s29 =	simm.s32 $0x190;
	s31 =	simm.s32 $0x1;
	s28 =	simm.s32 $0xA2D0  }
0x7: {  	[smem:$0x7FF] =	sst s1;
	s7 =	sadd.s32 $0x32600, s0;
	s8 =	sadd.s32 $0x28800, s0  }
0x8: {  	s1 =	sand.u32 $0x1, s22;
	s5 =	smul.u32 $0x27000, s18;
	s9 =	sadd.s32 $0x4FE00, s0  }
0x9: {  	s6 =	sadd.s32 $0x63800, s0;
	s12 =	smul.u32 $0x270, s18;
	s13 =	sadd.s32 $0x15000, s0  }
0xa: {  	s14 =	smul.u32 $0x9C00, s18;
	s26 =	sadd.s32 $0x9C000, s3;
	_ =	strace $0x8000004A  }
0xb: {  	s10 =	ssub.s32 $0x2, s1;
	s17 =	smul.u32 $0x2710, s1;
	[dreg:$0xa] =	wrdreg s26  }
0xc: {  	p0 =	seq.s32 s1, $0x0;
	p1 =	sne.s32 s1, $0x0;
	s1 =	simm.s32 $0x4DD0  }
0xd: {  	s11 =	sshrl.u32 s10, $0x1;
	s5 =	sshrl.u32 s5, $0x2;
	s23 =	sadd.s32 $0xD0, s12  }
0xe: {  	s25 =	sadd.s32 $0x1A0, s12;
	s14 =	sshrl.u32 s14, $0x2;
	s10 =	ssub.s32 s10, s11  }
0xf: {  	s19 =	sadd.s32 s5, s3;
	s15 =	sshll.u32 s23, $0x6;
	s16 =	sshll.u32 s25, $0x6  }
0x10: {  	s14 =	sadd.s32 s14, s4;
	s12 =	sadd.s32 s12, s17;
	s5 =	sadd.s32 s17, s23  }
0x11: {  	s11 =	sadd.s32 s17, s25;
	s20 =	sadd.s32 $0x2700, s17;
	s17 =	sadd.s32 $0x27000, s4  }
0x12: {  	s24 =	sadd.s32 s15, s3;
	s30 =	sadd.s32 s16, s3;
	[dreg:$0x9] =	wrdreg s14  }
0x13: {  	s15 =	sshll.u32 s12, $0x3;
	s5 =	sshll.u32 s5, $0x3;
	s16 =	sshll.u32 s11, $0x3  }
0x14: {  	s21 =	sshll.u32 s12, $0x1;
	s22 =	sshll.u32 s20, $0x3;
	s23 =	sshll.u32 s20, $0x1  }
0x15: {  	s11 =	simm.s32 $0x1600;
	s26 =	smax.u32 s10, $0x1;
	[dreg:$0x6] =	wrdreg s19  }
0x16: {  	s20 =	simm.s32 $0x8ED0;
	s10 =	simm.s32 $0x1E0;
	[dreg:$0x11] =	wrdreg s17  }
0x17: {  	s12 =	simm.s32 $0x230;
	s14 =	sadd.s32 s6, s15;
	[dreg:$0x12] =	wrdreg s26  }
0x18: {  	s5 =	sadd.s32 s6, s5;
	s25 =	sadd.s32 s13, s23;
	[dreg:$0x7] =	wrdreg s24  }
0x19: {  	s11 =	simm.s32 @!p0 $0x3C400;
	s23 =	smul.u32 $0xFA, s18;
	[dreg:$0x8] =	wrdreg s30  }
0x1a: {  	p0 =	sne.s32 s18, $0xF;
	s26 =	simm.s32 $0x2;
	[dreg:$0xb] =	wrdreg s14  }
0x1b: {  	s15 =	simm.s32 $0x52D0;
	s18 =	simm.s32 $0x7AD0;
	[dreg:$0xc] =	wrdreg s5  }
.Ltmp0:
0x1c: {  	s5 =	sadd.s32 s6, s16;
	s6 =	sadd.s32 s6, s22;
	(pc) =	sbr.rel .LBB2_1-.Ltmp0, $4  }
0x1d: {  	[dreg:$0x10] =	wrdreg s25;
	s22 =	sadd.s32 s11, s0;
	s0 =	simm.s32 $0x50  }
0x1e: {  	s16 =	simm.s32 $0x66D0;
	s14 =	simm.s32 $0x280;
	[dreg:$0xd] =	wrdreg s5  }
0x1f: {  	s25 =	simm.s32 $0x2D0;
	[dreg:$0xe] =	wrdreg s6;
	s5 =	sadd.s32 s13, s21  }
0x20: {  	v0 =	vimm.f32 $0.0e+00;
	s11 =	simm.s32 $0x0;
	s21 =	simm.s32 $0xEAD0;
	[dreg:$0xf] =	wrdreg s5  }
.LBB2_16:
0x21: {  	[bflag:$0x0] =	sbarrier.arrive $0xFFFF  }
0x22: {  	s11 =	simm.s32 $0xB6D0;
	s19 =	rddreg [dreg:$0x6]  }
0x23: {  	[tilespmem:s11], [sflag:$0x2] =	stream.linear.gather [spmem:s19], $0x3400, $0x38;
	[tilespmem:$0x1D520] =	vst v63  }
0x24: {  	_ =	swait.ge [sflag:s26], $0x3400  }
0x25: {  	[sflag:s26] =	ssyncset.done $0x0  }
0x26: {  	s5 =	simm.s32 $0x0;
	s6 =	rddreg [dreg:$0xb];
	[sflag:s26] =	ssyncadd.s32 $0xFFFFCC00  }
0x27: {  	[hbm4b:s6+s5] =	stream.linear.scatter [tilespmem:s11], [sflag:$0x2], $0x3400, $0x38;
	[tilespmem:$0x1D520] =	vst v63  }
0x28: {  	_ =	swait.ge [sflag:s26], $0x3400  }
0x29: {  	[sflag:s26] =	ssyncset.done $0x0  }
0x2a: {  	s24 =	rddreg [dreg:$0x7];
	[sflag:s26] =	ssyncadd.s32 $0xFFFFCC00  }
0x2b: {  	[tilespmem:s11], [sflag:$0x2] =	stream.linear.gather [spmem:s24], $0x3400, $0x38;
	[tilespmem:$0x1D520] =	vst v63  }
0x2c: {  	_ =	swait.ge [sflag:s26], $0x3400  }
0x2d: {  	[sflag:s26] =	ssyncset.done $0x0  }
0x2e: {  	s17 =	rddreg [dreg:$0xc];
	[sflag:s26] =	ssyncadd.s32 $0xFFFFCC00  }
0x2f: {  	[hbm4b:s17+s5] =	stream.linear.scatter [tilespmem:s11], [sflag:$0x2], $0x3400, $0x38;
	[tilespmem:$0x1D520] =	vst v63  }
0x30: {  	_ =	swait.ge [sflag:s26], $0x3400  }
0x31: {  	[sflag:s26] =	ssyncset.done $0x0  }
0x32: {  	s30 =	rddreg [dreg:$0x8];
	[sflag:s26] =	ssyncadd.s32 $0xFFFFCC00  }
0x33: {  	[tilespmem:s11], [sflag:$0x2] =	stream.linear.gather [spmem:s30], $0x3400, $0x38;
	[tilespmem:$0x1D520] =	vst v63  }
0x34: {  	_ =	swait.ge [sflag:s26], $0x3400  }
0x35: {  	[sflag:s26] =	ssyncset.done $0x0  }
0x36: {  	s21 =	rddreg [dreg:$0xd];
	[sflag:s26] =	ssyncadd.s32 $0xFFFFCC00  }
0x37: {  	[hbm4b:s21+s5] =	stream.linear.scatter [tilespmem:s11], [sflag:$0x2], $0x3400, $0x38;
	[tilespmem:$0x1D520] =	vst v63  }
0x38: {  	_ =	swait.ge [sflag:s26], $0x3400  }
0x39: {  	[sflag:s26] =	ssyncset.done $0x0  }
0x3a: {  	s13 =	simm.s32 $0xEAD0;
	s11 =	rddreg [dreg:$0x9];
	[sflag:s26] =	ssyncadd.s32 $0xFFFFCC00  }
0x3b: {  	[tilespmem:s13], [sflag:$0x2] =	stream.linear.gather [spmem:s11], $0x2700, $0x38;
	[tilespmem:$0x1D520] =	vst v63  }
0x3c: {  	_ =	swait.ge [sflag:s26], $0x2700  }
0x3d: {  	[sflag:s26] =	ssyncset.done $0x0  }
0x3e: {  	s17 =	rddreg [dreg:$0xf];
	[sflag:s26] =	ssyncadd.s32 $0xFFFFD900  }
0x3f: {  	[hbm4b:s17+s5] =	stream.linear.scatter [tilespmem:s13], [sflag:$0x2], $0x2700, $0x38;
	[tilespmem:$0x1D520] =	vst v63  }
0x40: {  	_ =	swait.ge [sflag:s26], $0x2700  }
0x41: {  	[sflag:s26] =	ssyncset.done $0x0  }
0x42: {  	s5 =	simm.s32 @!p0 $0xB6D0;
	s6 =	rddreg [dreg:$0xa];
	[sflag:s26] =	ssyncadd.s32 $0xFFFFD900  }
0x43: {  	[tilespmem:s5], [sflag:$0x2] =	stream.linear.gather @!p0 [spmem:s6], $0x400, $0x38;
	[tilespmem:$0x1D520] =	vst v63  }
0x44: {  	s6 =	simm.s32 @!p0 $0x2  }
0x45: {  	_ =	swait.ge @!p0 [sflag:s6], $0x400  }
0x46: {  	[sflag:s6] =	ssyncset.done @!p0 $0x0  }
0x47: {  	s11 =	simm.s32 @!p0 $0x0;
	s13 =	rddreg [dreg:$0xe];
	[sflag:s6] =	ssyncadd.s32 @!p0 $0xFFFFFC00  }
0x48: {  	[hbm4b:s13+s11] =	stream.linear.scatter @!p0 [tilespmem:s5], [sflag:$0x2], $0x400, $0x38;
	[tilespmem:$0x1D520] =	vst v63  }
0x49: {  	_ =	swait.ge @!p0 [sflag:s6], $0x400  }
0x4a: {  	[sflag:s6] =	ssyncset.done @!p0 $0x0  }
0x4b: {  	s5 =	simm.s32 @!p0 $0xEAD0;
	s17 =	rddreg [dreg:$0x11];
	[sflag:s6] =	ssyncadd.s32 @!p0 $0xFFFFFC00  }
0x4c: {  	[tilespmem:s5], [sflag:$0x2] =	stream.linear.gather @!p0 [spmem:s17], $0x100, $0x38;
	[tilespmem:$0x1D520] =	vst v63  }
0x4d: {  	_ =	swait.ge @!p0 [sflag:s6], $0x100  }
0x4e: {  	[sflag:s6] =	ssyncset.done @!p0 $0x0  }
0x4f: {  	s13 =	rddreg [dreg:$0x10];
	[sflag:s6] =	ssyncadd.s32 @!p0 $0xFFFFFF00  }
0x50: {  	[hbm4b:s13+s11] =	stream.linear.scatter @!p0 [tilespmem:s5], [sflag:$0x2], $0x100, $0x38;
	[tilespmem:$0x1D520] =	vst v63  }
0x51: {  	_ =	swait.ge @!p0 [sflag:s6], $0x100  }
0x52: {  	s5 =	rddreg [dreg:$0x13]  }
0x53: {  	s13 =	rddreg [dreg:$0x12];
	s11 =	sadd.s32 $0x1, s5  }
0x54: {  	p2 =	sne.s32 s11, s13  }
.Ltmp1:
0x55: {  	_ = 	snop;
	(pc) =	sbr.rel @!p2 .LBB2_17-.Ltmp1, $3  }
0x56: {  	_ =	sdelay $0x1  }
0x57: {  	[sflag:s6] =	ssyncset.done @!p0 $0x0  }
0x58: {  	s21 =	simm.s32 $0xEAD0;
	[sflag:s6] =	ssyncadd.s32 @!p0 $0xFFFFFF00  }
.LBB2_1:
0x59: {  	s5 =	simm.s32 $0x0  }
.LBB2_2:
0x5a: {  	p2 =	sne.s32 s5, $0xCF00  }
.Ltmp2:
0x5b: {  	s6 =	sshra.s32 s5, $0x2;
	(pc) =	sbr.rel @p2 .LBB2_2-.Ltmp2, $4  }
0x5c: {  	[tilespmem:s6+$0xB6D0] =	vst v0  }
0x5d: {  	[tilespmem:s6+$0xB6E0] =	vst v0  }
0x5e: {  	[tilespmem:s6+$0xB6F0] =	vst v0  }
0x5f: {  	s5 =	sadd.s32 $0x100, s5;
	[tilespmem:s6+$0xB700] =	vst v0  }
0x60: {  	s5 =	simm.s32 $0x40;
	s6 =	simm.s32 $0x0  }
.LBB2_4:
0x61: {  	p2 =	sne.s32 s5, $0x9BC0;
	[tilespmem:s6+$0xEAD0] =	vst v0;
	s6 =	smov.u32 s5;
	s5 =	sadd.s32 $0x40, s5  }
.Ltmp3:
0x62: {  	(pc) =	sbr.rel @p2 .LBB2_4-.Ltmp3, $2  }
0x63: {  	_ =	sdelay $0x2  }
0x64: {  	s6 =	sshra.s32 s6, $0x2  }
0x65: {  	[dreg:$0x13] =	wrdreg s11;
	[tilespmem:s6+$0xEAD0] =	vst v0;
	s5 =	simm.s32 $0xB6D0  }
0x66: {  	[spmem:s19] =	stream.linear.scatter [tilespmem:s5], [sflag:$0x2], $0x3400, $0x38;
	[tilespmem:$0x1D520] =	vst v63  }
0x67: {  	_ =	swait.ge [sflag:s26], $0x3400  }
0x68: {  	[sflag:s26] =	ssyncset.done $0x0  }
0x69: {  	[sflag:s26] =	ssyncadd.s32 $0xFFFFCC00  }
0x6a: {  	[spmem:s24] =	stream.linear.scatter [tilespmem:s5], [sflag:$0x2], $0x3400, $0x38;
	[tilespmem:$0x1D520] =	vst v63  }
0x6b: {  	_ =	swait.ge [sflag:s26], $0x3400  }
0x6c: {  	[sflag:s26] =	ssyncset.done $0x0  }
0x6d: {  	[sflag:s26] =	ssyncadd.s32 $0xFFFFCC00  }
0x6e: {  	[spmem:s30] =	stream.linear.scatter [tilespmem:s5], [sflag:$0x2], $0x3400, $0x38;
	[tilespmem:$0x1D520] =	vst v63  }
0x6f: {  	_ =	swait.ge [sflag:s26], $0x3400  }
0x70: {  	[sflag:s26] =	ssyncset.done $0x0  }
0x71: {  	s24 =	rddreg [dreg:$0x9];
	[sflag:s26] =	ssyncadd.s32 $0xFFFFCC00  }
0x72: {  	[spmem:s24] =	stream.linear.scatter [tilespmem:s21], [sflag:$0x2], $0x2700, $0x38;
	[tilespmem:$0x1D520] =	vst v63  }
0x73: {  	_ =	swait.ge [sflag:s26], $0x2700  }
0x74: {  	[sflag:s26] =	ssyncset.done $0x0  }
0x75: {  	s5 =	simm.s32 @!p0 $0xB6D0;
	s6 =	rddreg [dreg:$0xa];
	[sflag:s26] =	ssyncadd.s32 $0xFFFFD900  }
0x76: {  	[spmem:s6] =	stream.linear.scatter @!p0 [tilespmem:s5], [sflag:$0x2], $0x400, $0x38;
	[tilespmem:$0x1D520] =	vst v63  }
0x77: {  	s5 =	simm.s32 @!p0 $0x2  }
0x78: {  	_ =	swait.ge @!p0 [sflag:s5], $0x400  }
0x79: {  	[sflag:s5] =	ssyncset.done @!p0 $0x0  }
0x7a: {  	s6 =	simm.s32 @!p0 $0xEAD0;
	[sflag:s5] =	ssyncadd.s32 @!p0 $0xFFFFFC00  }
0x7b: {  	[spmem:s17] =	stream.linear.scatter @!p0 [tilespmem:s6], [sflag:$0x2], $0x100, $0x38;
	[tilespmem:$0x1D520] =	vst v63  }
.Ltmp4:
0x7c: {  	_ =	swait.ge @!p0 [sflag:s5], $0x100;
	(pc) =	sbr.rel .LBB2_6-.Ltmp4, $4  }
0x7d: {  	[sflag:s5] =	ssyncset.done @!p0 $0x0  }
0x7e: {  	[sflag:s5] =	ssyncadd.s32 @!p0 $0xFFFFFF00  }
0x7f: {  	[bflag:$0x0] =	sbarrier.arrive $0xFFFF  }
0x80: {  	s30 =	simm.s32 $0x0;
	s21 =	simm.s32 $0x320;
	s6 =	simm.s32 $0x0  }
.LBB2_15:
0x81: {  	[spmem:s3] =	stream.indirect.scatter.add.f32 [tilespmem:s15], [sflag:$0x1], $0x40, s29, s0, $0xb8;
	[tilespmem:$0x1D520] =	vst v63  }
0x82: {  	_ = 	snop  }
0x83: {  	[spmem:s3] =	stream.indirect.scatter.add.f32 [tilespmem:s16], [sflag:$0x1], $0x40, s10, s0, $0xb8;
	[tilespmem:$0x1D520] =	vst v63  }
0x84: {  	_ = 	snop  }
0x85: {  	[spmem:s3] =	stream.indirect.scatter.add.f32 [tilespmem:s18], [sflag:$0x1], $0x40, s12, s0, $0xb8;
	[tilespmem:$0x1D520] =	vst v63  }
0x86: {  	_ = 	snop  }
0x87: {  	[spmem:s3] =	stream.indirect.scatter.add.f32 [tilespmem:s20], [sflag:$0x1], $0x40, s14, s0, $0xb8;
	[tilespmem:$0x1D520] =	vst v63  }
0x88: {  	_ = 	snop  }
0x89: {  	[spmem:s3] =	stream.indirect.scatter.add.f32 [tilespmem:s28], [sflag:$0x1], $0x40, s25, s0, $0xb8;
	[tilespmem:$0x1D520] =	vst v63  }
0x8a: {  	_ =	swait.ge [sflag:s31], $0x500  }
0x8b: {  	[sflag:s31] =	ssyncset.done $0x0  }
0x8c: {  	[sflag:s31] =	ssyncadd.s32 $0xFFFFFB00  }
0x8d: {  	_ =	swait.ge [sflag:s31], $0x500  }
0x8e: {  	[sflag:s31] =	ssyncset.done $0x0  }
0x8f: {  	[sflag:s31] =	ssyncadd.s32 $0xFFFFFB00  }
0x90: {  	_ =	swait.ge [sflag:s31], $0x500  }
0x91: {  	[sflag:s31] =	ssyncset.done $0x0  }
0x92: {  	[sflag:s31] =	ssyncadd.s32 $0xFFFFFB00  }
0x93: {  	_ =	swait.ge [sflag:s31], $0x500  }
0x94: {  	[sflag:s31] =	ssyncset.done $0x0  }
0x95: {  	[sflag:s31] =	ssyncadd.s32 $0xFFFFFB00  }
0x96: {  	_ =	swait.ge [sflag:s31], $0x500  }
0x97: {  	[sflag:s31] =	ssyncset.done $0x0  }
0x98: {  	[sflag:s31] =	ssyncadd.s32 $0xFFFFFB00  }
0x99: {  	_ =	swait.ge [sflag:s31], $0x1400  }
0x9a: {  	[sflag:s31] =	ssyncset.done $0x0  }
0x9b: {  	[sflag:s31] =	ssyncadd.s32 $0xFFFFEC00  }
0x9c: {  	_ =	swait.ge [sflag:s31], $0x1400  }
0x9d: {  	[sflag:s31] =	ssyncset.done $0x0  }
0x9e: {  	[sflag:s31] =	ssyncadd.s32 $0xFFFFEC00  }
0x9f: {  	_ =	swait.ge [sflag:s31], $0x1400  }
0xa0: {  	[sflag:s31] =	ssyncset.done $0x0  }
0xa1: {  	s6 =	sadd.s32 $0x1, s6;
	[sflag:s31] =	ssyncadd.s32 $0xFFFFEC00  }
0xa2: {  	p2 =	sne.s32 s6, $0x32;
	_ =	swait.ge [sflag:s31], $0x1400  }
.Ltmp5:
0xa3: {  	[sflag:s31] =	ssyncset.done $0x0;
	(pc) =	sbr.rel @!p2 .LBB2_16-.Ltmp5, $4  }
0xa4: {  	[sflag:s31] =	ssyncadd.s32 $0xFFFFEC00  }
0xa5: {  	_ =	swait.ge [sflag:s31], $0x1400  }
0xa6: {  	[sflag:s31] =	ssyncset.done $0x0  }
0xa7: {  	[sflag:s31] =	ssyncadd.s32 $0xFFFFEC00  }
.LBB2_6:
0xa8: {  	s5 =	smul.u32 $0x5, s6;
	_ =	sdelay $0x1  }
0xa9: {  	s5 =	sadd.s32 s23, s5  }
0xaa: {  	s5 =	smul.u32 $0xA, s5;
	_ =	sdelay $0x1  }
0xab: {  	s11 =	sadd.s32 s7, s5  }
0xac: {  	[tilespmem:s30], [sflag:$0x1] =	stream.linear.gather [hbm4b:s11+s30], $0x190, $0x38;
	[tilespmem:$0x1D520] =	vst v63  }
0xad: {  	s17 =	rddreg [dreg:$0x1];
	s13 =	sadd.s32 s8, s5  }
0xae: {  	[tilespmem:s29], [sflag:$0x1] =	stream.linear.gather [hbm4b:s13+s30], $0x190, $0x38;
	[tilespmem:$0x1D520] =	vst v63  }
0xaf: {  	s5 =	sadd.s32 s17, s5  }
0xb0: {  	[tilespmem:s21], [sflag:$0x1] =	stream.linear.gather [hbm4b:s5+s30], $0x190, $0x38;
	[tilespmem:$0x1D520] =	vst v63  }
0xb1: {  	_ =	swait.ge [sflag:s31], $0x190  }
0xb2: {  	[sflag:s31] =	ssyncset.done $0x0  }
0xb3: {  	[sflag:s31] =	ssyncadd.s32 $0xFFFFFE70  }
0xb4: {  	_ =	swait.ge [sflag:s31], $0x190  }
0xb5: {  	[sflag:s31] =	ssyncset.done $0x0  }
0xb6: {  	[sflag:s31] =	ssyncadd.s32 $0xFFFFFE70  }
0xb7: {  	_ =	swait.ge [sflag:s31], $0x190  }
0xb8: {  	[sflag:s31] =	ssyncset.done $0x0  }
0xb9: {  	[sflag:s31] =	ssyncadd.s32 $0xFFFFFE70  }
0xba: {  	v1 =	vld [tilespmem:$0x190]  }
0xbb: {  	v2 =	vld [tilespmem:$0x320]  }
0xbc: {  	v3 =	vld [tilespmem:$0x0]  }
0xbd: {  	v4 =	vld [tilespmem:$0x320]  }
0xbe: {  	v5 =	vld [tilespmem:$0x1A0]  }
0xbf: {  	v6 =	vld [tilespmem:$0x330]  }
0xc0: {  	v7 =	vld [tilespmem:$0x10]  }
0xc1: {  	v8 =	vld [tilespmem:$0x330]  }
0xc2: {  	v9 =	vld [tilespmem:$0x1B0]  }
0xc3: {  	v10 =	vld [tilespmem:$0x340]  }
0xc4: {  	v11 =	vld [tilespmem:$0x20]  }
0xc5: {  	v12 =	vld [tilespmem:$0x340]  }
0xc6: {  	v13 =	vld [tilespmem:$0x1C0]  }
0xc7: {  	v14 =	vld [tilespmem:$0x350]  }
0xc8: {  	v15 =	vld [tilespmem:$0x30]  }
0xc9: {  	v16 =	vld [tilespmem:$0x350]  }
0xca: {  	v17 =	vld [tilespmem:$0x1D0]  }
0xcb: {  	v18 =	vld [tilespmem:$0x360]  }
0xcc: {  	v19 =	vld [tilespmem:$0x40]  }
0xcd: {  	v20 =	vld [tilespmem:$0x360]  }
0xce: {  	v21 =	vld [tilespmem:$0x1E0]  }
0xcf: {  	v22 =	vld [tilespmem:$0x370]  }
0xd0: {  	v23 =	vld [tilespmem:$0x50]  }
0xd1: {  	v24 =	vld [tilespmem:$0x370]  }
0xd2: {  	v25 =	vld [tilespmem:$0x1F0]  }
0xd3: {  	v26 =	vld [tilespmem:$0x380]  }
0xd4: {  	v27 =	vld [tilespmem:$0x60]  }
0xd5: {  	v28 =	vld [tilespmem:$0x380]  }
0xd6: {  	v29 =	vld [tilespmem:$0x200]  }
0xd7: {  	v30 =	vld [tilespmem:$0x390]  }
0xd8: {  	v31 =	vld [tilespmem:$0x70]  }
0xd9: {  	v32 =	vld [tilespmem:$0x390]  }
0xda: {  	v33 =	vld [tilespmem:$0x210]  }
0xdb: {  	v34 =	vld [tilespmem:$0x3A0]  }
0xdc: {  	v35 =	vld [tilespmem:$0x80]  }
0xdd: {  	v36 =	vld [tilespmem:$0x3A0]  }
0xde: {  	v37 =	vld [tilespmem:$0x220]  }
0xdf: {  	v38 =	vld [tilespmem:$0x3B0]  }
0xe0: {  	v39 =	vld [tilespmem:$0x90]  }
0xe1: {  	v40 =	vld [tilespmem:$0x3B0]  }
0xe2: {  	v41 =	vld [tilespmem:$0x230]  }
0xe3: {  	v42 =	vld [tilespmem:$0x3C0]  }
0xe4: {  	v43 =	vld [tilespmem:$0xA0]  }
0xe5: {  	v44 =	vld [tilespmem:$0x3C0]  }
0xe6: {  	v45 =	vld [tilespmem:$0x240]  }
0xe7: {  	v46 =	vld [tilespmem:$0x3D0]  }
0xe8: {  	v47 =	vld [tilespmem:$0xB0]  }
0xe9: {  	v48 =	vld [tilespmem:$0x3D0]  }
0xea: {  	v49 =	vld [tilespmem:$0x250]  }
0xeb: {  	v50 =	vld [tilespmem:$0x3E0]  }
0xec: {  	v51 =	vld [tilespmem:$0xC0]  }
0xed: {  	v52 =	vld [tilespmem:$0x3E0]  }
0xee: {  	v53 =	vld [tilespmem:$0x260]  }
0xef: {  	v54 =	vld [tilespmem:$0x3F0]  }
0xf0: {  	v55 =	vld [tilespmem:$0xD0];
	v1 =	vshll.u32 v1, $0x2  }
0xf1: {  	v56 =	vld [tilespmem:$0xF0];
	v1 =	vadd.s32 v2, v1;
	v2 =	vshll.u32 v3, $0x2  }
0xf2: {  	v57 =	vld [tilespmem:$0x410];
	[tilespmem:$0x4B0] =	vst v1;
	v1 =	vadd.s32 v4, v2;
	v2 =	vshll.u32 v5, $0x2  }
0xf3: {  	v58 =	vld [tilespmem:$0x290];
	[tilespmem:$0x640] =	vst v1;
	v1 =	vadd.s32 v6, v2;
	v2 =	vshll.u32 v7, $0x2  }
0xf4: {  	v59 =	vld [tilespmem:$0x420];
	[tilespmem:$0x4C0] =	vst v1;
	v1 =	vadd.s32 v8, v2;
	v2 =	vshll.u32 v9, $0x2  }
0xf5: {  	v60 =	vld [tilespmem:$0x100];
	[tilespmem:$0x650] =	vst v1;
	v1 =	vadd.s32 v10, v2;
	v2 =	vshll.u32 v11, $0x2  }
0xf6: {  	v61 =	vld [tilespmem:$0x420];
	[tilespmem:$0x4D0] =	vst v1;
	v1 =	vadd.s32 v12, v2;
	v2 =	vshll.u32 v13, $0x2  }
0xf7: {  	v62 =	vld [tilespmem:$0x2A0];
	[tilespmem:$0x660] =	vst v1;
	v1 =	vadd.s32 v14, v2;
	v2 =	vshll.u32 v15, $0x2  }
0xf8: {  	v63 =	vld [tilespmem:$0x430];
	[tilespmem:$0x4E0] =	vst v1;
	v1 =	vadd.s32 v16, v2;
	v2 =	vshll.u32 v17, $0x2  }
0xf9: {  	v3 =	vld [tilespmem:$0x3F0];
	[tilespmem:$0x670] =	vst v1;
	v1 =	vadd.s32 v18, v2;
	v2 =	vshll.u32 v19, $0x2  }
0xfa: {  	v4 =	vld [tilespmem:$0x270];
	[tilespmem:$0x4F0] =	vst v1;
	v1 =	vadd.s32 v20, v2;
	v2 =	vshll.u32 v21, $0x2  }
0xfb: {  	v5 =	vld [tilespmem:$0x400];
	[tilespmem:$0x680] =	vst v1;
	v1 =	vadd.s32 v22, v2;
	v2 =	vshll.u32 v23, $0x2  }
0xfc: {  	v6 =	vld [tilespmem:$0xE0];
	[tilespmem:$0x500] =	vst v1;
	v1 =	vadd.s32 v24, v2;
	v2 =	vshll.u32 v25, $0x2  }
0xfd: {  	v7 =	vld [tilespmem:$0x400];
	[tilespmem:$0x690] =	vst v1;
	v1 =	vadd.s32 v26, v2;
	v2 =	vshll.u32 v27, $0x2  }
0xfe: {  	v8 =	vld [tilespmem:$0x280];
	[tilespmem:$0x510] =	vst v1;
	v1 =	vadd.s32 v28, v2;
	v2 =	vshll.u32 v29, $0x2  }
0xff: {  	v9 =	vld [tilespmem:$0x410];
	[tilespmem:$0x6A0] =	vst v1;
	v1 =	vadd.s32 v30, v2;
	v2 =	vshll.u32 v31, $0x2  }
0x100: {  	[tilespmem:$0x520] =	vst v1;
	v1 =	vadd.s32 v32, v2;
	v2 =	vshll.u32 v33, $0x2;
	v33 =	vld [tilespmem:$0x110]  }
0x101: {  	[tilespmem:$0x6B0] =	vst v1;
	v1 =	vadd.s32 v34, v2;
	v2 =	vshll.u32 v35, $0x2;
	v35 =	vld [tilespmem:$0x430]  }
0x102: {  	[tilespmem:$0x530] =	vst v1;
	v1 =	vadd.s32 v36, v2;
	v2 =	vshll.u32 v37, $0x2;
	v37 =	vld [tilespmem:$0x2B0]  }
0x103: {  	[tilespmem:$0x6C0] =	vst v1;
	v1 =	vadd.s32 v38, v2;
	v2 =	vshll.u32 v39, $0x2;
	v39 =	vld [tilespmem:$0x440]  }
0x104: {  	[tilespmem:$0x540] =	vst v1;
	v1 =	vadd.s32 v40, v2;
	v2 =	vshll.u32 v41, $0x2;
	v41 =	vld [tilespmem:$0x120]  }
0x105: {  	[tilespmem:$0x6D0] =	vst v1;
	v1 =	vadd.s32 v42, v2;
	v2 =	vshll.u32 v43, $0x2;
	v43 =	vld [tilespmem:$0x440]  }
0x106: {  	[tilespmem:$0x550] =	vst v1;
	v1 =	vadd.s32 v44, v2;
	v2 =	vshll.u32 v45, $0x2;
	v45 =	vld [tilespmem:$0x2C0]  }
0x107: {  	[tilespmem:$0x6E0] =	vst v1;
	v1 =	vadd.s32 v46, v2;
	v2 =	vshll.u32 v47, $0x2;
	v47 =	vld [tilespmem:$0x450]  }
0x108: {  	[tilespmem:$0x560] =	vst v1;
	v1 =	vadd.s32 v48, v2;
	v2 =	vshll.u32 v49, $0x2;
	v49 =	vld [tilespmem:$0x130]  }
0x109: {  	[tilespmem:$0x6F0] =	vst v1;
	v1 =	vadd.s32 v50, v2;
	v2 =	vshll.u32 v51, $0x2;
	v51 =	vld [tilespmem:$0x450]  }
0x10a: {  	[tilespmem:$0x570] =	vst v1;
	v1 =	vadd.s32 v52, v2;
	v2 =	vshll.u32 v53, $0x2;
	v53 =	vld [tilespmem:$0x2D0]  }
0x10b: {  	[tilespmem:$0x700] =	vst v1;
	v1 =	vadd.s32 v54, v2;
	v2 =	vshll.u32 v55, $0x2;
	v55 =	vld [tilespmem:$0x460]  }
0x10c: {  	[tilespmem:$0x580] =	vst v1;
	v1 =	vadd.s32 v3, v2;
	v2 =	vshll.u32 v4, $0x2;
	v3 =	vld [tilespmem:$0x140]  }
0x10d: {  	v4 =	vld [tilespmem:$0x460];
	[tilespmem:$0x710] =	vst v1;
	v1 =	vadd.s32 v5, v2;
	v2 =	vshll.u32 v6, $0x2  }
0x10e: {  	v5 =	vld [tilespmem:$0x2E0];
	[tilespmem:$0x590] =	vst v1;
	v1 =	vadd.s32 v7, v2;
	v2 =	vshll.u32 v8, $0x2  }
0x10f: {  	v6 =	vld [tilespmem:$0x470];
	[tilespmem:$0x720] =	vst v1;
	v1 =	vadd.s32 v9, v2;
	v2 =	vshll.u32 v56, $0x2  }
0x110: {  	v7 =	vld [tilespmem:$0x150];
	[tilespmem:$0x5A0] =	vst v1;
	v1 =	vadd.s32 v57, v2;
	v2 =	vshll.u32 v58, $0x2  }
0x111: {  	v56 =	vld [tilespmem:$0x470];
	[tilespmem:$0x730] =	vst v1;
	v1 =	vadd.s32 v59, v2;
	v2 =	vshll.u32 v60, $0x2  }
0x112: {  	v57 =	vld [tilespmem:$0x2F0];
	[tilespmem:$0x5B0] =	vst v1;
	v1 =	vadd.s32 v61, v2;
	v2 =	vshll.u32 v62, $0x2  }
0x113: {  	v58 =	vld [tilespmem:$0x480];
	[tilespmem:$0x740] =	vst v1;
	v1 =	vadd.s32 v63, v2;
	v2 =	vshll.u32 v33, $0x2  }
0x114: {  	v59 =	vld [tilespmem:$0x160];
	[tilespmem:$0x5C0] =	vst v1;
	v1 =	vadd.s32 v35, v2;
	v2 =	vshll.u32 v37, $0x2  }
0x115: {  	v60 =	vld [tilespmem:$0x480];
	[tilespmem:$0x750] =	vst v1;
	v1 =	vadd.s32 v39, v2;
	v2 =	vshll.u32 v41, $0x2  }
0x116: {  	v61 =	vld [tilespmem:$0x300];
	[tilespmem:$0x5D0] =	vst v1;
	v1 =	vadd.s32 v43, v2;
	v2 =	vshll.u32 v45, $0x2  }
0x117: {  	v62 =	vld [tilespmem:$0x490];
	[tilespmem:$0x760] =	vst v1;
	v1 =	vadd.s32 v47, v2;
	v2 =	vshll.u32 v49, $0x2  }
0x118: {  	v63 =	vld [tilespmem:$0x170];
	[tilespmem:$0x5E0] =	vst v1;
	v1 =	vadd.s32 v51, v2;
	v2 =	vshll.u32 v53, $0x2  }
0x119: {  	[tilespmem:$0x770] =	vst v1;
	v1 =	vadd.s32 v55, v2;
	v2 =	vshll.u32 v3, $0x2;
	v3 =	vld [tilespmem:$0x490]  }
0x11a: {  	[tilespmem:$0x5F0] =	vst v1;
	v1 =	vadd.s32 v4, v2;
	v2 =	vshll.u32 v5, $0x2;
	v4 =	vld [tilespmem:$0x310]  }
0x11b: {  	v5 =	vld [tilespmem:$0x4A0];
	[tilespmem:$0x780] =	vst v1;
	v1 =	vadd.s32 v6, v2;
	v2 =	vshll.u32 v7, $0x2  }
0x11c: {  	v6 =	vld [tilespmem:$0x180];
	[tilespmem:$0x600] =	vst v1;
	v1 =	vadd.s32 v56, v2;
	v2 =	vshll.u32 v57, $0x2  }
0x11d: {  	v7 =	vld [tilespmem:$0x4A0];
	[tilespmem:$0x790] =	vst v1;
	v1 =	vadd.s32 v58, v2;
	v2 =	vshll.u32 v59, $0x2  }
0x11e: {  	[tilespmem:$0x610] =	vst v1;
	v1 =	vadd.s32 v60, v2;
	v2 =	vshll.u32 v61, $0x2  }
0x11f: {  	[tilespmem:$0x7A0] =	vst v1;
	v1 =	vadd.s32 v62, v2;
	v2 =	vshll.u32 v63, $0x2  }
0x120: {  	[tilespmem:$0x620] =	vst v1;
	v1 =	vadd.s32 v3, v2;
	v2 =	vshll.u32 v4, $0x2  }
0x121: {  	[tilespmem:$0x7B0] =	vst v1;
	v1 =	vadd.s32 v5, v2;
	v2 =	vshll.u32 v6, $0x2  }
0x122: {  	[tilespmem:$0x630] =	vst v1;
	v1 =	vadd.s32 v7, v2  }
0x123: {  	s19 =	simm.s32 $0x4B0;
	s24 =	simm.s32 $0x7D0;
	[tilespmem:$0x7C0] =	vst v1  }
0x124: {  	[tilespmem:s24], [sflag:$0x1] =	stream.indirect.gather [hbm4b:s2+s0], $0x10, s19, s0, $0xb8;
	[tilespmem:$0x1D520] =	vst v63  }
0x125: {  	s17 =	simm.s32 $0x20D0;
	s13 =	simm.s32 $0x640  }
0x126: {  	[tilespmem:s17], [sflag:$0x1] =	stream.indirect.gather [hbm4b:s9+s0], $0x10, s13, s0, $0xb8;
	[tilespmem:$0x1D520] =	vst v63  }
0x127: {  	s19 =	simm.s32 $0x500;
	s24 =	simm.s32 $0xCD0  }
0x128: {  	[tilespmem:s24], [sflag:$0x1] =	stream.indirect.gather [hbm4b:s2+s0], $0x10, s19, s0, $0xb8;
	[tilespmem:$0x1D520] =	vst v63  }
0x129: {  	s13 =	simm.s32 $0x690;
	s17 =	simm.s32 $0x25D0  }
0x12a: {  	[tilespmem:s17], [sflag:$0x1] =	stream.indirect.gather [hbm4b:s9+s0], $0x10, s13, s0, $0xb8;
	[tilespmem:$0x1D520] =	vst v63  }
0x12b: {  	s19 =	simm.s32 $0x550;
	s24 =	simm.s32 $0x11D0  }
0x12c: {  	[tilespmem:s24], [sflag:$0x1] =	stream.indirect.gather [hbm4b:s2+s0], $0x10, s19, s0, $0xb8;
	[tilespmem:$0x1D520] =	vst v63  }
0x12d: {  	s13 =	simm.s32 $0x6E0;
	s17 =	simm.s32 $0x2AD0  }
0x12e: {  	[tilespmem:s17], [sflag:$0x1] =	stream.indirect.gather [hbm4b:s9+s0], $0x10, s13, s0, $0xb8;
	[tilespmem:$0x1D520] =	vst v63  }
0x12f: {  	s19 =	simm.s32 $0x5A0;
	s24 =	simm.s32 $0x16D0  }
0x130: {  	[tilespmem:s24], [sflag:$0x1] =	stream.indirect.gather [hbm4b:s2+s0], $0x10, s19, s0, $0xb8;
	[tilespmem:$0x1D520] =	vst v63  }
0x131: {  	s13 =	simm.s32 $0x730;
	s17 =	simm.s32 $0x2FD0  }
0x132: {  	[tilespmem:s17], [sflag:$0x1] =	stream.indirect.gather [hbm4b:s9+s0], $0x10, s13, s0, $0xb8;
	[tilespmem:$0x1D520] =	vst v63  }
0x133: {  	s19 =	simm.s32 $0x5F0;
	s24 =	simm.s32 $0x1BD0  }
0x134: {  	[tilespmem:s24], [sflag:$0x1] =	stream.indirect.gather [hbm4b:s2+s0], $0x10, s19, s0, $0xb8;
	[tilespmem:$0x1D520] =	vst v63  }
0x135: {  	s11 =	simm.s32 $0x780;
	s13 =	simm.s32 $0x34D0  }
0x136: {  	[tilespmem:s13], [sflag:$0x1] =	stream.indirect.gather [hbm4b:s9+s0], $0x10, s11, s0, $0xb8;
	[tilespmem:$0x1D520] =	vst v63  }
0x137: {  	_ = 	snop  }
0x138: {  	[tilespmem:s15], [sflag:$0x1] =	stream.indirect.gather [hbm4b:s22+s0], $0x40, s30, s0, $0xb8;
	[tilespmem:$0x1D520] =	vst v63  }
0x139: {  	_ = 	snop  }
0x13a: {  	[tilespmem:s16], [sflag:$0x1] =	stream.indirect.gather [hbm4b:s22+s0], $0x40, s0, s0, $0xb8;
	[tilespmem:$0x1D520] =	vst v63  }
0x13b: {  	s17 =	simm.s32 $0xA0  }
0x13c: {  	[tilespmem:s18], [sflag:$0x1] =	stream.indirect.gather [hbm4b:s22+s0], $0x40, s17, s0, $0xb8;
	[tilespmem:$0x1D520] =	vst v63  }
0x13d: {  	s19 =	simm.s32 $0xF0  }
0x13e: {  	[tilespmem:s20], [sflag:$0x1] =	stream.indirect.gather [hbm4b:s22+s0], $0x40, s19, s0, $0xb8;
	[tilespmem:$0x1D520] =	vst v63  }
0x13f: {  	s24 =	simm.s32 $0x140  }
0x140: {  	[tilespmem:s28], [sflag:$0x1] =	stream.indirect.gather [hbm4b:s22+s0], $0x40, s24, s0, $0xb8;
	[tilespmem:$0x1D520] =	vst v63  }
0x141: {  	_ =	swait.ge [sflag:s31], $0x1400  }
0x142: {  	[sflag:s31] =	ssyncset.done $0x0  }
0x143: {  	[sflag:s31] =	ssyncadd.s32 $0xFFFFEC00  }
0x144: {  	_ =	swait.ge [sflag:s31], $0x1400  }
0x145: {  	[sflag:s31] =	ssyncset.done $0x0  }
0x146: {  	[sflag:s31] =	ssyncadd.s32 $0xFFFFEC00  }
0x147: {  	_ =	swait.ge [sflag:s31], $0x1400  }
0x148: {  	[sflag:s31] =	ssyncset.done $0x0  }
0x149: {  	[sflag:s31] =	ssyncadd.s32 $0xFFFFEC00  }
0x14a: {  	_ =	swait.ge [sflag:s31], $0x1400  }
0x14b: {  	[sflag:s31] =	ssyncset.done $0x0  }
0x14c: {  	[sflag:s31] =	ssyncadd.s32 $0xFFFFEC00  }
0x14d: {  	_ =	swait.ge [sflag:s31], $0x1400  }
0x14e: {  	[sflag:s31] =	ssyncset.done $0x0  }
0x14f: {  	[sflag:s31] =	ssyncadd.s32 $0xFFFFEC00  }
0x150: {  	_ =	swait.ge [sflag:s31], $0x500  }
0x151: {  	[sflag:s31] =	ssyncset.done $0x0  }
0x152: {  	[sflag:s31] =	ssyncadd.s32 $0xFFFFFB00  }
0x153: {  	_ =	swait.ge [sflag:s31], $0x500  }
0x154: {  	[sflag:s31] =	ssyncset.done $0x0  }
0x155: {  	[sflag:s31] =	ssyncadd.s32 $0xFFFFFB00  }
0x156: {  	_ =	swait.ge [sflag:s31], $0x500  }
0x157: {  	[sflag:s31] =	ssyncset.done $0x0  }
0x158: {  	[sflag:s31] =	ssyncadd.s32 $0xFFFFFB00  }
0x159: {  	_ =	swait.ge [sflag:s31], $0x500  }
0x15a: {  	[sflag:s31] =	ssyncset.done $0x0  }
0x15b: {  	[sflag:s31] =	ssyncadd.s32 $0xFFFFFB00  }
0x15c: {  	_ =	swait.ge [sflag:s31], $0x500  }
0x15d: {  	[sflag:s31] =	ssyncset.done $0x0  }
0x15e: {  	[sflag:s31] =	ssyncadd.s32 $0xFFFFFB00  }
0x15f: {  	_ =	swait.ge [sflag:s31], $0x500  }
0x160: {  	[sflag:s31] =	ssyncset.done $0x0  }
0x161: {  	[sflag:s31] =	ssyncadd.s32 $0xFFFFFB00  }
0x162: {  	_ =	swait.ge [sflag:s31], $0x500  }
0x163: {  	[sflag:s31] =	ssyncset.done $0x0  }
0x164: {  	[sflag:s31] =	ssyncadd.s32 $0xFFFFFB00  }
0x165: {  	_ =	swait.ge [sflag:s31], $0x500  }
0x166: {  	[sflag:s31] =	ssyncset.done $0x0  }
0x167: {  	[sflag:s31] =	ssyncadd.s32 $0xFFFFFB00  }
0x168: {  	_ =	swait.ge [sflag:s31], $0x500  }
0x169: {  	[sflag:s31] =	ssyncset.done $0x0  }
0x16a: {  	[sflag:s31] =	ssyncadd.s32 $0xFFFFFB00  }
0x16b: {  	_ =	swait.ge [sflag:s31], $0x500  }
0x16c: {  	[sflag:s31] =	ssyncset.done $0x0  }
0x16d: {  	s17 =	simm.s32 $0x0;
	[sflag:s31] =	ssyncadd.s32 $0xFFFFFB00  }
0x16e: {  	v1 =	vld [tilespmem:s17+$0x7D0]  }
0x16f: {  	v2 =	vld [tilespmem:s17+$0x20D0];
	_ =	sdelay $0x4  }
0x170: {  	v1 =	vadd.f32 v2, v1;
	_ =	sdelay $0x1  }
0x171: {  	s19 =	simm.s32 $0x10;
	v2 =	vmul.f32 $2.000000030e-01, v1  }
0x172: {  	v3 =	vld [tilespmem:s19+$0x7D0];
	vm0 =	vge.f32 v1, $0.0e+00  }
0x173: {  	v4 =	vld [tilespmem:s19+$0x20D0];
	v1 =	vsel vm0, v1, v2  }
0x174: {  	s24 =	simm.s32 $0x20;
	v1 =	vmul.f32 $1.442695020e+00, v1  }
0x175: {  	v2 =	vld [tilespmem:s24+$0x7D0]  }
0x176: {  	(erf) = vpow2.f32 v1;
	v1 =	vld [tilespmem:s24+$0x20D0];
	_ =	sdelay $0x1  }
0x177: {  	v3 =	vadd.f32 v4, v3;
	_ =	sdelay $0x1  }
0x178: {  	v4 =	vmul.f32 $2.000000030e-01, v3  }
0x179: {  	vm14 =	vge.f32 v3, $0.0e+00;
	v5 =	vadd.f32 v1, v2  }
0x17a: {  	v1 =	vsel vm14, v3, v4  }
0x17b: {  	s5 =	simm.s32 $0x30;
	v2 =	vmul.f32 $1.442695020e+00, v1;
	v3 =	vmul.f32 $2.000000030e-01, v5  }
0x17c: {  	v1 =	vld [tilespmem:s5+$0x7D0]  }
0x17d: {  	(erf) = vpow2.f32 v2;
	v2 =	vld [tilespmem:s5+$0x20D0]  }
0x17e: {  	vm15 =	vge.f32 v5, $0.0e+00  }
0x17f: {  	s11 =	simm.s32 $0x100;
	v4 =	vsel vm15, v5, v3;
	v3 =	vpop (erf)  }
.LBB2_7:
0x180: {  	s13 =	sshra.s32 s11, $0x2  }
0x181: {  	v4 =	vmul.f32 $1.442695020e+00, v4;
	[tilespmem:s17+$0x39D0] =	vst v3;
	s17 =	smov.u32 s19;
	s19 =	smov.u32 s24;
	p2 =	sne.s32 s11, $0x63C0  }
.Ltmp6:
0x182: {  	s11 =	sadd.s32 $0x40, s11;
	v3 =	vadd.f32 v2, v1;
	v1 =	vld [tilespmem:s13+$0x7D0];
	(pc) =	sbr.rel @p2 .LBB2_7-.Ltmp6, $4  }
0x183: {  	s24 =	smov.u32 s5;
	s5 =	smov.u32 s13;
	v2 =	vld [tilespmem:s13+$0x20D0];
	(erf) = vpow2.f32 v4  }
0x184: {  	v4 =	vmul.f32 $2.000000030e-01, v3  }
0x185: {  	vm0 =	vge.f32 v3, $0.0e+00  }
0x186: {  	v4 =	vsel vm0, v3, v4;
	v3 =	vpop (erf)  }
0x187: {  	_ = 	snop  }
0x188: {  	v1 =	vadd.f32 v2, v1;
	_ =	sdelay $0x1  }
0x189: {  	v2 =	vmul.f32 $2.000000030e-01, v1  }
0x18a: {  	vm0 =	vge.f32 v1, $0.0e+00  }
0x18b: {  	v1 =	vsel vm0, v1, v2;
	v2 =	vmul.f32 $1.442695020e+00, v4  }
0x18c: {  	v1 =	vmul.f32 $1.442695020e+00, v1  }
0x18d: {  	(erf) = vpow2.f32 v2  }
0x18e: {  	(erf) = vpow2.f32 v1;
	_ =	sdelay $0x6  }
0x18f: {  	[tilespmem:s17+$0x39D0] =	vst v3;
	v1 =	vpop (erf)  }
0x190: {  	[tilespmem:s19+$0x39D0] =	vst v1;
	v1 =	vpop (erf)  }
0x191: {  	[tilespmem:s24+$0x39D0] =	vst v1;
	v1 =	vpop (erf)  }
0x192: {  	s13 =	simm.s32 $0x39D0;
	[tilespmem:s5+$0x39D0] =	vst v1  }
0x193: {  	[spmem:s4] =	stream.indirect.scatter.add.f32 [tilespmem:s13], [sflag:$0x1], $0x10, s29, s0, $0xb8;
	[tilespmem:$0x1D520] =	vst v63  }
0x194: {  	s17 =	simm.s32 $0x3ED0  }
0x195: {  	[spmem:s4] =	stream.indirect.scatter.add.f32 [tilespmem:s17], [sflag:$0x1], $0x10, s10, s0, $0xb8;
	[tilespmem:$0x1D520] =	vst v63  }
0x196: {  	s19 =	simm.s32 $0x43D0  }
0x197: {  	[spmem:s4] =	stream.indirect.scatter.add.f32 [tilespmem:s19], [sflag:$0x1], $0x10, s12, s0, $0xb8;
	[tilespmem:$0x1D520] =	vst v63  }
.Ltmp7:
0x198: {  	_ = 	snop;
	(pc) =	sbr.rel @p1 .LBB2_12-.Ltmp7, $4  }
0x199: {  	s24 =	simm.s32 $0x48D0  }
0x19a: {  	[spmem:s4] =	stream.indirect.scatter.add.f32 [tilespmem:s24], [sflag:$0x1], $0x10, s14, s0, $0xb8;
	[tilespmem:$0x1D520] =	vst v63  }
0x19b: {  	s11 =	simm.s32 $0x0;
	s17 =	simm.s32 $0x52F0  }
0x19c: {  	[spmem:s4] =	stream.indirect.scatter.add.f32 [tilespmem:s1], [sflag:$0x1], $0x10, s25, s0, $0xb8;
	[tilespmem:$0x1D520] =	vst v63  }
0x19d: {  	v1 =	vld [tilespmem:s17+$0xFFFFFFF0];
	s5 =	simm.s32 $0x40;
	s19 =	simm.s32 $0x52F0  }
.LBB2_10:
0x19e: {  	p2 =	seq.s32 s5, $0x63C0;
	v2 =	vld [tilespmem:s11+$0x39D0]  }
0x19f: {  	v3 =	vld [tilespmem:s17+$0x10]  }
0x1a0: {  	v4 =	vld [tilespmem:s17+$0xFFFFFFE0]  }
0x1a1: {  	v5 =	vld [tilespmem:s17+$0x0];
	_ =	sdelay $0x1  }
0x1a2: {  	v6 =	vbroadcast v2, $0x0;
	v7 =	vbroadcast v2, $0x1  }
0x1a3: {  	v8 =	vbroadcast v2, $0x2;
	v2 =	vbroadcast v2, $0x3  }
0x1a4: {  	v4 =	vmul.f32 v6, v4;
	v1 =	vmul.f32 v1, v7  }
.Ltmp8:
0x1a5: {  	v2 =	vmul.f32 v3, v2;
	v5 =	vmul.f32 v5, v8;
	(pc) =	sbr.rel @!p2 .LBB2_10-.Ltmp8, $4  }
0x1a6: {  	[tilespmem:s17+$0xFFFFFFE0] =	vst v4  }
0x1a7: {  	[tilespmem:s17+$0xFFFFFFF0] =	vst v1  }
0x1a8: {  	s17 =	sadd.s32 $0x40, s17;
	[tilespmem:s19+$0x0] =	vst v5  }
0x1a9: {  	s11 =	sshra.s32 s5, $0x2;
	s5 =	sadd.s32 $0x40, s5;
	v1 =	vld [tilespmem:s17+$0xFFFFFFF0];
	[tilespmem:s19+$0x10] =	vst v2;
	s19 =	smov.u32 s17  }
0x1aa: {  	v2 =	vld [tilespmem:s11+$0x39D0];
	_ =	sdelay $0x1  }
0x1ab: {  	v3 =	vld [tilespmem:s17+$0xFFFFFFE0];
	_ =	sdelay $0x1  }
0x1ac: {  	v4 =	vld [tilespmem:s17+$0x0]  }
0x1ad: {  	v5 =	vld [tilespmem:s17+$0x10];
	v6 =	vbroadcast v2, $0x0  }
0x1ae: {  	v7 =	vbroadcast v2, $0x1  }
0x1af: {  	v8 =	vbroadcast v2, $0x2;
	v3 =	vmul.f32 v6, v3  }
.Ltmp9:
0x1b0: {  	v2 =	vbroadcast v2, $0x3;
	v1 =	vmul.f32 v1, v7;
	(pc) =	sbr.rel .LBB2_15-.Ltmp9, $4  }
0x1b1: {  	v4 =	vmul.f32 v4, v8;
	[tilespmem:s17+$0xFFFFFFE0] =	vst v3  }
0x1b2: {  	v2 =	vmul.f32 v5, v2;
	[tilespmem:s17+$0xFFFFFFF0] =	vst v1  }
0x1b3: {  	[tilespmem:s19+$0x0] =	vst v4  }
0x1b4: {  	[tilespmem:s19+$0x10] =	vst v2  }
.LBB2_12:
0x1b5: {  	v1 =	vld [tilespmem:s17+$0xFFFFFFF0];
	s5 =	simm.s32 $0x40;
	s19 =	simm.s32 $0x52F0  }
.LBB2_13:
0x1b6: {  	p2 =	sne.s32 s5, $0x63C0;
	v2 =	vld [tilespmem:s11+$0x39D0]  }
0x1b7: {  	v3 =	vld [tilespmem:s17+$0x10]  }
0x1b8: {  	v4 =	vld [tilespmem:s17+$0xFFFFFFE0]  }
0x1b9: {  	v5 =	vld [tilespmem:s17+$0x0];
	_ =	sdelay $0x1  }
0x1ba: {  	v6 =	vbroadcast v2, $0x4;
	v7 =	vbroadcast v2, $0x5  }
0x1bb: {  	v8 =	vbroadcast v2, $0x6;
	v2 =	vbroadcast v2, $0x7  }
0x1bc: {  	v4 =	vmul.f32 v6, v4;
	v1 =	vmul.f32 v1, v7  }
.Ltmp10:
0x1bd: {  	v2 =	vmul.f32 v3, v2;
	v5 =	vmul.f32 v5, v8;
	(pc) =	sbr.rel @p2 .LBB2_13-.Ltmp10, $4  }
0x1be: {  	[tilespmem:s17+$0xFFFFFFE0] =	vst v4  }
0x1bf: {  	[tilespmem:s17+$0xFFFFFFF0] =	vst v1  }
0x1c0: {  	s17 =	sadd.s32 $0x40, s17;
	[tilespmem:s19+$0x0] =	vst v5  }
0x1c1: {  	s11 =	sshra.s32 s5, $0x2;
	s5 =	sadd.s32 $0x40, s5;
	v1 =	vld [tilespmem:s17+$0xFFFFFFF0];
	[tilespmem:s19+$0x10] =	vst v2;
	s19 =	smov.u32 s17  }
0x1c2: {  	v2 =	vld [tilespmem:s11+$0x39D0];
	_ =	sdelay $0x1  }
0x1c3: {  	v3 =	vld [tilespmem:s17+$0xFFFFFFE0];
	_ =	sdelay $0x1  }
0x1c4: {  	v4 =	vld [tilespmem:s17+$0x0]  }
0x1c5: {  	v5 =	vld [tilespmem:s17+$0x10];
	v6 =	vbroadcast v2, $0x4  }
0x1c6: {  	v7 =	vbroadcast v2, $0x5  }
0x1c7: {  	v8 =	vbroadcast v2, $0x6;
	v3 =	vmul.f32 v6, v3  }
.Ltmp11:
0x1c8: {  	v2 =	vbroadcast v2, $0x7;
	v1 =	vmul.f32 v1, v7;
	(pc) =	sbr.rel .LBB2_15-.Ltmp11, $4  }
0x1c9: {  	v4 =	vmul.f32 v4, v8;
	[tilespmem:s17+$0xFFFFFFE0] =	vst v3  }
0x1ca: {  	v2 =	vmul.f32 v5, v2;
	[tilespmem:s17+$0xFFFFFFF0] =	vst v1  }
0x1cb: {  	[tilespmem:s19+$0x0] =	vst v4  }
0x1cc: {  	[tilespmem:s19+$0x10] =	vst v2  }
.LBB2_17:
0x1cd: {  	_ =	sfence.sel $0x180000  }
0x1ce: {  	[bflag:$0x0] =	sbarrier.arrive $0xFFFF  }
0x1cf: {  	_ =	strace $0x9000004A  }
0x1d0: {  	s0 =	stileid.u32;
	[bflag:$0x2] =	sbarrier.arrive $0xFFFF  }
0x1d1: {  	p0 =	sne.s32 s0, $0x0;
	s0 =	rddreg [dreg:$0x5]  }
0x1d2: {  	s0 =	sadd.s32 @!p0 $0x100000, s0  }
0x1d3: {  	[sflag:s0] =	ssyncadd.tile.s32 @!p0 $0x1;
	_ =	shalt  }
.Lfunc_end2:
_tile_overlayer_lowered:
.L_overlay_start_2:
0x1d4: {  	(tag) =	ssettag $0x2  }
0x1d5: {  	s0 =	rddreg [dreg:$0x0];
	s2 =	stileid.u32  }
0x1d6: {  	s1 =	rddreg [dreg:$0x1];
	p0 =	sne.s32 s2, $0x0  }
0x1d7: {  	s3 =	rddreg [dreg:$0x2];
	[bflag:$0x3] =	sbarrier.arrive $0xFFFF;
	s2 =	simm.s32 @!p0 $0x1C02  }
0x1d8: {  	[timem:s3], [sflag:s2] =	dma.local @!p0 [hbm:s0], s1  }
0x1d9: {  	s0 =	simm.s32 @!p0 $0x2  }
0x1da: {  	_ =	swait.ge @!p0 [sflag:s0], s1  }
0x1db: {  	s1 =	ssub.s32 @!p0 $0x0, s1;
	[sflag:s0] =	ssyncset.done @!p0 $0x0  }
0x1dc: {  	[sflag:s0] =	ssyncadd.s32 @!p0 s1  }
0x1dd: {  	[bflag:$0x3] =	sbarrier.arrive $0xFFFF  }
0x1de: {  	_ =	shalt  }

</sc_bundles>
